<compile_context>
chip_gen: v7x
topology: tpu7x:2x2x1
jax: 0.10.2.dev20260603
libtpu: 0.0.44.dev20260713+nightly
codegen_flags: <defaults>
</compile_context>

<pallas_src>
import functools

import jax
import jax.numpy as jnp
from jax import lax
from jax.experimental import pallas as pl
from jax.experimental.pallas import tpu as pltpu
from jax.experimental.pallas import tpu_sc as plsc

VOCAB = 1000000
D_MODEL = 64
B = 16384
L = 50

_info = plsc.get_sparse_core_info()
NC = _info.num_cores
NS = _info.num_subcores
NW = NC * NS
ROWS_W = B // NW
BBLK = 128
NBLK = ROWS_W // BBLK
NSTEP = L * NBLK

_mesh = plsc.VectorSubcoreMesh(core_axis_name="c", subcore_axis_name="s")


@functools.partial(
    pl.kernel,
    mesh=_mesh,
    out_type=jax.ShapeDtypeStruct((L, D_MODEL // 8, B // BBLK, 8, BBLK), jnp.float32),
    scratch_types=[
        pltpu.VMEM((ROWS_W, L), jnp.int32),
        pltpu.VMEM((L, ROWS_W), jnp.int32),
        pltpu.VMEM((BBLK, D_MODEL), jnp.float32),
        pltpu.VMEM((BBLK, D_MODEL), jnp.float32),
        pltpu.VMEM((D_MODEL, BBLK + 1), jnp.float32),
        pltpu.VMEM((D_MODEL, BBLK + 1), jnp.float32),
        pltpu.SemaphoreType.DMA,
        pltpu.SemaphoreType.DMA,
        pltpu.SemaphoreType.DMA,
        pltpu.SemaphoreType.DMA,
    ],
    compiler_params=pltpu.CompilerParams(
        use_tc_tiling_on_sc=False, needs_layout_passes=False
    ),
)
def _sc_gather(x_hbm, table_hbm, out_hbm,
               idx_v, idxt_v, gb0, gb1, tb0, tb1, g0, g1, o0, o1):
    gbuf = (gb0, gb1)
    tbuf = (tb0, tb1)
    gsem = (g0, g1)
    osem = (o0, o1)
    wid = lax.axis_index("s") * NC + lax.axis_index("c")
    b0 = wid * ROWS_W
    iota = lax.iota(jnp.int32, 16)

    rows16 = [iota + 16 * k for k in range(ROWS_W // 16)]

    pltpu.sync_copy(x_hbm.at[pl.ds(pl.multiple_of(b0, 8), ROWS_W)], idx_v)

    def l_body(l, carry):
        col = jnp.full((16,), l, jnp.int32)
        for k in range(ROWS_W // 16):
            v = plsc.load_gather(idx_v, [rows16[k], col])
            idxt_v[l, pl.ds(16 * k, 16)] = v
        return carry

    lax.fori_loop(0, L, l_body, 0)

    def fire_gather(i, p):
        l = i // NBLK
        blk = i % NBLK
        pltpu.async_copy(
            table_hbm.at[idxt_v.at[l, pl.ds(blk * BBLK, BBLK)]],
            gbuf[p],
            gsem[p],
        )

    def wait_gather(p):
        pltpu.make_async_copy(
            table_hbm.at[pl.ds(0, BBLK)], gbuf[p], gsem[p]
        ).wait()

    def transpose_block(p):
        g = gbuf[p]
        t = tbuf[p]

        @plsc.parallel_loop(0, BBLK, unroll=8)
        def r_body(r):
            colr = jnp.full((16,), r, jnp.int32)
            for k2 in range(D_MODEL // 16):
                v = g[r, pl.ds(16 * k2, 16)]
                plsc.store_scatter(t, [rows16[k2], colr], v)

    def fire_out(i, p):
        l = i // NBLK
        blk = i % NBLK
        boff = pl.multiple_of(b0 + blk * BBLK, BBLK)
        bt = boff // BBLK
        for dt in range(D_MODEL // 8):
            pltpu.async_copy(
                tbuf[p].at[pl.ds(8 * dt, 8), pl.ds(0, BBLK)],
                out_hbm.at[l, dt, bt],
                osem[p],
            )

    def wait_out(p):
        pltpu.make_async_copy(
            out_hbm.at[0, 0, 0], tbuf[p].at[pl.ds(0, 8), pl.ds(0, BBLK)],
            osem[p],
        ).wait()

    fire_gather(0, 0)
    fire_gather(1, 1)

    def body(it, carry):
        for p in range(2):
            i = it * 2 + p
            wait_gather(p)

            @pl.when(i >= 2)
            def _():
                for _w in range(D_MODEL // 8):
                    wait_out(p)

            transpose_block(p)
            nxt = i + 2

            @pl.when(nxt < NSTEP)
            def _():
                fire_gather(nxt, p)

            fire_out(i, p)
        return carry

    lax.fori_loop(0, NSTEP // 2, body, 0)
    for _w in range(D_MODEL // 8):
        wait_out(0)
        wait_out(1)


def kernel(x, weight):
    o5 = _sc_gather(x.astype(jnp.int32), weight)
    out = o5.transpose(0, 1, 3, 2, 4).reshape(L, D_MODEL, B)
    return out.transpose(2, 0, 1)

# --- scband reference (transcript-rebuilt; emitter-appended) ---
"""Pipeline reference for scband-word-encoding-24824910971444 (READ-ONLY COPY).

The authoritative reference and input builder live on the scoring server;
editing this copy changes nothing except your own understanding.
"""

import jax, jax.numpy as jnp
import numpy as np

VOCAB = 1000000
D_MODEL = 64
B = 16384
L = 50

def setup_inputs(seed: int = 0) -> dict:
    key = jax.random.key(seed)
    k1, k2 = jax.random.split(key)
    x = jax.random.randint(k1, (B, L), 0, VOCAB, dtype=jnp.int64 if jax.config.jax_enable_x64 else jnp.int32)
    d = D_MODEL ** (-0.5)
    weight = jax.random.uniform(k2, (VOCAB, D_MODEL), dtype=jnp.float32, minval=-d, maxval=d)
    return {"x": x, "weight": weight}

def reference(x, weight):
    # nn.Embedding forward: gather rows of weight by index
    return jnp.take(weight, x, axis=0)

if __name__ == "__main__":
    import jax
    _d = setup_inputs()
    print(jax.jit(kernel)(*tuple(_d.values())))

</pallas_src>

<mosaic_0001>
#map = affine_map<(d0, d1) -> (0, 0)>
#map1 = affine_map<(d0, d1) -> (0, 0, 0, 0, 0)>
module attributes {stable_mosaic.version = 14 : i64} {
  func.func @_sc_gather(%arg0: i32, %arg1: i32, %arg2: memref<16384x50xi32, #tpu.memory_space<hbm>>, %arg3: memref<1000000x64xf32, #tpu.memory_space<hbm>>, %arg4: memref<50x8x128x8x128xf32, #tpu.memory_space<hbm>>, %arg5: memref<512x50xi32, #tpu.memory_space<vmem>>, %arg6: memref<50x512xi32, #tpu.memory_space<vmem>>, %arg7: memref<128x64xf32, #tpu.memory_space<vmem>>, %arg8: memref<128x64xf32, #tpu.memory_space<vmem>>, %arg9: memref<64x129xf32, #tpu.memory_space<vmem>>, %arg10: memref<64x129xf32, #tpu.memory_space<vmem>>, %arg11: memref<!tpu.dma_semaphore, #tpu.memory_space<semaphore_mem>>, %arg12: memref<!tpu.dma_semaphore, #tpu.memory_space<semaphore_mem>>, %arg13: memref<!tpu.dma_semaphore, #tpu.memory_space<semaphore_mem>>, %arg14: memref<!tpu.dma_semaphore, #tpu.memory_space<semaphore_mem>>) attributes {dimension_semantics = [#tpu.dimension_semantics<core_parallel>, #tpu.dimension_semantics<subcore_parallel>], iteration_bounds = array<i64: 2, 16>, scalar_prefetch = 0 : i64, scratch_operands = 10 : i64, tpu.core_type = #tpu.core_type<sc_vector_subcore>, window_params = [{transform_indices = #map}, {transform_indices = #map}, {transform_indices = #map1}]} {
    %mul3A = arith.constant 2 : i32
    %mul3A_0 = arith.muli %arg1, %mul3A : i32
    %add3A = arith.addi %mul3A_0, %arg0 : i32
    %mul3A_1 = arith.constant 512 : i32
    %mul3A_2 = arith.muli %add3A, %mul3A_1 : i32
    %iota3A = tpu.iota {dimensions = array<i32: 0>} : vector<16xi32>
    %add3A_3 = arith.constant 0 : i32
    %add3A_4 = vector.broadcast %add3A_3 : i32 to vector<16xi32>
    %add3A_5 = arith.addi %iota3A, %add3A_4 : vector<16xi32>
    %add3A_6 = arith.constant 16 : i32
    %add3A_7 = vector.broadcast %add3A_6 : i32 to vector<16xi32>
    %add3A_8 = arith.addi %iota3A, %add3A_7 : vector<16xi32>
    %add3A_9 = arith.constant 32 : i32
    %add3A_10 = vector.broadcast %add3A_9 : i32 to vector<16xi32>
    %add3A_11 = arith.addi %iota3A, %add3A_10 : vector<16xi32>
    %add3A_12 = arith.constant 48 : i32
    %add3A_13 = vector.broadcast %add3A_12 : i32 to vector<16xi32>
    %add3A_14 = arith.addi %iota3A, %add3A_13 : vector<16xi32>
    %add3A_15 = arith.constant 64 : i32
    %add3A_16 = vector.broadcast %add3A_15 : i32 to vector<16xi32>
    %add3A_17 = arith.addi %iota3A, %add3A_16 : vector<16xi32>
    %add3A_18 = arith.constant 80 : i32
    %add3A_19 = vector.broadcast %add3A_18 : i32 to vector<16xi32>
    %add3A_20 = arith.addi %iota3A, %add3A_19 : vector<16xi32>
    %add3A_21 = arith.constant 96 : i32
    %add3A_22 = vector.broadcast %add3A_21 : i32 to vector<16xi32>
    %add3A_23 = arith.addi %iota3A, %add3A_22 : vector<16xi32>
    %add3A_24 = arith.constant 112 : i32
    %add3A_25 = vector.broadcast %add3A_24 : i32 to vector<16xi32>
    %add3A_26 = arith.addi %iota3A, %add3A_25 : vector<16xi32>
    %add3A_27 = arith.constant 128 : i32
    %add3A_28 = vector.broadcast %add3A_27 : i32 to vector<16xi32>
    %add3A_29 = arith.addi %iota3A, %add3A_28 : vector<16xi32>
    %add3A_30 = arith.constant 144 : i32
    %add3A_31 = vector.broadcast %add3A_30 : i32 to vector<16xi32>
    %add3A_32 = arith.addi %iota3A, %add3A_31 : vector<16xi32>
    %add3A_33 = arith.constant 160 : i32
    %add3A_34 = vector.broadcast %add3A_33 : i32 to vector<16xi32>
    %add3A_35 = arith.addi %iota3A, %add3A_34 : vector<16xi32>
    %add3A_36 = arith.constant 176 : i32
    %add3A_37 = vector.broadcast %add3A_36 : i32 to vector<16xi32>
    %add3A_38 = arith.addi %iota3A, %add3A_37 : vector<16xi32>
    %add3A_39 = arith.constant 192 : i32
    %add3A_40 = vector.broadcast %add3A_39 : i32 to vector<16xi32>
    %add3A_41 = arith.addi %iota3A, %add3A_40 : vector<16xi32>
    %add3A_42 = arith.constant 208 : i32
    %add3A_43 = vector.broadcast %add3A_42 : i32 to vector<16xi32>
    %add3A_44 = arith.addi %iota3A, %add3A_43 : vector<16xi32>
    %add3A_45 = arith.constant 224 : i32
    %add3A_46 = vector.broadcast %add3A_45 : i32 to vector<16xi32>
    %add3A_47 = arith.addi %iota3A, %add3A_46 : vector<16xi32>
    %add3A_48 = arith.constant 240 : i32
    %add3A_49 = vector.broadcast %add3A_48 : i32 to vector<16xi32>
    %add3A_50 = arith.addi %iota3A, %add3A_49 : vector<16xi32>
    %add3A_51 = arith.constant 256 : i32
    %add3A_52 = vector.broadcast %add3A_51 : i32 to vector<16xi32>
    %add3A_53 = arith.addi %iota3A, %add3A_52 : vector<16xi32>
    %add3A_54 = arith.constant 272 : i32
    %add3A_55 = vector.broadcast %add3A_54 : i32 to vector<16xi32>
    %add3A_56 = arith.addi %iota3A, %add3A_55 : vector<16xi32>
    %add3A_57 = arith.constant 288 : i32
    %add3A_58 = vector.broadcast %add3A_57 : i32 to vector<16xi32>
    %add3A_59 = arith.addi %iota3A, %add3A_58 : vector<16xi32>
    %add3A_60 = arith.constant 304 : i32
    %add3A_61 = vector.broadcast %add3A_60 : i32 to vector<16xi32>
    %add3A_62 = arith.addi %iota3A, %add3A_61 : vector<16xi32>
    %add3A_63 = arith.constant 320 : i32
    %add3A_64 = vector.broadcast %add3A_63 : i32 to vector<16xi32>
    %add3A_65 = arith.addi %iota3A, %add3A_64 : vector<16xi32>
    %add3A_66 = arith.constant 336 : i32
    %add3A_67 = vector.broadcast %add3A_66 : i32 to vector<16xi32>
    %add3A_68 = arith.addi %iota3A, %add3A_67 : vector<16xi32>
    %add3A_69 = arith.constant 352 : i32
    %add3A_70 = vector.broadcast %add3A_69 : i32 to vector<16xi32>
    %add3A_71 = arith.addi %iota3A, %add3A_70 : vector<16xi32>
    %add3A_72 = arith.constant 368 : i32
    %add3A_73 = vector.broadcast %add3A_72 : i32 to vector<16xi32>
    %add3A_74 = arith.addi %iota3A, %add3A_73 : vector<16xi32>
    %add3A_75 = arith.constant 384 : i32
    %add3A_76 = vector.broadcast %add3A_75 : i32 to vector<16xi32>
    %add3A_77 = arith.addi %iota3A, %add3A_76 : vector<16xi32>
    %add3A_78 = arith.constant 400 : i32
    %add3A_79 = vector.broadcast %add3A_78 : i32 to vector<16xi32>
    %add3A_80 = arith.addi %iota3A, %add3A_79 : vector<16xi32>
    %add3A_81 = arith.constant 416 : i32
    %add3A_82 = vector.broadcast %add3A_81 : i32 to vector<16xi32>
    %add3A_83 = arith.addi %iota3A, %add3A_82 : vector<16xi32>
    %add3A_84 = arith.constant 432 : i32
    %add3A_85 = vector.broadcast %add3A_84 : i32 to vector<16xi32>
    %add3A_86 = arith.addi %iota3A, %add3A_85 : vector<16xi32>
    %add3A_87 = arith.constant 448 : i32
    %add3A_88 = vector.broadcast %add3A_87 : i32 to vector<16xi32>
    %add3A_89 = arith.addi %iota3A, %add3A_88 : vector<16xi32>
    %add3A_90 = arith.constant 464 : i32
    %add3A_91 = vector.broadcast %add3A_90 : i32 to vector<16xi32>
    %add3A_92 = arith.addi %iota3A, %add3A_91 : vector<16xi32>
    %add3A_93 = arith.constant 480 : i32
    %add3A_94 = vector.broadcast %add3A_93 : i32 to vector<16xi32>
    %add3A_95 = arith.addi %iota3A, %add3A_94 : vector<16xi32>
    %add3A_96 = arith.constant 496 : i32
    %add3A_97 = vector.broadcast %add3A_96 : i32 to vector<16xi32>
    %add3A_98 = arith.addi %iota3A, %add3A_97 : vector<16xi32>
    %multiple_of3A = tpu.assume_multiple %mul3A_2, 8 : i32
    "tpu.region"() ({
      %run_scoped3A = tpu.sem_alloc : memref<!tpu.dma_semaphore, #tpu.memory_space<semaphore_mem>>
      %dma_start3A_394 = arith.constant 0 : i32
      %dma_start3A_395 = tpu.memref_slice %arg2[%multiple_of3A, %dma_start3A_394] : memref<16384x50xi32, #tpu.memory_space<hbm>> -> memref<512x50xi32, #tpu.memory_space<hbm>>
      %dma_start3A_396 = arith.constant 0 : i32
      %dma_start3A_397 = tpu.memref_slice %arg2[%multiple_of3A, %dma_start3A_396] : memref<16384x50xi32, #tpu.memory_space<hbm>> -> memref<512x50xi32, #tpu.memory_space<hbm>>
      tpu.enqueue_dma source(%dma_start3A_397 : memref<512x50xi32, #tpu.memory_space<hbm>>) target(%arg5 : memref<512x50xi32, #tpu.memory_space<vmem>>) target_semaphore(%run_scoped3A : memref<!tpu.dma_semaphore, #tpu.memory_space<semaphore_mem>>)
      %dma_wait3A_398 = arith.constant 0 : i32
      %dma_wait3A_399 = tpu.memref_slice %arg2[%multiple_of3A, %dma_wait3A_398] : memref<16384x50xi32, #tpu.memory_space<hbm>> -> memref<512x50xi32, #tpu.memory_space<hbm>>
      %dma_wait3A_400 = arith.constant 0 : i32
      %dma_wait3A_401 = tpu.memref_slice %arg2[%multiple_of3A, %dma_wait3A_400] : memref<16384x50xi32, #tpu.memory_space<hbm>> -> memref<512x50xi32, #tpu.memory_space<hbm>>
      tpu.wait_dma2 semaphore(%run_scoped3A : memref<!tpu.dma_semaphore, #tpu.memory_space<semaphore_mem>>) src(%dma_wait3A_401 : memref<512x50xi32, #tpu.memory_space<hbm>>) dst(%arg5 : memref<512x50xi32, #tpu.memory_space<vmem>>)
      tpu.yield
    }) : () -> ()
    %scan3A = arith.constant 0 : i32
    %scan3A_99 = arith.constant 0 : i32
    %scan3A_100 = arith.constant 50 : i32
    %scan3A_101 = arith.addi %scan3A_99, %scan3A_100 : i32
    %scan3A_102 = arith.constant 1 : i32
    scf.for %scan3A_394 = %scan3A_99 to %scan3A_101 step %scan3A_102  : i32 {
      %broadcast_in_dim3A = vector.broadcast %scan3A_394 : i32 to vector<16xi32>
      %gather3A = tpu.vector_load_idx %arg5[%add3A_5, %broadcast_in_dim3A] : memref<512x50xi32, #tpu.memory_space<vmem>>[vector<16xi32>, vector<16xi32>], vector<16xi32>,
      %swap3A = arith.index_cast %scan3A_394 : i32 to index
      %swap3A_395 = arith.constant 0 : index
      %swap3A_396 = tpu.vector_load %arg6[%swap3A, %swap3A_395] {strides = array<i32>} : memref<50x512xi32, #tpu.memory_space<vmem>>, vector<16xi32>,
      tpu.vector_store %arg6[%swap3A, %swap3A_395], %gather3A {strides = array<i32>} : memref<50x512xi32, #tpu.memory_space<vmem>>, vector<16xi32>,
      %gather3A_397 = tpu.vector_load_idx %arg5[%add3A_8, %broadcast_in_dim3A] : memref<512x50xi32, #tpu.memory_space<vmem>>[vector<16xi32>, vector<16xi32>], vector<16xi32>,
      %swap3A_398 = arith.index_cast %scan3A_394 : i32 to index
      %swap3A_399 = arith.constant 16 : index
      %swap3A_400 = tpu.vector_load %arg6[%swap3A_398, %swap3A_399] {strides = array<i32>} : memref<50x512xi32, #tpu.memory_space<vmem>>, vector<16xi32>,
      tpu.vector_store %arg6[%swap3A_398, %swap3A_399], %gather3A_397 {strides = array<i32>} : memref<50x512xi32, #tpu.memory_space<vmem>>, vector<16xi32>,
      %gather3A_401 = tpu.vector_load_idx %arg5[%add3A_11, %broadcast_in_dim3A] : memref<512x50xi32, #tpu.memory_space<vmem>>[vector<16xi32>, vector<16xi32>], vector<16xi32>,
      %swap3A_402 = arith.index_cast %scan3A_394 : i32 to index
      %swap3A_403 = arith.constant 32 : index
      %swap3A_404 = tpu.vector_load %arg6[%swap3A_402, %swap3A_403] {strides = array<i32>} : memref<50x512xi32, #tpu.memory_space<vmem>>, vector<16xi32>,
      tpu.vector_store %arg6[%swap3A_402, %swap3A_403], %gather3A_401 {strides = array<i32>} : memref<50x512xi32, #tpu.memory_space<vmem>>, vector<16xi32>,
      %gather3A_405 = tpu.vector_load_idx %arg5[%add3A_14, %broadcast_in_dim3A] : memref<512x50xi32, #tpu.memory_space<vmem>>[vector<16xi32>, vector<16xi32>], vector<16xi32>,
      %swap3A_406 = arith.index_cast %scan3A_394 : i32 to index
      %swap3A_407 = arith.constant 48 : index
      %swap3A_408 = tpu.vector_load %arg6[%swap3A_406, %swap3A_407] {strides = array<i32>} : memref<50x512xi32, #tpu.memory_space<vmem>>, vector<16xi32>,
      tpu.vector_store %arg6[%swap3A_406, %swap3A_407], %gather3A_405 {strides = array<i32>} : memref<50x512xi32, #tpu.memory_space<vmem>>, vector<16xi32>,
      %gather3A_409 = tpu.vector_load_idx %arg5[%add3A_17, %broadcast_in_dim3A] : memref<512x50xi32, #tpu.memory_space<vmem>>[vector<16xi32>, vector<16xi32>], vector<16xi32>,
      %swap3A_410 = arith.index_cast %scan3A_394 : i32 to index
      %swap3A_411 = arith.constant 64 : index
      %swap3A_412 = tpu.vector_load %arg6[%swap3A_410, %swap3A_411] {strides = array<i32>} : memref<50x512xi32, #tpu.memory_space<vmem>>, vector<16xi32>,
      tpu.vector_store %arg6[%swap3A_410, %swap3A_411], %gather3A_409 {strides = array<i32>} : memref<50x512xi32, #tpu.memory_space<vmem>>, vector<16xi32>,
      %gather3A_413 = tpu.vector_load_idx %arg5[%add3A_20, %broadcast_in_dim3A] : memref<512x50xi32, #tpu.memory_space<vmem>>[vector<16xi32>, vector<16xi32>], vector<16xi32>,
      %swap3A_414 = arith.index_cast %scan3A_394 : i32 to index
      %swap3A_415 = arith.constant 80 : index
      %swap3A_416 = tpu.vector_load %arg6[%swap3A_414, %swap3A_415] {strides = array<i32>} : memref<50x512xi32, #tpu.memory_space<vmem>>, vector<16xi32>,
      tpu.vector_store %arg6[%swap3A_414, %swap3A_415], %gather3A_413 {strides = array<i32>} : memref<50x512xi32, #tpu.memory_space<vmem>>, vector<16xi32>,
      %gather3A_417 = tpu.vector_load_idx %arg5[%add3A_23, %broadcast_in_dim3A] : memref<512x50xi32, #tpu.memory_space<vmem>>[vector<16xi32>, vector<16xi32>], vector<16xi32>,
      %swap3A_418 = arith.index_cast %scan3A_394 : i32 to index
      %swap3A_419 = arith.constant 96 : index
      %swap3A_420 = tpu.vector_load %arg6[%swap3A_418, %swap3A_419] {strides = array<i32>} : memref<50x512xi32, #tpu.memory_space<vmem>>, vector<16xi32>,
      tpu.vector_store %arg6[%swap3A_418, %swap3A_419], %gather3A_417 {strides = array<i32>} : memref<50x512xi32, #tpu.memory_space<vmem>>, vector<16xi32>,
      %gather3A_421 = tpu.vector_load_idx %arg5[%add3A_26, %broadcast_in_dim3A] : memref<512x50xi32, #tpu.memory_space<vmem>>[vector<16xi32>, vector<16xi32>], vector<16xi32>,
      %swap3A_422 = arith.index_cast %scan3A_394 : i32 to index
      %swap3A_423 = arith.constant 112 : index
      %swap3A_424 = tpu.vector_load %arg6[%swap3A_422, %swap3A_423] {strides = array<i32>} : memref<50x512xi32, #tpu.memory_space<vmem>>, vector<16xi32>,
      tpu.vector_store %arg6[%swap3A_422, %swap3A_423], %gather3A_421 {strides = array<i32>} : memref<50x512xi32, #tpu.memory_space<vmem>>, vector<16xi32>,
      %gather3A_425 = tpu.vector_load_idx %arg5[%add3A_29, %broadcast_in_dim3A] : memref<512x50xi32, #tpu.memory_space<vmem>>[vector<16xi32>, vector<16xi32>], vector<16xi32>,
      %swap3A_426 = arith.index_cast %scan3A_394 : i32 to index
      %swap3A_427 = arith.constant 128 : index
      %swap3A_428 = tpu.vector_load %arg6[%swap3A_426, %swap3A_427] {strides = array<i32>} : memref<50x512xi32, #tpu.memory_space<vmem>>, vector<16xi32>,
      tpu.vector_store %arg6[%swap3A_426, %swap3A_427], %gather3A_425 {strides = array<i32>} : memref<50x512xi32, #tpu.memory_space<vmem>>, vector<16xi32>,
      %gather3A_429 = tpu.vector_load_idx %arg5[%add3A_32, %broadcast_in_dim3A] : memref<512x50xi32, #tpu.memory_space<vmem>>[vector<16xi32>, vector<16xi32>], vector<16xi32>,
      %swap3A_430 = arith.index_cast %scan3A_394 : i32 to index
      %swap3A_431 = arith.constant 144 : index
      %swap3A_432 = tpu.vector_load %arg6[%swap3A_430, %swap3A_431] {strides = array<i32>} : memref<50x512xi32, #tpu.memory_space<vmem>>, vector<16xi32>,
      tpu.vector_store %arg6[%swap3A_430, %swap3A_431], %gather3A_429 {strides = array<i32>} : memref<50x512xi32, #tpu.memory_space<vmem>>, vector<16xi32>,
      %gather3A_433 = tpu.vector_load_idx %arg5[%add3A_35, %broadcast_in_dim3A] : memref<512x50xi32, #tpu.memory_space<vmem>>[vector<16xi32>, vector<16xi32>], vector<16xi32>,
      %swap3A_434 = arith.index_cast %scan3A_394 : i32 to index
      %swap3A_435 = arith.constant 160 : index
      %swap3A_436 = tpu.vector_load %arg6[%swap3A_434, %swap3A_435] {strides = array<i32>} : memref<50x512xi32, #tpu.memory_space<vmem>>, vector<16xi32>,
      tpu.vector_store %arg6[%swap3A_434, %swap3A_435], %gather3A_433 {strides = array<i32>} : memref<50x512xi32, #tpu.memory_space<vmem>>, vector<16xi32>,
      %gather3A_437 = tpu.vector_load_idx %arg5[%add3A_38, %broadcast_in_dim3A] : memref<512x50xi32, #tpu.memory_space<vmem>>[vector<16xi32>, vector<16xi32>], vector<16xi32>,
      %swap3A_438 = arith.index_cast %scan3A_394 : i32 to index
      %swap3A_439 = arith.constant 176 : index
      %swap3A_440 = tpu.vector_load %arg6[%swap3A_438, %swap3A_439] {strides = array<i32>} : memref<50x512xi32, #tpu.memory_space<vmem>>, vector<16xi32>,
      tpu.vector_store %arg6[%swap3A_438, %swap3A_439], %gather3A_437 {strides = array<i32>} : memref<50x512xi32, #tpu.memory_space<vmem>>, vector<16xi32>,
      %gather3A_441 = tpu.vector_load_idx %arg5[%add3A_41, %broadcast_in_dim3A] : memref<512x50xi32, #tpu.memory_space<vmem>>[vector<16xi32>, vector<16xi32>], vector<16xi32>,
      %swap3A_442 = arith.index_cast %scan3A_394 : i32 to index
      %swap3A_443 = arith.constant 192 : index
      %swap3A_444 = tpu.vector_load %arg6[%swap3A_442, %swap3A_443] {strides = array<i32>} : memref<50x512xi32, #tpu.memory_space<vmem>>, vector<16xi32>,
      tpu.vector_store %arg6[%swap3A_442, %swap3A_443], %gather3A_441 {strides = array<i32>} : memref<50x512xi32, #tpu.memory_space<vmem>>, vector<16xi32>,
      %gather3A_445 = tpu.vector_load_idx %arg5[%add3A_44, %broadcast_in_dim3A] : memref<512x50xi32, #tpu.memory_space<vmem>>[vector<16xi32>, vector<16xi32>], vector<16xi32>,
      %swap3A_446 = arith.index_cast %scan3A_394 : i32 to index
      %swap3A_447 = arith.constant 208 : index
      %swap3A_448 = tpu.vector_load %arg6[%swap3A_446, %swap3A_447] {strides = array<i32>} : memref<50x512xi32, #tpu.memory_space<vmem>>, vector<16xi32>,
      tpu.vector_store %arg6[%swap3A_446, %swap3A_447], %gather3A_445 {strides = array<i32>} : memref<50x512xi32, #tpu.memory_space<vmem>>, vector<16xi32>,
      %gather3A_449 = tpu.vector_load_idx %arg5[%add3A_47, %broadcast_in_dim3A] : memref<512x50xi32, #tpu.memory_space<vmem>>[vector<16xi32>, vector<16xi32>], vector<16xi32>,
      %swap3A_450 = arith.index_cast %scan3A_394 : i32 to index
      %swap3A_451 = arith.constant 224 : index
      %swap3A_452 = tpu.vector_load %arg6[%swap3A_450, %swap3A_451] {strides = array<i32>} : memref<50x512xi32, #tpu.memory_space<vmem>>, vector<16xi32>,
      tpu.vector_store %arg6[%swap3A_450, %swap3A_451], %gather3A_449 {strides = array<i32>} : memref<50x512xi32, #tpu.memory_space<vmem>>, vector<16xi32>,
      %gather3A_453 = tpu.vector_load_idx %arg5[%add3A_50, %broadcast_in_dim3A] : memref<512x50xi32, #tpu.memory_space<vmem>>[vector<16xi32>, vector<16xi32>], vector<16xi32>,
      %swap3A_454 = arith.index_cast %scan3A_394 : i32 to index
      %swap3A_455 = arith.constant 240 : index
      %swap3A_456 = tpu.vector_load %arg6[%swap3A_454, %swap3A_455] {strides = array<i32>} : memref<50x512xi32, #tpu.memory_space<vmem>>, vector<16xi32>,
      tpu.vector_store %arg6[%swap3A_454, %swap3A_455], %gather3A_453 {strides = array<i32>} : memref<50x512xi32, #tpu.memory_space<vmem>>, vector<16xi32>,
      %gather3A_457 = tpu.vector_load_idx %arg5[%add3A_53, %broadcast_in_dim3A] : memref<512x50xi32, #tpu.memory_space<vmem>>[vector<16xi32>, vector<16xi32>], vector<16xi32>,
      %swap3A_458 = arith.index_cast %scan3A_394 : i32 to index
      %swap3A_459 = arith.constant 256 : index
      %swap3A_460 = tpu.vector_load %arg6[%swap3A_458, %swap3A_459] {strides = array<i32>} : memref<50x512xi32, #tpu.memory_space<vmem>>, vector<16xi32>,
      tpu.vector_store %arg6[%swap3A_458, %swap3A_459], %gather3A_457 {strides = array<i32>} : memref<50x512xi32, #tpu.memory_space<vmem>>, vector<16xi32>,
      %gather3A_461 = tpu.vector_load_idx %arg5[%add3A_56, %broadcast_in_dim3A] : memref<512x50xi32, #tpu.memory_space<vmem>>[vector<16xi32>, vector<16xi32>], vector<16xi32>,
      %swap3A_462 = arith.index_cast %scan3A_394 : i32 to index
      %swap3A_463 = arith.constant 272 : index
      %swap3A_464 = tpu.vector_load %arg6[%swap3A_462, %swap3A_463] {strides = array<i32>} : memref<50x512xi32, #tpu.memory_space<vmem>>, vector<16xi32>,
      tpu.vector_store %arg6[%swap3A_462, %swap3A_463], %gather3A_461 {strides = array<i32>} : memref<50x512xi32, #tpu.memory_space<vmem>>, vector<16xi32>,
      %gather3A_465 = tpu.vector_load_idx %arg5[%add3A_59, %broadcast_in_dim3A] : memref<512x50xi32, #tpu.memory_space<vmem>>[vector<16xi32>, vector<16xi32>], vector<16xi32>,
      %swap3A_466 = arith.index_cast %scan3A_394 : i32 to index
      %swap3A_467 = arith.constant 288 : index
      %swap3A_468 = tpu.vector_load %arg6[%swap3A_466, %swap3A_467] {strides = array<i32>} : memref<50x512xi32, #tpu.memory_space<vmem>>, vector<16xi32>,
      tpu.vector_store %arg6[%swap3A_466, %swap3A_467], %gather3A_465 {strides = array<i32>} : memref<50x512xi32, #tpu.memory_space<vmem>>, vector<16xi32>,
      %gather3A_469 = tpu.vector_load_idx %arg5[%add3A_62, %broadcast_in_dim3A] : memref<512x50xi32, #tpu.memory_space<vmem>>[vector<16xi32>, vector<16xi32>], vector<16xi32>,
      %swap3A_470 = arith.index_cast %scan3A_394 : i32 to index
      %swap3A_471 = arith.constant 304 : index
      %swap3A_472 = tpu.vector_load %arg6[%swap3A_470, %swap3A_471] {strides = array<i32>} : memref<50x512xi32, #tpu.memory_space<vmem>>, vector<16xi32>,
      tpu.vector_store %arg6[%swap3A_470, %swap3A_471], %gather3A_469 {strides = array<i32>} : memref<50x512xi32, #tpu.memory_space<vmem>>, vector<16xi32>,
      %gather3A_473 = tpu.vector_load_idx %arg5[%add3A_65, %broadcast_in_dim3A] : memref<512x50xi32, #tpu.memory_space<vmem>>[vector<16xi32>, vector<16xi32>], vector<16xi32>,
      %swap3A_474 = arith.index_cast %scan3A_394 : i32 to index
      %swap3A_475 = arith.constant 320 : index
      %swap3A_476 = tpu.vector_load %arg6[%swap3A_474, %swap3A_475] {strides = array<i32>} : memref<50x512xi32, #tpu.memory_space<vmem>>, vector<16xi32>,
      tpu.vector_store %arg6[%swap3A_474, %swap3A_475], %gather3A_473 {strides = array<i32>} : memref<50x512xi32, #tpu.memory_space<vmem>>, vector<16xi32>,
      %gather3A_477 = tpu.vector_load_idx %arg5[%add3A_68, %broadcast_in_dim3A] : memref<512x50xi32, #tpu.memory_space<vmem>>[vector<16xi32>, vector<16xi32>], vector<16xi32>,
      %swap3A_478 = arith.index_cast %scan3A_394 : i32 to index
      %swap3A_479 = arith.constant 336 : index
      %swap3A_480 = tpu.vector_load %arg6[%swap3A_478, %swap3A_479] {strides = array<i32>} : memref<50x512xi32, #tpu.memory_space<vmem>>, vector<16xi32>,
      tpu.vector_store %arg6[%swap3A_478, %swap3A_479], %gather3A_477 {strides = array<i32>} : memref<50x512xi32, #tpu.memory_space<vmem>>, vector<16xi32>,
      %gather3A_481 = tpu.vector_load_idx %arg5[%add3A_71, %broadcast_in_dim3A] : memref<512x50xi32, #tpu.memory_space<vmem>>[vector<16xi32>, vector<16xi32>], vector<16xi32>,
      %swap3A_482 = arith.index_cast %scan3A_394 : i32 to index
      %swap3A_483 = arith.constant 352 : index
      %swap3A_484 = tpu.vector_load %arg6[%swap3A_482, %swap3A_483] {strides = array<i32>} : memref<50x512xi32, #tpu.memory_space<vmem>>, vector<16xi32>,
      tpu.vector_store %arg6[%swap3A_482, %swap3A_483], %gather3A_481 {strides = array<i32>} : memref<50x512xi32, #tpu.memory_space<vmem>>, vector<16xi32>,
      %gather3A_485 = tpu.vector_load_idx %arg5[%add3A_74, %broadcast_in_dim3A] : memref<512x50xi32, #tpu.memory_space<vmem>>[vector<16xi32>, vector<16xi32>], vector<16xi32>,
      %swap3A_486 = arith.index_cast %scan3A_394 : i32 to index
      %swap3A_487 = arith.constant 368 : index
      %swap3A_488 = tpu.vector_load %arg6[%swap3A_486, %swap3A_487] {strides = array<i32>} : memref<50x512xi32, #tpu.memory_space<vmem>>, vector<16xi32>,
      tpu.vector_store %arg6[%swap3A_486, %swap3A_487], %gather3A_485 {strides = array<i32>} : memref<50x512xi32, #tpu.memory_space<vmem>>, vector<16xi32>,
      %gather3A_489 = tpu.vector_load_idx %arg5[%add3A_77, %broadcast_in_dim3A] : memref<512x50xi32, #tpu.memory_space<vmem>>[vector<16xi32>, vector<16xi32>], vector<16xi32>,
      %swap3A_490 = arith.index_cast %scan3A_394 : i32 to index
      %swap3A_491 = arith.constant 384 : index
      %swap3A_492 = tpu.vector_load %arg6[%swap3A_490, %swap3A_491] {strides = array<i32>} : memref<50x512xi32, #tpu.memory_space<vmem>>, vector<16xi32>,
      tpu.vector_store %arg6[%swap3A_490, %swap3A_491], %gather3A_489 {strides = array<i32>} : memref<50x512xi32, #tpu.memory_space<vmem>>, vector<16xi32>,
      %gather3A_493 = tpu.vector_load_idx %arg5[%add3A_80, %broadcast_in_dim3A] : memref<512x50xi32, #tpu.memory_space<vmem>>[vector<16xi32>, vector<16xi32>], vector<16xi32>,
      %swap3A_494 = arith.index_cast %scan3A_394 : i32 to index
      %swap3A_495 = arith.constant 400 : index
      %swap3A_496 = tpu.vector_load %arg6[%swap3A_494, %swap3A_495] {strides = array<i32>} : memref<50x512xi32, #tpu.memory_space<vmem>>, vector<16xi32>,
      tpu.vector_store %arg6[%swap3A_494, %swap3A_495], %gather3A_493 {strides = array<i32>} : memref<50x512xi32, #tpu.memory_space<vmem>>, vector<16xi32>,
      %gather3A_497 = tpu.vector_load_idx %arg5[%add3A_83, %broadcast_in_dim3A] : memref<512x50xi32, #tpu.memory_space<vmem>>[vector<16xi32>, vector<16xi32>], vector<16xi32>,
      %swap3A_498 = arith.index_cast %scan3A_394 : i32 to index
      %swap3A_499 = arith.constant 416 : index
      %swap3A_500 = tpu.vector_load %arg6[%swap3A_498, %swap3A_499] {strides = array<i32>} : memref<50x512xi32, #tpu.memory_space<vmem>>, vector<16xi32>,
      tpu.vector_store %arg6[%swap3A_498, %swap3A_499], %gather3A_497 {strides = array<i32>} : memref<50x512xi32, #tpu.memory_space<vmem>>, vector<16xi32>,
      %gather3A_501 = tpu.vector_load_idx %arg5[%add3A_86, %broadcast_in_dim3A] : memref<512x50xi32, #tpu.memory_space<vmem>>[vector<16xi32>, vector<16xi32>], vector<16xi32>,
      %swap3A_502 = arith.index_cast %scan3A_394 : i32 to index
      %swap3A_503 = arith.constant 432 : index
      %swap3A_504 = tpu.vector_load %arg6[%swap3A_502, %swap3A_503] {strides = array<i32>} : memref<50x512xi32, #tpu.memory_space<vmem>>, vector<16xi32>,
      tpu.vector_store %arg6[%swap3A_502, %swap3A_503], %gather3A_501 {strides = array<i32>} : memref<50x512xi32, #tpu.memory_space<vmem>>, vector<16xi32>,
      %gather3A_505 = tpu.vector_load_idx %arg5[%add3A_89, %broadcast_in_dim3A] : memref<512x50xi32, #tpu.memory_space<vmem>>[vector<16xi32>, vector<16xi32>], vector<16xi32>,
      %swap3A_506 = arith.index_cast %scan3A_394 : i32 to index
      %swap3A_507 = arith.constant 448 : index
      %swap3A_508 = tpu.vector_load %arg6[%swap3A_506, %swap3A_507] {strides = array<i32>} : memref<50x512xi32, #tpu.memory_space<vmem>>, vector<16xi32>,
      tpu.vector_store %arg6[%swap3A_506, %swap3A_507], %gather3A_505 {strides = array<i32>} : memref<50x512xi32, #tpu.memory_space<vmem>>, vector<16xi32>,
      %gather3A_509 = tpu.vector_load_idx %arg5[%add3A_92, %broadcast_in_dim3A] : memref<512x50xi32, #tpu.memory_space<vmem>>[vector<16xi32>, vector<16xi32>], vector<16xi32>,
      %swap3A_510 = arith.index_cast %scan3A_394 : i32 to index
      %swap3A_511 = arith.constant 464 : index
      %swap3A_512 = tpu.vector_load %arg6[%swap3A_510, %swap3A_511] {strides = array<i32>} : memref<50x512xi32, #tpu.memory_space<vmem>>, vector<16xi32>,
      tpu.vector_store %arg6[%swap3A_510, %swap3A_511], %gather3A_509 {strides = array<i32>} : memref<50x512xi32, #tpu.memory_space<vmem>>, vector<16xi32>,
      %gather3A_513 = tpu.vector_load_idx %arg5[%add3A_95, %broadcast_in_dim3A] : memref<512x50xi32, #tpu.memory_space<vmem>>[vector<16xi32>, vector<16xi32>], vector<16xi32>,
      %swap3A_514 = arith.index_cast %scan3A_394 : i32 to index
      %swap3A_515 = arith.constant 480 : index
      %swap3A_516 = tpu.vector_load %arg6[%swap3A_514, %swap3A_515] {strides = array<i32>} : memref<50x512xi32, #tpu.memory_space<vmem>>, vector<16xi32>,
      tpu.vector_store %arg6[%swap3A_514, %swap3A_515], %gather3A_513 {strides = array<i32>} : memref<50x512xi32, #tpu.memory_space<vmem>>, vector<16xi32>,
      %gather3A_517 = tpu.vector_load_idx %arg5[%add3A_98, %broadcast_in_dim3A] : memref<512x50xi32, #tpu.memory_space<vmem>>[vector<16xi32>, vector<16xi32>], vector<16xi32>,
      %swap3A_518 = arith.index_cast %scan3A_394 : i32 to index
      %swap3A_519 = arith.constant 496 : index
      %swap3A_520 = tpu.vector_load %arg6[%swap3A_518, %swap3A_519] {strides = array<i32>} : memref<50x512xi32, #tpu.memory_space<vmem>>, vector<16xi32>,
      tpu.vector_store %arg6[%swap3A_518, %swap3A_519], %gather3A_517 {strides = array<i32>} : memref<50x512xi32, #tpu.memory_space<vmem>>, vector<16xi32>,
    }
    %scan3A_103 = arith.constant 50 : i32
    %dma_start3A = arith.constant 0 : i32
    %dma_start3A_104 = arith.constant 0 : i32
    %dma_start3A_105 = tpu.memref_slice %arg6[%dma_start3A, %dma_start3A_104] : memref<50x512xi32, #tpu.memory_space<vmem>> -> memref<1x128xi32, #tpu.memory_space<vmem>>
    %dma_start3A_106 = tpu.memref_squeeze %dma_start3A_105 : memref<1x128xi32, #tpu.memory_space<vmem>> -> memref<128xi32, #tpu.memory_space<vmem>>
    %dma_start3A_107 = arith.constant 0 : i32
    %dma_start3A_108 = arith.constant 0 : i32
    %dma_start3A_109 = tpu.memref_slice %arg3[%dma_start3A_107, %dma_start3A_108] : memref<1000000x64xf32, #tpu.memory_space<hbm>> -> memref<1000000x64xf32, #tpu.memory_space<hbm>>
    tpu.enqueue_indirect_dma source(%dma_start3A_109 : memref<1000000x64xf32, #tpu.memory_space<hbm>>) target(%arg7 : memref<128x64xf32, #tpu.memory_space<vmem>>) offsets(%dma_start3A_106 : memref<128xi32, #tpu.memory_space<vmem>>) semaphore(%arg11 : memref<!tpu.dma_semaphore, #tpu.memory_space<semaphore_mem>>)
    %dma_start3A_110 = arith.constant 0 : i32
    %dma_start3A_111 = arith.constant 128 : i32
    %dma_start3A_112 = tpu.memref_slice %arg6[%dma_start3A_110, %dma_start3A_111] : memref<50x512xi32, #tpu.memory_space<vmem>> -> memref<1x128xi32, #tpu.memory_space<vmem>>
    %dma_start3A_113 = tpu.memref_squeeze %dma_start3A_112 : memref<1x128xi32, #tpu.memory_space<vmem>> -> memref<128xi32, #tpu.memory_space<vmem>>
    %dma_start3A_114 = arith.constant 0 : i32
    %dma_start3A_115 = arith.constant 0 : i32
    %dma_start3A_116 = tpu.memref_slice %arg3[%dma_start3A_114, %dma_start3A_115] : memref<1000000x64xf32, #tpu.memory_space<hbm>> -> memref<1000000x64xf32, #tpu.memory_space<hbm>>
    tpu.enqueue_indirect_dma source(%dma_start3A_116 : memref<1000000x64xf32, #tpu.memory_space<hbm>>) target(%arg8 : memref<128x64xf32, #tpu.memory_space<vmem>>) offsets(%dma_start3A_113 : memref<128xi32, #tpu.memory_space<vmem>>) semaphore(%arg12 : memref<!tpu.dma_semaphore, #tpu.memory_space<semaphore_mem>>)
    %scan3A_117 = arith.constant 0 : i32
    %scan3A_118 = arith.constant 0 : i32
    %scan3A_119 = arith.constant 100 : i32
    %scan3A_120 = arith.addi %scan3A_118, %scan3A_119 : i32
    %scan3A_121 = arith.constant 1 : i32
    scf.for %scan3A_394 = %scan3A_118 to %scan3A_120 step %scan3A_121  : i32 {
      %mul3A_395 = arith.constant 2 : i32
      %mul3A_396 = arith.muli %scan3A_394, %mul3A_395 : i32
      %add3A_397 = arith.constant 0 : i32
      %add3A_398 = arith.addi %mul3A_396, %add3A_397 : i32
      %dma_wait3A_399 = arith.constant 0 : i32
      %dma_wait3A_400 = arith.constant 0 : i32
      %dma_wait3A_401 = tpu.memref_slice %arg3[%dma_wait3A_399, %dma_wait3A_400] : memref<1000000x64xf32, #tpu.memory_space<hbm>> -> memref<128x64xf32, #tpu.memory_space<hbm>>
      %dma_wait3A_402 = arith.constant 0 : i32
      %dma_wait3A_403 = arith.constant 0 : i32
      %dma_wait3A_404 = tpu.memref_slice %arg3[%dma_wait3A_402, %dma_wait3A_403] : memref<1000000x64xf32, #tpu.memory_space<hbm>> -> memref<128x64xf32, #tpu.memory_space<hbm>>
      tpu.wait_dma2 semaphore(%arg11 : memref<!tpu.dma_semaphore, #tpu.memory_space<semaphore_mem>>) src(%dma_wait3A_404 : memref<128x64xf32, #tpu.memory_space<hbm>>) dst(%arg7 : memref<128x64xf32, #tpu.memory_space<vmem>>)
      %ge3A = arith.constant 2 : i32
      %ge3A_405 = arith.cmpi sge, %add3A_398, %ge3A : i32
      %convert_element_type3A = arith.extui %ge3A_405 : i1 to i32
      %cond3A = arith.constant 0 : i32
      %cond3A_406 = arith.cmpi ne, %convert_element_type3A, %cond3A : i32
      scf.if %cond3A_406 {
        %dma_wait3A_807 = arith.constant 0 : i32
        %dma_wait3A_808 = arith.constant 0 : i32
        %dma_wait3A_809 = arith.constant 0 : i32
        %dma_wait3A_810 = arith.constant 0 : i32
        %dma_wait3A_811 = arith.constant 0 : i32
        %dma_wait3A_812 = tpu.memref_slice %arg9[%dma_wait3A_810, %dma_wait3A_811] : memref<64x129xf32, #tpu.memory_space<vmem>> -> memref<8x128xf32, #tpu.memory_space<vmem>>
        %dma_wait3A_813 = arith.constant 0 : i32
        %dma_wait3A_814 = arith.constant 0 : i32
        %dma_wait3A_815 = tpu.memref_slice %arg4[%dma_wait3A_807, %dma_wait3A_808, %dma_wait3A_809, %dma_wait3A_813, %dma_wait3A_814] : memref<50x8x128x8x128xf32, #tpu.memory_space<hbm>> -> memref<1x1x1x8x128xf32, #tpu.memory_space<hbm>>
        %dma_wait3A_816 = tpu.memref_squeeze %dma_wait3A_815 : memref<1x1x1x8x128xf32, #tpu.memory_space<hbm>> -> memref<8x128xf32, #tpu.memory_space<hbm>>
        %dma_wait3A_817 = arith.constant 0 : i32
        %dma_wait3A_818 = arith.constant 0 : i32
        %dma_wait3A_819 = tpu.memref_slice %arg9[%dma_wait3A_817, %dma_wait3A_818] : memref<64x129xf32, #tpu.memory_space<vmem>> -> memref<8x128xf32, #tpu.memory_space<vmem>>
        %dma_wait3A_820 = arith.constant 0 : i32
        %dma_wait3A_821 = arith.constant 0 : i32
        %dma_wait3A_822 = tpu.memref_slice %arg4[%dma_wait3A_807, %dma_wait3A_808, %dma_wait3A_809, %dma_wait3A_820, %dma_wait3A_821] : memref<50x8x128x8x128xf32, #tpu.memory_space<hbm>> -> memref<1x1x1x8x128xf32, #tpu.memory_space<hbm>>
        %dma_wait3A_823 = tpu.memref_squeeze %dma_wait3A_822 : memref<1x1x1x8x128xf32, #tpu.memory_space<hbm>> -> memref<8x128xf32, #tpu.memory_space<hbm>>
        tpu.wait_dma2 semaphore(%arg13 : memref<!tpu.dma_semaphore, #tpu.memory_space<semaphore_mem>>) src(%dma_wait3A_823 : memref<8x128xf32, #tpu.memory_space<hbm>>) dst(%dma_wait3A_819 : memref<8x128xf32, #tpu.memory_space<vmem>>)
        %dma_wait3A_824 = arith.constant 0 : i32
        %dma_wait3A_825 = arith.constant 0 : i32
        %dma_wait3A_826 = arith.constant 0 : i32
        %dma_wait3A_827 = arith.constant 0 : i32
        %dma_wait3A_828 = arith.constant 0 : i32
        %dma_wait3A_829 = tpu.memref_slice %arg9[%dma_wait3A_827, %dma_wait3A_828] : memref<64x129xf32, #tpu.memory_space<vmem>> -> memref<8x128xf32, #tpu.memory_space<vmem>>
        %dma_wait3A_830 = arith.constant 0 : i32
        %dma_wait3A_831 = arith.constant 0 : i32
        %dma_wait3A_832 = tpu.memref_slice %arg4[%dma_wait3A_824, %dma_wait3A_825, %dma_wait3A_826, %dma_wait3A_830, %dma_wait3A_831] : memref<50x8x128x8x128xf32, #tpu.memory_space<hbm>> -> memref<1x1x1x8x128xf32, #tpu.memory_space<hbm>>
        %dma_wait3A_833 = tpu.memref_squeeze %dma_wait3A_832 : memref<1x1x1x8x128xf32, #tpu.memory_space<hbm>> -> memref<8x128xf32, #tpu.memory_space<hbm>>
        %dma_wait3A_834 = arith.constant 0 : i32
        %dma_wait3A_835 = arith.constant 0 : i32
        %dma_wait3A_836 = tpu.memref_slice %arg9[%dma_wait3A_834, %dma_wait3A_835] : memref<64x129xf32, #tpu.memory_space<vmem>> -> memref<8x128xf32, #tpu.memory_space<vmem>>
        %dma_wait3A_837 = arith.constant 0 : i32
        %dma_wait3A_838 = arith.constant 0 : i32
        %dma_wait3A_839 = tpu.memref_slice %arg4[%dma_wait3A_824, %dma_wait3A_825, %dma_wait3A_826, %dma_wait3A_837, %dma_wait3A_838] : memref<50x8x128x8x128xf32, #tpu.memory_space<hbm>> -> memref<1x1x1x8x128xf32, #tpu.memory_space<hbm>>
        %dma_wait3A_840 = tpu.memref_squeeze %dma_wait3A_839 : memref<1x1x1x8x128xf32, #tpu.memory_space<hbm>> -> memref<8x128xf32, #tpu.memory_space<hbm>>
        tpu.wait_dma2 semaphore(%arg13 : memref<!tpu.dma_semaphore, #tpu.memory_space<semaphore_mem>>) src(%dma_wait3A_840 : memref<8x128xf32, #tpu.memory_space<hbm>>) dst(%dma_wait3A_836 : memref<8x128xf32, #tpu.memory_space<vmem>>)
        %dma_wait3A_841 = arith.constant 0 : i32
        %dma_wait3A_842 = arith.constant 0 : i32
        %dma_wait3A_843 = arith.constant 0 : i32
        %dma_wait3A_844 = arith.constant 0 : i32
        %dma_wait3A_845 = arith.constant 0 : i32
        %dma_wait3A_846 = tpu.memref_slice %arg9[%dma_wait3A_844, %dma_wait3A_845] : memref<64x129xf32, #tpu.memory_space<vmem>> -> memref<8x128xf32, #tpu.memory_space<vmem>>
        %dma_wait3A_847 = arith.constant 0 : i32
        %dma_wait3A_848 = arith.constant 0 : i32
        %dma_wait3A_849 = tpu.memref_slice %arg4[%dma_wait3A_841, %dma_wait3A_842, %dma_wait3A_843, %dma_wait3A_847, %dma_wait3A_848] : memref<50x8x128x8x128xf32, #tpu.memory_space<hbm>> -> memref<1x1x1x8x128xf32, #tpu.memory_space<hbm>>
        %dma_wait3A_850 = tpu.memref_squeeze %dma_wait3A_849 : memref<1x1x1x8x128xf32, #tpu.memory_space<hbm>> -> memref<8x128xf32, #tpu.memory_space<hbm>>
        %dma_wait3A_851 = arith.constant 0 : i32
        %dma_wait3A_852 = arith.constant 0 : i32
        %dma_wait3A_853 = tpu.memref_slice %arg9[%dma_wait3A_851, %dma_wait3A_852] : memref<64x129xf32, #tpu.memory_space<vmem>> -> memref<8x128xf32, #tpu.memory_space<vmem>>
        %dma_wait3A_854 = arith.constant 0 : i32
        %dma_wait3A_855 = arith.constant 0 : i32
        %dma_wait3A_856 = tpu.memref_slice %arg4[%dma_wait3A_841, %dma_wait3A_842, %dma_wait3A_843, %dma_wait3A_854, %dma_wait3A_855] : memref<50x8x128x8x128xf32, #tpu.memory_space<hbm>> -> memref<1x1x1x8x128xf32, #tpu.memory_space<hbm>>
        %dma_wait3A_857 = tpu.memref_squeeze %dma_wait3A_856 : memref<1x1x1x8x128xf32, #tpu.memory_space<hbm>> -> memref<8x128xf32, #tpu.memory_space<hbm>>
        tpu.wait_dma2 semaphore(%arg13 : memref<!tpu.dma_semaphore, #tpu.memory_space<semaphore_mem>>) src(%dma_wait3A_857 : memref<8x128xf32, #tpu.memory_space<hbm>>) dst(%dma_wait3A_853 : memref<8x128xf32, #tpu.memory_space<vmem>>)
        %dma_wait3A_858 = arith.constant 0 : i32
        %dma_wait3A_859 = arith.constant 0 : i32
        %dma_wait3A_860 = arith.constant 0 : i32
        %dma_wait3A_861 = arith.constant 0 : i32
        %dma_wait3A_862 = arith.constant 0 : i32
        %dma_wait3A_863 = tpu.memref_slice %arg9[%dma_wait3A_861, %dma_wait3A_862] : memref<64x129xf32, #tpu.memory_space<vmem>> -> memref<8x128xf32, #tpu.memory_space<vmem>>
        %dma_wait3A_864 = arith.constant 0 : i32
        %dma_wait3A_865 = arith.constant 0 : i32
        %dma_wait3A_866 = tpu.memref_slice %arg4[%dma_wait3A_858, %dma_wait3A_859, %dma_wait3A_860, %dma_wait3A_864, %dma_wait3A_865] : memref<50x8x128x8x128xf32, #tpu.memory_space<hbm>> -> memref<1x1x1x8x128xf32, #tpu.memory_space<hbm>>
        %dma_wait3A_867 = tpu.memref_squeeze %dma_wait3A_866 : memref<1x1x1x8x128xf32, #tpu.memory_space<hbm>> -> memref<8x128xf32, #tpu.memory_space<hbm>>
        %dma_wait3A_868 = arith.constant 0 : i32
        %dma_wait3A_869 = arith.constant 0 : i32
        %dma_wait3A_870 = tpu.memref_slice %arg9[%dma_wait3A_868, %dma_wait3A_869] : memref<64x129xf32, #tpu.memory_space<vmem>> -> memref<8x128xf32, #tpu.memory_space<vmem>>
        %dma_wait3A_871 = arith.constant 0 : i32
        %dma_wait3A_872 = arith.constant 0 : i32
        %dma_wait3A_873 = tpu.memref_slice %arg4[%dma_wait3A_858, %dma_wait3A_859, %dma_wait3A_860, %dma_wait3A_871, %dma_wait3A_872] : memref<50x8x128x8x128xf32, #tpu.memory_space<hbm>> -> memref<1x1x1x8x128xf32, #tpu.memory_space<hbm>>
        %dma_wait3A_874 = tpu.memref_squeeze %dma_wait3A_873 : memref<1x1x1x8x128xf32, #tpu.memory_space<hbm>> -> memref<8x128xf32, #tpu.memory_space<hbm>>
        tpu.wait_dma2 semaphore(%arg13 : memref<!tpu.dma_semaphore, #tpu.memory_space<semaphore_mem>>) src(%dma_wait3A_874 : memref<8x128xf32, #tpu.memory_space<hbm>>) dst(%dma_wait3A_870 : memref<8x128xf32, #tpu.memory_space<vmem>>)
        %dma_wait3A_875 = arith.constant 0 : i32
        %dma_wait3A_876 = arith.constant 0 : i32
        %dma_wait3A_877 = arith.constant 0 : i32
        %dma_wait3A_878 = arith.constant 0 : i32
        %dma_wait3A_879 = arith.constant 0 : i32
        %dma_wait3A_880 = tpu.memref_slice %arg9[%dma_wait3A_878, %dma_wait3A_879] : memref<64x129xf32, #tpu.memory_space<vmem>> -> memref<8x128xf32, #tpu.memory_space<vmem>>
        %dma_wait3A_881 = arith.constant 0 : i32
        %dma_wait3A_882 = arith.constant 0 : i32
        %dma_wait3A_883 = tpu.memref_slice %arg4[%dma_wait3A_875, %dma_wait3A_876, %dma_wait3A_877, %dma_wait3A_881, %dma_wait3A_882] : memref<50x8x128x8x128xf32, #tpu.memory_space<hbm>> -> memref<1x1x1x8x128xf32, #tpu.memory_space<hbm>>
        %dma_wait3A_884 = tpu.memref_squeeze %dma_wait3A_883 : memref<1x1x1x8x128xf32, #tpu.memory_space<hbm>> -> memref<8x128xf32, #tpu.memory_space<hbm>>
        %dma_wait3A_885 = arith.constant 0 : i32
        %dma_wait3A_886 = arith.constant 0 : i32
        %dma_wait3A_887 = tpu.memref_slice %arg9[%dma_wait3A_885, %dma_wait3A_886] : memref<64x129xf32, #tpu.memory_space<vmem>> -> memref<8x128xf32, #tpu.memory_space<vmem>>
        %dma_wait3A_888 = arith.constant 0 : i32
        %dma_wait3A_889 = arith.constant 0 : i32
        %dma_wait3A_890 = tpu.memref_slice %arg4[%dma_wait3A_875, %dma_wait3A_876, %dma_wait3A_877, %dma_wait3A_888, %dma_wait3A_889] : memref<50x8x128x8x128xf32, #tpu.memory_space<hbm>> -> memref<1x1x1x8x128xf32, #tpu.memory_space<hbm>>
        %dma_wait3A_891 = tpu.memref_squeeze %dma_wait3A_890 : memref<1x1x1x8x128xf32, #tpu.memory_space<hbm>> -> memref<8x128xf32, #tpu.memory_space<hbm>>
        tpu.wait_dma2 semaphore(%arg13 : memref<!tpu.dma_semaphore, #tpu.memory_space<semaphore_mem>>) src(%dma_wait3A_891 : memref<8x128xf32, #tpu.memory_space<hbm>>) dst(%dma_wait3A_887 : memref<8x128xf32, #tpu.memory_space<vmem>>)
        %dma_wait3A_892 = arith.constant 0 : i32
        %dma_wait3A_893 = arith.constant 0 : i32
        %dma_wait3A_894 = arith.constant 0 : i32
        %dma_wait3A_895 = arith.constant 0 : i32
        %dma_wait3A_896 = arith.constant 0 : i32
        %dma_wait3A_897 = tpu.memref_slice %arg9[%dma_wait3A_895, %dma_wait3A_896] : memref<64x129xf32, #tpu.memory_space<vmem>> -> memref<8x128xf32, #tpu.memory_space<vmem>>
        %dma_wait3A_898 = arith.constant 0 : i32
        %dma_wait3A_899 = arith.constant 0 : i32
        %dma_wait3A_900 = tpu.memref_slice %arg4[%dma_wait3A_892, %dma_wait3A_893, %dma_wait3A_894, %dma_wait3A_898, %dma_wait3A_899] : memref<50x8x128x8x128xf32, #tpu.memory_space<hbm>> -> memref<1x1x1x8x128xf32, #tpu.memory_space<hbm>>
        %dma_wait3A_901 = tpu.memref_squeeze %dma_wait3A_900 : memref<1x1x1x8x128xf32, #tpu.memory_space<hbm>> -> memref<8x128xf32, #tpu.memory_space<hbm>>
        %dma_wait3A_902 = arith.constant 0 : i32
        %dma_wait3A_903 = arith.constant 0 : i32
        %dma_wait3A_904 = tpu.memref_slice %arg9[%dma_wait3A_902, %dma_wait3A_903] : memref<64x129xf32, #tpu.memory_space<vmem>> -> memref<8x128xf32, #tpu.memory_space<vmem>>
        %dma_wait3A_905 = arith.constant 0 : i32
        %dma_wait3A_906 = arith.constant 0 : i32
        %dma_wait3A_907 = tpu.memref_slice %arg4[%dma_wait3A_892, %dma_wait3A_893, %dma_wait3A_894, %dma_wait3A_905, %dma_wait3A_906] : memref<50x8x128x8x128xf32, #tpu.memory_space<hbm>> -> memref<1x1x1x8x128xf32, #tpu.memory_space<hbm>>
        %dma_wait3A_908 = tpu.memref_squeeze %dma_wait3A_907 : memref<1x1x1x8x128xf32, #tpu.memory_space<hbm>> -> memref<8x128xf32, #tpu.memory_space<hbm>>
        tpu.wait_dma2 semaphore(%arg13 : memref<!tpu.dma_semaphore, #tpu.memory_space<semaphore_mem>>) src(%dma_wait3A_908 : memref<8x128xf32, #tpu.memory_space<hbm>>) dst(%dma_wait3A_904 : memref<8x128xf32, #tpu.memory_space<vmem>>)
        %dma_wait3A_909 = arith.constant 0 : i32
        %dma_wait3A_910 = arith.constant 0 : i32
        %dma_wait3A_911 = arith.constant 0 : i32
        %dma_wait3A_912 = arith.constant 0 : i32
        %dma_wait3A_913 = arith.constant 0 : i32
        %dma_wait3A_914 = tpu.memref_slice %arg9[%dma_wait3A_912, %dma_wait3A_913] : memref<64x129xf32, #tpu.memory_space<vmem>> -> memref<8x128xf32, #tpu.memory_space<vmem>>
        %dma_wait3A_915 = arith.constant 0 : i32
        %dma_wait3A_916 = arith.constant 0 : i32
        %dma_wait3A_917 = tpu.memref_slice %arg4[%dma_wait3A_909, %dma_wait3A_910, %dma_wait3A_911, %dma_wait3A_915, %dma_wait3A_916] : memref<50x8x128x8x128xf32, #tpu.memory_space<hbm>> -> memref<1x1x1x8x128xf32, #tpu.memory_space<hbm>>
        %dma_wait3A_918 = tpu.memref_squeeze %dma_wait3A_917 : memref<1x1x1x8x128xf32, #tpu.memory_space<hbm>> -> memref<8x128xf32, #tpu.memory_space<hbm>>
        %dma_wait3A_919 = arith.constant 0 : i32
        %dma_wait3A_920 = arith.constant 0 : i32
        %dma_wait3A_921 = tpu.memref_slice %arg9[%dma_wait3A_919, %dma_wait3A_920] : memref<64x129xf32, #tpu.memory_space<vmem>> -> memref<8x128xf32, #tpu.memory_space<vmem>>
        %dma_wait3A_922 = arith.constant 0 : i32
        %dma_wait3A_923 = arith.constant 0 : i32
        %dma_wait3A_924 = tpu.memref_slice %arg4[%dma_wait3A_909, %dma_wait3A_910, %dma_wait3A_911, %dma_wait3A_922, %dma_wait3A_923] : memref<50x8x128x8x128xf32, #tpu.memory_space<hbm>> -> memref<1x1x1x8x128xf32, #tpu.memory_space<hbm>>
        %dma_wait3A_925 = tpu.memref_squeeze %dma_wait3A_924 : memref<1x1x1x8x128xf32, #tpu.memory_space<hbm>> -> memref<8x128xf32, #tpu.memory_space<hbm>>
        tpu.wait_dma2 semaphore(%arg13 : memref<!tpu.dma_semaphore, #tpu.memory_space<semaphore_mem>>) src(%dma_wait3A_925 : memref<8x128xf32, #tpu.memory_space<hbm>>) dst(%dma_wait3A_921 : memref<8x128xf32, #tpu.memory_space<vmem>>)
        %dma_wait3A_926 = arith.constant 0 : i32
        %dma_wait3A_927 = arith.constant 0 : i32
        %dma_wait3A_928 = arith.constant 0 : i32
        %dma_wait3A_929 = arith.constant 0 : i32
        %dma_wait3A_930 = arith.constant 0 : i32
        %dma_wait3A_931 = tpu.memref_slice %arg9[%dma_wait3A_929, %dma_wait3A_930] : memref<64x129xf32, #tpu.memory_space<vmem>> -> memref<8x128xf32, #tpu.memory_space<vmem>>
        %dma_wait3A_932 = arith.constant 0 : i32
        %dma_wait3A_933 = arith.constant 0 : i32
        %dma_wait3A_934 = tpu.memref_slice %arg4[%dma_wait3A_926, %dma_wait3A_927, %dma_wait3A_928, %dma_wait3A_932, %dma_wait3A_933] : memref<50x8x128x8x128xf32, #tpu.memory_space<hbm>> -> memref<1x1x1x8x128xf32, #tpu.memory_space<hbm>>
        %dma_wait3A_935 = tpu.memref_squeeze %dma_wait3A_934 : memref<1x1x1x8x128xf32, #tpu.memory_space<hbm>> -> memref<8x128xf32, #tpu.memory_space<hbm>>
        %dma_wait3A_936 = arith.constant 0 : i32
        %dma_wait3A_937 = arith.constant 0 : i32
        %dma_wait3A_938 = tpu.memref_slice %arg9[%dma_wait3A_936, %dma_wait3A_937] : memref<64x129xf32, #tpu.memory_space<vmem>> -> memref<8x128xf32, #tpu.memory_space<vmem>>
        %dma_wait3A_939 = arith.constant 0 : i32
        %dma_wait3A_940 = arith.constant 0 : i32
        %dma_wait3A_941 = tpu.memref_slice %arg4[%dma_wait3A_926, %dma_wait3A_927, %dma_wait3A_928, %dma_wait3A_939, %dma_wait3A_940] : memref<50x8x128x8x128xf32, #tpu.memory_space<hbm>> -> memref<1x1x1x8x128xf32, #tpu.memory_space<hbm>>
        %dma_wait3A_942 = tpu.memref_squeeze %dma_wait3A_941 : memref<1x1x1x8x128xf32, #tpu.memory_space<hbm>> -> memref<8x128xf32, #tpu.memory_space<hbm>>
        tpu.wait_dma2 semaphore(%arg13 : memref<!tpu.dma_semaphore, #tpu.memory_space<semaphore_mem>>) src(%dma_wait3A_942 : memref<8x128xf32, #tpu.memory_space<hbm>>) dst(%dma_wait3A_938 : memref<8x128xf32, #tpu.memory_space<vmem>>)
      } else {
      }
      %parallel_loop3A = arith.constant 0 : i32
      %parallel_loop3A_407 = arith.constant 128 : i32
      %parallel_loop3A_408 = arith.constant 1 : i32
      scf.for %parallel_loop3A_807 = %parallel_loop3A to %parallel_loop3A_407 step %parallel_loop3A_408  : i32 {
        %parallel_loop3A_808 = vector.broadcast %parallel_loop3A_807 : i32 to vector<16xi32>
        %parallel_loop3A_809 = arith.index_cast %parallel_loop3A_807 : i32 to index
        %parallel_loop3A_810 = arith.constant 0 : index
        %parallel_loop3A_811 = tpu.vector_load %arg7[%parallel_loop3A_809, %parallel_loop3A_810] {strides = array<i32>} : memref<128x64xf32, #tpu.memory_space<vmem>>, vector<16xf32>,
        tpu.vector_store_idx %arg9[%add3A_5, %parallel_loop3A_808], %parallel_loop3A_811 : memref<64x129xf32, #tpu.memory_space<vmem>>[vector<16xi32>, vector<16xi32>], vector<16xf32>,
        %parallel_loop3A_812 = arith.index_cast %parallel_loop3A_807 : i32 to index
        %parallel_loop3A_813 = arith.constant 16 : index
        %parallel_loop3A_814 = tpu.vector_load %arg7[%parallel_loop3A_812, %parallel_loop3A_813] {strides = array<i32>} : memref<128x64xf32, #tpu.memory_space<vmem>>, vector<16xf32>,
        tpu.vector_store_idx %arg9[%add3A_8, %parallel_loop3A_808], %parallel_loop3A_814 : memref<64x129xf32, #tpu.memory_space<vmem>>[vector<16xi32>, vector<16xi32>], vector<16xf32>,
        %parallel_loop3A_815 = arith.index_cast %parallel_loop3A_807 : i32 to index
        %parallel_loop3A_816 = arith.constant 32 : index
        %parallel_loop3A_817 = tpu.vector_load %arg7[%parallel_loop3A_815, %parallel_loop3A_816] {strides = array<i32>} : memref<128x64xf32, #tpu.memory_space<vmem>>, vector<16xf32>,
        tpu.vector_store_idx %arg9[%add3A_11, %parallel_loop3A_808], %parallel_loop3A_817 : memref<64x129xf32, #tpu.memory_space<vmem>>[vector<16xi32>, vector<16xi32>], vector<16xf32>,
        %parallel_loop3A_818 = arith.index_cast %parallel_loop3A_807 : i32 to index
        %parallel_loop3A_819 = arith.constant 48 : index
        %parallel_loop3A_820 = tpu.vector_load %arg7[%parallel_loop3A_818, %parallel_loop3A_819] {strides = array<i32>} : memref<128x64xf32, #tpu.memory_space<vmem>>, vector<16xf32>,
        tpu.vector_store_idx %arg9[%add3A_14, %parallel_loop3A_808], %parallel_loop3A_820 : memref<64x129xf32, #tpu.memory_space<vmem>>[vector<16xi32>, vector<16xi32>], vector<16xf32>,
      } {sc.loop_unroll_factor = 8 : i64, sc.parallel_access}
      %add3A_409 = arith.constant 2 : i32
      %add3A_410 = arith.addi %add3A_398, %add3A_409 : i32
      %lt3A = arith.constant 200 : i32
      %lt3A_411 = arith.cmpi slt, %add3A_410, %lt3A : i32
      %convert_element_type3A_412 = arith.extui %lt3A_411 : i1 to i32
      %cond3A_413 = arith.constant 0 : i32
      %cond3A_414 = arith.cmpi ne, %convert_element_type3A_412, %cond3A_413 : i32
      scf.if %cond3A_414 {
        %jit3A_807 = arith.constant 4 : i32
        %div3A_808 = arith.divsi %add3A_410, %jit3A_807 : i32
        %sign3A_809 = arith.constant 0 : i32
        %sign3A_810 = arith.cmpi sgt, %add3A_410, %sign3A_809 : i32
        %sign3A_811 = arith.extui %sign3A_810 : i1 to i32
        %sign3A_812 = arith.constant 0 : i32
        %sign3A_813 = arith.cmpi slt, %add3A_410, %sign3A_812 : i32
        %sign3A_814 = arith.extui %sign3A_813 : i1 to i32
        %sign3A_815 = arith.subi %sign3A_811, %sign3A_814 : i32
        %sign3A_816 = arith.constant 0 : i32
        %sign3A_817 = arith.cmpi sgt, %jit3A_807, %sign3A_816 : i32
        %sign3A_818 = arith.extui %sign3A_817 : i1 to i32
        %sign3A_819 = arith.constant 0 : i32
        %sign3A_820 = arith.cmpi slt, %jit3A_807, %sign3A_819 : i32
        %sign3A_821 = arith.extui %sign3A_820 : i1 to i32
        %sign3A_822 = arith.subi %sign3A_818, %sign3A_821 : i32
        %ne3A_823 = arith.cmpi ne, %sign3A_815, %sign3A_822 : i32
        %rem3A_824 = arith.remsi %add3A_410, %jit3A_807 : i32
        %ne3A_825 = arith.constant 0 : i32
        %ne3A_826 = arith.cmpi ne, %rem3A_824, %ne3A_825 : i32
        %and3A_827 = arith.andi %ne3A_823, %ne3A_826 : i1
        %sub3A_828 = arith.constant 1 : i32
        %sub3A_829 = arith.subi %div3A_808, %sub3A_828 : i32
        %select_n3A_830 = arith.select %and3A_827, %sub3A_829, %div3A_808 : i32
        %jit3A_831 = arith.constant 4 : i32
        %eq3A_832 = arith.constant 0 : i32
        %eq3A_833 = arith.cmpi eq, %jit3A_831, %eq3A_832 : i32
        %jit3A_834 = arith.constant 1 : i32
        %select_n3A_835 = arith.select %eq3A_833, %jit3A_834, %jit3A_831 : i32
        %rem3A_836 = arith.remsi %add3A_410, %select_n3A_835 : i32
        %ne3A_837 = arith.constant 0 : i32
        %ne3A_838 = arith.cmpi ne, %rem3A_836, %ne3A_837 : i32
        %lt3A_839 = arith.constant 0 : i32
        %lt3A_840 = arith.cmpi slt, %rem3A_836, %lt3A_839 : i32
        %lt3A_841 = arith.constant 0 : i32
        %lt3A_842 = arith.cmpi slt, %select_n3A_835, %lt3A_841 : i32
        %ne3A_843 = arith.xori %lt3A_840, %lt3A_842 : i1
        %and3A_844 = arith.andi %ne3A_843, %ne3A_838 : i1
        %add3A_845 = arith.addi %rem3A_836, %select_n3A_835 : i32
        %select_n3A_846 = arith.select %and3A_844, %add3A_845, %rem3A_836 : i32
        %mul3A_847 = arith.constant 128 : i32
        %mul3A_848 = arith.muli %select_n3A_846, %mul3A_847 : i32
        %dma_start3A_849 = tpu.memref_slice %arg6[%select_n3A_830, %mul3A_848] : memref<50x512xi32, #tpu.memory_space<vmem>> -> memref<1x128xi32, #tpu.memory_space<vmem>>
        %dma_start3A_850 = tpu.memref_squeeze %dma_start3A_849 : memref<1x128xi32, #tpu.memory_space<vmem>> -> memref<128xi32, #tpu.memory_space<vmem>>
        %dma_start3A_851 = arith.constant 0 : i32
        %dma_start3A_852 = arith.constant 0 : i32
        %dma_start3A_853 = tpu.memref_slice %arg3[%dma_start3A_851, %dma_start3A_852] : memref<1000000x64xf32, #tpu.memory_space<hbm>> -> memref<1000000x64xf32, #tpu.memory_space<hbm>>
        tpu.enqueue_indirect_dma source(%dma_start3A_853 : memref<1000000x64xf32, #tpu.memory_space<hbm>>) target(%arg7 : memref<128x64xf32, #tpu.memory_space<vmem>>) offsets(%dma_start3A_850 : memref<128xi32, #tpu.memory_space<vmem>>) semaphore(%arg11 : memref<!tpu.dma_semaphore, #tpu.memory_space<semaphore_mem>>)
      } else {
      }
      %jit3A = arith.constant 4 : i32
      %div3A = arith.divsi %add3A_398, %jit3A : i32
      %sign3A = arith.constant 0 : i32
      %sign3A_415 = arith.cmpi sgt, %add3A_398, %sign3A : i32
      %sign3A_416 = arith.extui %sign3A_415 : i1 to i32
      %sign3A_417 = arith.constant 0 : i32
      %sign3A_418 = arith.cmpi slt, %add3A_398, %sign3A_417 : i32
      %sign3A_419 = arith.extui %sign3A_418 : i1 to i32
      %sign3A_420 = arith.subi %sign3A_416, %sign3A_419 : i32
      %sign3A_421 = arith.constant 0 : i32
      %sign3A_422 = arith.cmpi sgt, %jit3A, %sign3A_421 : i32
      %sign3A_423 = arith.extui %sign3A_422 : i1 to i32
      %sign3A_424 = arith.constant 0 : i32
      %sign3A_425 = arith.cmpi slt, %jit3A, %sign3A_424 : i32
      %sign3A_426 = arith.extui %sign3A_425 : i1 to i32
      %sign3A_427 = arith.subi %sign3A_423, %sign3A_426 : i32
      %ne3A = arith.cmpi ne, %sign3A_420, %sign3A_427 : i32
      %rem3A = arith.remsi %add3A_398, %jit3A : i32
      %ne3A_428 = arith.constant 0 : i32
      %ne3A_429 = arith.cmpi ne, %rem3A, %ne3A_428 : i32
      %and3A = arith.andi %ne3A, %ne3A_429 : i1
      %sub3A = arith.constant 1 : i32
      %sub3A_430 = arith.subi %div3A, %sub3A : i32
      %select_n3A = arith.select %and3A, %sub3A_430, %div3A : i32
      %jit3A_431 = arith.constant 4 : i32
      %eq3A = arith.constant 0 : i32
      %eq3A_432 = arith.cmpi eq, %jit3A_431, %eq3A : i32
      %jit3A_433 = arith.constant 1 : i32
      %select_n3A_434 = arith.select %eq3A_432, %jit3A_433, %jit3A_431 : i32
      %rem3A_435 = arith.remsi %add3A_398, %select_n3A_434 : i32
      %ne3A_436 = arith.constant 0 : i32
      %ne3A_437 = arith.cmpi ne, %rem3A_435, %ne3A_436 : i32
      %lt3A_438 = arith.constant 0 : i32
      %lt3A_439 = arith.cmpi slt, %rem3A_435, %lt3A_438 : i32
      %lt3A_440 = arith.constant 0 : i32
      %lt3A_441 = arith.cmpi slt, %select_n3A_434, %lt3A_440 : i32
      %ne3A_442 = arith.xori %lt3A_439, %lt3A_441 : i1
      %and3A_443 = arith.andi %ne3A_442, %ne3A_437 : i1
      %add3A_444 = arith.addi %rem3A_435, %select_n3A_434 : i32
      %select_n3A_445 = arith.select %and3A_443, %add3A_444, %rem3A_435 : i32
      %mul3A_446 = arith.constant 128 : i32
      %mul3A_447 = arith.muli %select_n3A_445, %mul3A_446 : i32
      %add3A_448 = arith.addi %mul3A_2, %mul3A_447 : i32
      %multiple_of3A_449 = tpu.assume_multiple %add3A_448, 128 : i32
      %jit3A_450 = arith.constant 128 : i32
      %div3A_451 = arith.divsi %multiple_of3A_449, %jit3A_450 : i32
      %sign3A_452 = arith.constant 0 : i32
      %sign3A_453 = arith.cmpi sgt, %multiple_of3A_449, %sign3A_452 : i32
      %sign3A_454 = arith.extui %sign3A_453 : i1 to i32
      %sign3A_455 = arith.constant 0 : i32
      %sign3A_456 = arith.cmpi slt, %multiple_of3A_449, %sign3A_455 : i32
      %sign3A_457 = arith.extui %sign3A_456 : i1 to i32
      %sign3A_458 = arith.subi %sign3A_454, %sign3A_457 : i32
      %sign3A_459 = arith.constant 0 : i32
      %sign3A_460 = arith.cmpi sgt, %jit3A_450, %sign3A_459 : i32
      %sign3A_461 = arith.extui %sign3A_460 : i1 to i32
      %sign3A_462 = arith.constant 0 : i32
      %sign3A_463 = arith.cmpi slt, %jit3A_450, %sign3A_462 : i32
      %sign3A_464 = arith.extui %sign3A_463 : i1 to i32
      %sign3A_465 = arith.subi %sign3A_461, %sign3A_464 : i32
      %ne3A_466 = arith.cmpi ne, %sign3A_458, %sign3A_465 : i32
      %rem3A_467 = arith.remsi %multiple_of3A_449, %jit3A_450 : i32
      %ne3A_468 = arith.constant 0 : i32
      %ne3A_469 = arith.cmpi ne, %rem3A_467, %ne3A_468 : i32
      %and3A_470 = arith.andi %ne3A_466, %ne3A_469 : i1
      %sub3A_471 = arith.constant 1 : i32
      %sub3A_472 = arith.subi %div3A_451, %sub3A_471 : i32
      %select_n3A_473 = arith.select %and3A_470, %sub3A_472, %div3A_451 : i32
      %dma_start3A_474 = arith.constant 0 : i32
      %dma_start3A_475 = arith.constant 0 : i32
      %dma_start3A_476 = arith.constant 0 : i32
      %dma_start3A_477 = tpu.memref_slice %arg9[%dma_start3A_475, %dma_start3A_476] : memref<64x129xf32, #tpu.memory_space<vmem>> -> memref<8x128xf32, #tpu.memory_space<vmem>>
      %dma_start3A_478 = arith.constant 0 : i32
      %dma_start3A_479 = arith.constant 0 : i32
      %dma_start3A_480 = tpu.memref_slice %arg4[%select_n3A, %dma_start3A_474, %select_n3A_473, %dma_start3A_478, %dma_start3A_479] : memref<50x8x128x8x128xf32, #tpu.memory_space<hbm>> -> memref<1x1x1x8x128xf32, #tpu.memory_space<hbm>>
      %dma_start3A_481 = tpu.memref_squeeze %dma_start3A_480 : memref<1x1x1x8x128xf32, #tpu.memory_space<hbm>> -> memref<8x128xf32, #tpu.memory_space<hbm>>
      %dma_start3A_482 = arith.constant 0 : i32
      %dma_start3A_483 = arith.constant 0 : i32
      %dma_start3A_484 = tpu.memref_slice %arg4[%select_n3A, %dma_start3A_474, %select_n3A_473, %dma_start3A_482, %dma_start3A_483] : memref<50x8x128x8x128xf32, #tpu.memory_space<hbm>> -> memref<1x1x1x8x128xf32, #tpu.memory_space<hbm>>
      %dma_start3A_485 = tpu.memref_squeeze %dma_start3A_484 : memref<1x1x1x8x128xf32, #tpu.memory_space<hbm>> -> memref<8x128xf32, #tpu.memory_space<hbm>>
      %dma_start3A_486 = arith.constant 0 : i32
      %dma_start3A_487 = arith.constant 0 : i32
      %dma_start3A_488 = tpu.memref_slice %arg9[%dma_start3A_486, %dma_start3A_487] : memref<64x129xf32, #tpu.memory_space<vmem>> -> memref<8x128xf32, #tpu.memory_space<vmem>>
      tpu.enqueue_dma source(%dma_start3A_488 : memref<8x128xf32, #tpu.memory_space<vmem>>) target(%dma_start3A_485 : memref<8x128xf32, #tpu.memory_space<hbm>>) target_semaphore(%arg13 : memref<!tpu.dma_semaphore, #tpu.memory_space<semaphore_mem>>)
      %dma_start3A_489 = arith.constant 1 : i32
      %dma_start3A_490 = arith.constant 8 : i32
      %dma_start3A_491 = arith.constant 0 : i32
      %dma_start3A_492 = tpu.memref_slice %arg9[%dma_start3A_490, %dma_start3A_491] : memref<64x129xf32, #tpu.memory_space<vmem>> -> memref<8x128xf32, #tpu.memory_space<vmem>>
      %dma_start3A_493 = arith.constant 0 : i32
      %dma_start3A_494 = arith.constant 0 : i32
      %dma_start3A_495 = tpu.memref_slice %arg4[%select_n3A, %dma_start3A_489, %select_n3A_473, %dma_start3A_493, %dma_start3A_494] : memref<50x8x128x8x128xf32, #tpu.memory_space<hbm>> -> memref<1x1x1x8x128xf32, #tpu.memory_space<hbm>>
      %dma_start3A_496 = tpu.memref_squeeze %dma_start3A_495 : memref<1x1x1x8x128xf32, #tpu.memory_space<hbm>> -> memref<8x128xf32, #tpu.memory_space<hbm>>
      %dma_start3A_497 = arith.constant 0 : i32
      %dma_start3A_498 = arith.constant 0 : i32
      %dma_start3A_499 = tpu.memref_slice %arg4[%select_n3A, %dma_start3A_489, %select_n3A_473, %dma_start3A_497, %dma_start3A_498] : memref<50x8x128x8x128xf32, #tpu.memory_space<hbm>> -> memref<1x1x1x8x128xf32, #tpu.memory_space<hbm>>
      %dma_start3A_500 = tpu.memref_squeeze %dma_start3A_499 : memref<1x1x1x8x128xf32, #tpu.memory_space<hbm>> -> memref<8x128xf32, #tpu.memory_space<hbm>>
      %dma_start3A_501 = arith.constant 8 : i32
      %dma_start3A_502 = arith.constant 0 : i32
      %dma_start3A_503 = tpu.memref_slice %arg9[%dma_start3A_501, %dma_start3A_502] : memref<64x129xf32, #tpu.memory_space<vmem>> -> memref<8x128xf32, #tpu.memory_space<vmem>>
      tpu.enqueue_dma source(%dma_start3A_503 : memref<8x128xf32, #tpu.memory_space<vmem>>) target(%dma_start3A_500 : memref<8x128xf32, #tpu.memory_space<hbm>>) target_semaphore(%arg13 : memref<!tpu.dma_semaphore, #tpu.memory_space<semaphore_mem>>)
      %dma_start3A_504 = arith.constant 2 : i32
      %dma_start3A_505 = arith.constant 16 : i32
      %dma_start3A_506 = arith.constant 0 : i32
      %dma_start3A_507 = tpu.memref_slice %arg9[%dma_start3A_505, %dma_start3A_506] : memref<64x129xf32, #tpu.memory_space<vmem>> -> memref<8x128xf32, #tpu.memory_space<vmem>>
      %dma_start3A_508 = arith.constant 0 : i32
      %dma_start3A_509 = arith.constant 0 : i32
      %dma_start3A_510 = tpu.memref_slice %arg4[%select_n3A, %dma_start3A_504, %select_n3A_473, %dma_start3A_508, %dma_start3A_509] : memref<50x8x128x8x128xf32, #tpu.memory_space<hbm>> -> memref<1x1x1x8x128xf32, #tpu.memory_space<hbm>>
      %dma_start3A_511 = tpu.memref_squeeze %dma_start3A_510 : memref<1x1x1x8x128xf32, #tpu.memory_space<hbm>> -> memref<8x128xf32, #tpu.memory_space<hbm>>
      %dma_start3A_512 = arith.constant 0 : i32
      %dma_start3A_513 = arith.constant 0 : i32
      %dma_start3A_514 = tpu.memref_slice %arg4[%select_n3A, %dma_start3A_504, %select_n3A_473, %dma_start3A_512, %dma_start3A_513] : memref<50x8x128x8x128xf32, #tpu.memory_space<hbm>> -> memref<1x1x1x8x128xf32, #tpu.memory_space<hbm>>
      %dma_start3A_515 = tpu.memref_squeeze %dma_start3A_514 : memref<1x1x1x8x128xf32, #tpu.memory_space<hbm>> -> memref<8x128xf32, #tpu.memory_space<hbm>>
      %dma_start3A_516 = arith.constant 16 : i32
      %dma_start3A_517 = arith.constant 0 : i32
      %dma_start3A_518 = tpu.memref_slice %arg9[%dma_start3A_516, %dma_start3A_517] : memref<64x129xf32, #tpu.memory_space<vmem>> -> memref<8x128xf32, #tpu.memory_space<vmem>>
      tpu.enqueue_dma source(%dma_start3A_518 : memref<8x128xf32, #tpu.memory_space<vmem>>) target(%dma_start3A_515 : memref<8x128xf32, #tpu.memory_space<hbm>>) target_semaphore(%arg13 : memref<!tpu.dma_semaphore, #tpu.memory_space<semaphore_mem>>)
      %dma_start3A_519 = arith.constant 3 : i32
      %dma_start3A_520 = arith.constant 24 : i32
      %dma_start3A_521 = arith.constant 0 : i32
      %dma_start3A_522 = tpu.memref_slice %arg9[%dma_start3A_520, %dma_start3A_521] : memref<64x129xf32, #tpu.memory_space<vmem>> -> memref<8x128xf32, #tpu.memory_space<vmem>>
      %dma_start3A_523 = arith.constant 0 : i32
      %dma_start3A_524 = arith.constant 0 : i32
      %dma_start3A_525 = tpu.memref_slice %arg4[%select_n3A, %dma_start3A_519, %select_n3A_473, %dma_start3A_523, %dma_start3A_524] : memref<50x8x128x8x128xf32, #tpu.memory_space<hbm>> -> memref<1x1x1x8x128xf32, #tpu.memory_space<hbm>>
      %dma_start3A_526 = tpu.memref_squeeze %dma_start3A_525 : memref<1x1x1x8x128xf32, #tpu.memory_space<hbm>> -> memref<8x128xf32, #tpu.memory_space<hbm>>
      %dma_start3A_527 = arith.constant 0 : i32
      %dma_start3A_528 = arith.constant 0 : i32
      %dma_start3A_529 = tpu.memref_slice %arg4[%select_n3A, %dma_start3A_519, %select_n3A_473, %dma_start3A_527, %dma_start3A_528] : memref<50x8x128x8x128xf32, #tpu.memory_space<hbm>> -> memref<1x1x1x8x128xf32, #tpu.memory_space<hbm>>
      %dma_start3A_530 = tpu.memref_squeeze %dma_start3A_529 : memref<1x1x1x8x128xf32, #tpu.memory_space<hbm>> -> memref<8x128xf32, #tpu.memory_space<hbm>>
      %dma_start3A_531 = arith.constant 24 : i32
      %dma_start3A_532 = arith.constant 0 : i32
      %dma_start3A_533 = tpu.memref_slice %arg9[%dma_start3A_531, %dma_start3A_532] : memref<64x129xf32, #tpu.memory_space<vmem>> -> memref<8x128xf32, #tpu.memory_space<vmem>>
      tpu.enqueue_dma source(%dma_start3A_533 : memref<8x128xf32, #tpu.memory_space<vmem>>) target(%dma_start3A_530 : memref<8x128xf32, #tpu.memory_space<hbm>>) target_semaphore(%arg13 : memref<!tpu.dma_semaphore, #tpu.memory_space<semaphore_mem>>)
      %dma_start3A_534 = arith.constant 4 : i32
      %dma_start3A_535 = arith.constant 32 : i32
      %dma_start3A_536 = arith.constant 0 : i32
      %dma_start3A_537 = tpu.memref_slice %arg9[%dma_start3A_535, %dma_start3A_536] : memref<64x129xf32, #tpu.memory_space<vmem>> -> memref<8x128xf32, #tpu.memory_space<vmem>>
      %dma_start3A_538 = arith.constant 0 : i32
      %dma_start3A_539 = arith.constant 0 : i32
      %dma_start3A_540 = tpu.memref_slice %arg4[%select_n3A, %dma_start3A_534, %select_n3A_473, %dma_start3A_538, %dma_start3A_539] : memref<50x8x128x8x128xf32, #tpu.memory_space<hbm>> -> memref<1x1x1x8x128xf32, #tpu.memory_space<hbm>>
      %dma_start3A_541 = tpu.memref_squeeze %dma_start3A_540 : memref<1x1x1x8x128xf32, #tpu.memory_space<hbm>> -> memref<8x128xf32, #tpu.memory_space<hbm>>
      %dma_start3A_542 = arith.constant 0 : i32
      %dma_start3A_543 = arith.constant 0 : i32
      %dma_start3A_544 = tpu.memref_slice %arg4[%select_n3A, %dma_start3A_534, %select_n3A_473, %dma_start3A_542, %dma_start3A_543] : memref<50x8x128x8x128xf32, #tpu.memory_space<hbm>> -> memref<1x1x1x8x128xf32, #tpu.memory_space<hbm>>
      %dma_start3A_545 = tpu.memref_squeeze %dma_start3A_544 : memref<1x1x1x8x128xf32, #tpu.memory_space<hbm>> -> memref<8x128xf32, #tpu.memory_space<hbm>>
      %dma_start3A_546 = arith.constant 32 : i32
      %dma_start3A_547 = arith.constant 0 : i32
      %dma_start3A_548 = tpu.memref_slice %arg9[%dma_start3A_546, %dma_start3A_547] : memref<64x129xf32, #tpu.memory_space<vmem>> -> memref<8x128xf32, #tpu.memory_space<vmem>>
      tpu.enqueue_dma source(%dma_start3A_548 : memref<8x128xf32, #tpu.memory_space<vmem>>) target(%dma_start3A_545 : memref<8x128xf32, #tpu.memory_space<hbm>>) target_semaphore(%arg13 : memref<!tpu.dma_semaphore, #tpu.memory_space<semaphore_mem>>)
      %dma_start3A_549 = arith.constant 5 : i32
      %dma_start3A_550 = arith.constant 40 : i32
      %dma_start3A_551 = arith.constant 0 : i32
      %dma_start3A_552 = tpu.memref_slice %arg9[%dma_start3A_550, %dma_start3A_551] : memref<64x129xf32, #tpu.memory_space<vmem>> -> memref<8x128xf32, #tpu.memory_space<vmem>>
      %dma_start3A_553 = arith.constant 0 : i32
      %dma_start3A_554 = arith.constant 0 : i32
      %dma_start3A_555 = tpu.memref_slice %arg4[%select_n3A, %dma_start3A_549, %select_n3A_473, %dma_start3A_553, %dma_start3A_554] : memref<50x8x128x8x128xf32, #tpu.memory_space<hbm>> -> memref<1x1x1x8x128xf32, #tpu.memory_space<hbm>>
      %dma_start3A_556 = tpu.memref_squeeze %dma_start3A_555 : memref<1x1x1x8x128xf32, #tpu.memory_space<hbm>> -> memref<8x128xf32, #tpu.memory_space<hbm>>
      %dma_start3A_557 = arith.constant 0 : i32
      %dma_start3A_558 = arith.constant 0 : i32
      %dma_start3A_559 = tpu.memref_slice %arg4[%select_n3A, %dma_start3A_549, %select_n3A_473, %dma_start3A_557, %dma_start3A_558] : memref<50x8x128x8x128xf32, #tpu.memory_space<hbm>> -> memref<1x1x1x8x128xf32, #tpu.memory_space<hbm>>
      %dma_start3A_560 = tpu.memref_squeeze %dma_start3A_559 : memref<1x1x1x8x128xf32, #tpu.memory_space<hbm>> -> memref<8x128xf32, #tpu.memory_space<hbm>>
      %dma_start3A_561 = arith.constant 40 : i32
      %dma_start3A_562 = arith.constant 0 : i32
      %dma_start3A_563 = tpu.memref_slice %arg9[%dma_start3A_561, %dma_start3A_562] : memref<64x129xf32, #tpu.memory_space<vmem>> -> memref<8x128xf32, #tpu.memory_space<vmem>>
      tpu.enqueue_dma source(%dma_start3A_563 : memref<8x128xf32, #tpu.memory_space<vmem>>) target(%dma_start3A_560 : memref<8x128xf32, #tpu.memory_space<hbm>>) target_semaphore(%arg13 : memref<!tpu.dma_semaphore, #tpu.memory_space<semaphore_mem>>)
      %dma_start3A_564 = arith.constant 6 : i32
      %dma_start3A_565 = arith.constant 48 : i32
      %dma_start3A_566 = arith.constant 0 : i32
      %dma_start3A_567 = tpu.memref_slice %arg9[%dma_start3A_565, %dma_start3A_566] : memref<64x129xf32, #tpu.memory_space<vmem>> -> memref<8x128xf32, #tpu.memory_space<vmem>>
      %dma_start3A_568 = arith.constant 0 : i32
      %dma_start3A_569 = arith.constant 0 : i32
      %dma_start3A_570 = tpu.memref_slice %arg4[%select_n3A, %dma_start3A_564, %select_n3A_473, %dma_start3A_568, %dma_start3A_569] : memref<50x8x128x8x128xf32, #tpu.memory_space<hbm>> -> memref<1x1x1x8x128xf32, #tpu.memory_space<hbm>>
      %dma_start3A_571 = tpu.memref_squeeze %dma_start3A_570 : memref<1x1x1x8x128xf32, #tpu.memory_space<hbm>> -> memref<8x128xf32, #tpu.memory_space<hbm>>
      %dma_start3A_572 = arith.constant 0 : i32
      %dma_start3A_573 = arith.constant 0 : i32
      %dma_start3A_574 = tpu.memref_slice %arg4[%select_n3A, %dma_start3A_564, %select_n3A_473, %dma_start3A_572, %dma_start3A_573] : memref<50x8x128x8x128xf32, #tpu.memory_space<hbm>> -> memref<1x1x1x8x128xf32, #tpu.memory_space<hbm>>
      %dma_start3A_575 = tpu.memref_squeeze %dma_start3A_574 : memref<1x1x1x8x128xf32, #tpu.memory_space<hbm>> -> memref<8x128xf32, #tpu.memory_space<hbm>>
      %dma_start3A_576 = arith.constant 48 : i32
      %dma_start3A_577 = arith.constant 0 : i32
      %dma_start3A_578 = tpu.memref_slice %arg9[%dma_start3A_576, %dma_start3A_577] : memref<64x129xf32, #tpu.memory_space<vmem>> -> memref<8x128xf32, #tpu.memory_space<vmem>>
      tpu.enqueue_dma source(%dma_start3A_578 : memref<8x128xf32, #tpu.memory_space<vmem>>) target(%dma_start3A_575 : memref<8x128xf32, #tpu.memory_space<hbm>>) target_semaphore(%arg13 : memref<!tpu.dma_semaphore, #tpu.memory_space<semaphore_mem>>)
      %dma_start3A_579 = arith.constant 7 : i32
      %dma_start3A_580 = arith.constant 56 : i32
      %dma_start3A_581 = arith.constant 0 : i32
      %dma_start3A_582 = tpu.memref_slice %arg9[%dma_start3A_580, %dma_start3A_581] : memref<64x129xf32, #tpu.memory_space<vmem>> -> memref<8x128xf32, #tpu.memory_space<vmem>>
      %dma_start3A_583 = arith.constant 0 : i32
      %dma_start3A_584 = arith.constant 0 : i32
      %dma_start3A_585 = tpu.memref_slice %arg4[%select_n3A, %dma_start3A_579, %select_n3A_473, %dma_start3A_583, %dma_start3A_584] : memref<50x8x128x8x128xf32, #tpu.memory_space<hbm>> -> memref<1x1x1x8x128xf32, #tpu.memory_space<hbm>>
      %dma_start3A_586 = tpu.memref_squeeze %dma_start3A_585 : memref<1x1x1x8x128xf32, #tpu.memory_space<hbm>> -> memref<8x128xf32, #tpu.memory_space<hbm>>
      %dma_start3A_587 = arith.constant 0 : i32
      %dma_start3A_588 = arith.constant 0 : i32
      %dma_start3A_589 = tpu.memref_slice %arg4[%select_n3A, %dma_start3A_579, %select_n3A_473, %dma_start3A_587, %dma_start3A_588] : memref<50x8x128x8x128xf32, #tpu.memory_space<hbm>> -> memref<1x1x1x8x128xf32, #tpu.memory_space<hbm>>
      %dma_start3A_590 = tpu.memref_squeeze %dma_start3A_589 : memref<1x1x1x8x128xf32, #tpu.memory_space<hbm>> -> memref<8x128xf32, #tpu.memory_space<hbm>>
      %dma_start3A_591 = arith.constant 56 : i32
      %dma_start3A_592 = arith.constant 0 : i32
      %dma_start3A_593 = tpu.memref_slice %arg9[%dma_start3A_591, %dma_start3A_592] : memref<64x129xf32, #tpu.memory_space<vmem>> -> memref<8x128xf32, #tpu.memory_space<vmem>>
      tpu.enqueue_dma source(%dma_start3A_593 : memref<8x128xf32, #tpu.memory_space<vmem>>) target(%dma_start3A_590 : memref<8x128xf32, #tpu.memory_space<hbm>>) target_semaphore(%arg13 : memref<!tpu.dma_semaphore, #tpu.memory_space<semaphore_mem>>)
      %mul3A_594 = arith.constant 2 : i32
      %mul3A_595 = arith.muli %scan3A_394, %mul3A_594 : i32
      %add3A_596 = arith.constant 1 : i32
      %add3A_597 = arith.addi %mul3A_595, %add3A_596 : i32
      %dma_wait3A_598 = arith.constant 0 : i32
      %dma_wait3A_599 = arith.constant 0 : i32
      %dma_wait3A_600 = tpu.memref_slice %arg3[%dma_wait3A_598, %dma_wait3A_599] : memref<1000000x64xf32, #tpu.memory_space<hbm>> -> memref<128x64xf32, #tpu.memory_space<hbm>>
      %dma_wait3A_601 = arith.constant 0 : i32
      %dma_wait3A_602 = arith.constant 0 : i32
      %dma_wait3A_603 = tpu.memref_slice %arg3[%dma_wait3A_601, %dma_wait3A_602] : memref<1000000x64xf32, #tpu.memory_space<hbm>> -> memref<128x64xf32, #tpu.memory_space<hbm>>
      tpu.wait_dma2 semaphore(%arg12 : memref<!tpu.dma_semaphore, #tpu.memory_space<semaphore_mem>>) src(%dma_wait3A_603 : memref<128x64xf32, #tpu.memory_space<hbm>>) dst(%arg8 : memref<128x64xf32, #tpu.memory_space<vmem>>)
      %ge3A_604 = arith.constant 2 : i32
      %ge3A_605 = arith.cmpi sge, %add3A_597, %ge3A_604 : i32
      %convert_element_type3A_606 = arith.extui %ge3A_605 : i1 to i32
      %cond3A_607 = arith.constant 0 : i32
      %cond3A_608 = arith.cmpi ne, %convert_element_type3A_606, %cond3A_607 : i32
      scf.if %cond3A_608 {
        %dma_wait3A_807 = arith.constant 0 : i32
        %dma_wait3A_808 = arith.constant 0 : i32
        %dma_wait3A_809 = arith.constant 0 : i32
        %dma_wait3A_810 = arith.constant 0 : i32
        %dma_wait3A_811 = arith.constant 0 : i32
        %dma_wait3A_812 = tpu.memref_slice %arg10[%dma_wait3A_810, %dma_wait3A_811] : memref<64x129xf32, #tpu.memory_space<vmem>> -> memref<8x128xf32, #tpu.memory_space<vmem>>
        %dma_wait3A_813 = arith.constant 0 : i32
        %dma_wait3A_814 = arith.constant 0 : i32
        %dma_wait3A_815 = tpu.memref_slice %arg4[%dma_wait3A_807, %dma_wait3A_808, %dma_wait3A_809, %dma_wait3A_813, %dma_wait3A_814] : memref<50x8x128x8x128xf32, #tpu.memory_space<hbm>> -> memref<1x1x1x8x128xf32, #tpu.memory_space<hbm>>
        %dma_wait3A_816 = tpu.memref_squeeze %dma_wait3A_815 : memref<1x1x1x8x128xf32, #tpu.memory_space<hbm>> -> memref<8x128xf32, #tpu.memory_space<hbm>>
        %dma_wait3A_817 = arith.constant 0 : i32
        %dma_wait3A_818 = arith.constant 0 : i32
        %dma_wait3A_819 = tpu.memref_slice %arg10[%dma_wait3A_817, %dma_wait3A_818] : memref<64x129xf32, #tpu.memory_space<vmem>> -> memref<8x128xf32, #tpu.memory_space<vmem>>
        %dma_wait3A_820 = arith.constant 0 : i32
        %dma_wait3A_821 = arith.constant 0 : i32
        %dma_wait3A_822 = tpu.memref_slice %arg4[%dma_wait3A_807, %dma_wait3A_808, %dma_wait3A_809, %dma_wait3A_820, %dma_wait3A_821] : memref<50x8x128x8x128xf32, #tpu.memory_space<hbm>> -> memref<1x1x1x8x128xf32, #tpu.memory_space<hbm>>
        %dma_wait3A_823 = tpu.memref_squeeze %dma_wait3A_822 : memref<1x1x1x8x128xf32, #tpu.memory_space<hbm>> -> memref<8x128xf32, #tpu.memory_space<hbm>>
        tpu.wait_dma2 semaphore(%arg14 : memref<!tpu.dma_semaphore, #tpu.memory_space<semaphore_mem>>) src(%dma_wait3A_823 : memref<8x128xf32, #tpu.memory_space<hbm>>) dst(%dma_wait3A_819 : memref<8x128xf32, #tpu.memory_space<vmem>>)
        %dma_wait3A_824 = arith.constant 0 : i32
        %dma_wait3A_825 = arith.constant 0 : i32
        %dma_wait3A_826 = arith.constant 0 : i32
        %dma_wait3A_827 = arith.constant 0 : i32
        %dma_wait3A_828 = arith.constant 0 : i32
        %dma_wait3A_829 = tpu.memref_slice %arg10[%dma_wait3A_827, %dma_wait3A_828] : memref<64x129xf32, #tpu.memory_space<vmem>> -> memref<8x128xf32, #tpu.memory_space<vmem>>
        %dma_wait3A_830 = arith.constant 0 : i32
        %dma_wait3A_831 = arith.constant 0 : i32
        %dma_wait3A_832 = tpu.memref_slice %arg4[%dma_wait3A_824, %dma_wait3A_825, %dma_wait3A_826, %dma_wait3A_830, %dma_wait3A_831] : memref<50x8x128x8x128xf32, #tpu.memory_space<hbm>> -> memref<1x1x1x8x128xf32, #tpu.memory_space<hbm>>
        %dma_wait3A_833 = tpu.memref_squeeze %dma_wait3A_832 : memref<1x1x1x8x128xf32, #tpu.memory_space<hbm>> -> memref<8x128xf32, #tpu.memory_space<hbm>>
        %dma_wait3A_834 = arith.constant 0 : i32
        %dma_wait3A_835 = arith.constant 0 : i32
        %dma_wait3A_836 = tpu.memref_slice %arg10[%dma_wait3A_834, %dma_wait3A_835] : memref<64x129xf32, #tpu.memory_space<vmem>> -> memref<8x128xf32, #tpu.memory_space<vmem>>
        %dma_wait3A_837 = arith.constant 0 : i32
        %dma_wait3A_838 = arith.constant 0 : i32
        %dma_wait3A_839 = tpu.memref_slice %arg4[%dma_wait3A_824, %dma_wait3A_825, %dma_wait3A_826, %dma_wait3A_837, %dma_wait3A_838] : memref<50x8x128x8x128xf32, #tpu.memory_space<hbm>> -> memref<1x1x1x8x128xf32, #tpu.memory_space<hbm>>
        %dma_wait3A_840 = tpu.memref_squeeze %dma_wait3A_839 : memref<1x1x1x8x128xf32, #tpu.memory_space<hbm>> -> memref<8x128xf32, #tpu.memory_space<hbm>>
        tpu.wait_dma2 semaphore(%arg14 : memref<!tpu.dma_semaphore, #tpu.memory_space<semaphore_mem>>) src(%dma_wait3A_840 : memref<8x128xf32, #tpu.memory_space<hbm>>) dst(%dma_wait3A_836 : memref<8x128xf32, #tpu.memory_space<vmem>>)
        %dma_wait3A_841 = arith.constant 0 : i32
        %dma_wait3A_842 = arith.constant 0 : i32
        %dma_wait3A_843 = arith.constant 0 : i32
        %dma_wait3A_844 = arith.constant 0 : i32
        %dma_wait3A_845 = arith.constant 0 : i32
        %dma_wait3A_846 = tpu.memref_slice %arg10[%dma_wait3A_844, %dma_wait3A_845] : memref<64x129xf32, #tpu.memory_space<vmem>> -> memref<8x128xf32, #tpu.memory_space<vmem>>
        %dma_wait3A_847 = arith.constant 0 : i32
        %dma_wait3A_848 = arith.constant 0 : i32
        %dma_wait3A_849 = tpu.memref_slice %arg4[%dma_wait3A_841, %dma_wait3A_842, %dma_wait3A_843, %dma_wait3A_847, %dma_wait3A_848] : memref<50x8x128x8x128xf32, #tpu.memory_space<hbm>> -> memref<1x1x1x8x128xf32, #tpu.memory_space<hbm>>
        %dma_wait3A_850 = tpu.memref_squeeze %dma_wait3A_849 : memref<1x1x1x8x128xf32, #tpu.memory_space<hbm>> -> memref<8x128xf32, #tpu.memory_space<hbm>>
        %dma_wait3A_851 = arith.constant 0 : i32
        %dma_wait3A_852 = arith.constant 0 : i32
        %dma_wait3A_853 = tpu.memref_slice %arg10[%dma_wait3A_851, %dma_wait3A_852] : memref<64x129xf32, #tpu.memory_space<vmem>> -> memref<8x128xf32, #tpu.memory_space<vmem>>
        %dma_wait3A_854 = arith.constant 0 : i32
        %dma_wait3A_855 = arith.constant 0 : i32
        %dma_wait3A_856 = tpu.memref_slice %arg4[%dma_wait3A_841, %dma_wait3A_842, %dma_wait3A_843, %dma_wait3A_854, %dma_wait3A_855] : memref<50x8x128x8x128xf32, #tpu.memory_space<hbm>> -> memref<1x1x1x8x128xf32, #tpu.memory_space<hbm>>
        %dma_wait3A_857 = tpu.memref_squeeze %dma_wait3A_856 : memref<1x1x1x8x128xf32, #tpu.memory_space<hbm>> -> memref<8x128xf32, #tpu.memory_space<hbm>>
        tpu.wait_dma2 semaphore(%arg14 : memref<!tpu.dma_semaphore, #tpu.memory_space<semaphore_mem>>) src(%dma_wait3A_857 : memref<8x128xf32, #tpu.memory_space<hbm>>) dst(%dma_wait3A_853 : memref<8x128xf32, #tpu.memory_space<vmem>>)
        %dma_wait3A_858 = arith.constant 0 : i32
        %dma_wait3A_859 = arith.constant 0 : i32
        %dma_wait3A_860 = arith.constant 0 : i32
        %dma_wait3A_861 = arith.constant 0 : i32
        %dma_wait3A_862 = arith.constant 0 : i32
        %dma_wait3A_863 = tpu.memref_slice %arg10[%dma_wait3A_861, %dma_wait3A_862] : memref<64x129xf32, #tpu.memory_space<vmem>> -> memref<8x128xf32, #tpu.memory_space<vmem>>
        %dma_wait3A_864 = arith.constant 0 : i32
        %dma_wait3A_865 = arith.constant 0 : i32
        %dma_wait3A_866 = tpu.memref_slice %arg4[%dma_wait3A_858, %dma_wait3A_859, %dma_wait3A_860, %dma_wait3A_864, %dma_wait3A_865] : memref<50x8x128x8x128xf32, #tpu.memory_space<hbm>> -> memref<1x1x1x8x128xf32, #tpu.memory_space<hbm>>
        %dma_wait3A_867 = tpu.memref_squeeze %dma_wait3A_866 : memref<1x1x1x8x128xf32, #tpu.memory_space<hbm>> -> memref<8x128xf32, #tpu.memory_space<hbm>>
        %dma_wait3A_868 = arith.constant 0 : i32
        %dma_wait3A_869 = arith.constant 0 : i32
        %dma_wait3A_870 = tpu.memref_slice %arg10[%dma_wait3A_868, %dma_wait3A_869] : memref<64x129xf32, #tpu.memory_space<vmem>> -> memref<8x128xf32, #tpu.memory_space<vmem>>
        %dma_wait3A_871 = arith.constant 0 : i32
        %dma_wait3A_872 = arith.constant 0 : i32
        %dma_wait3A_873 = tpu.memref_slice %arg4[%dma_wait3A_858, %dma_wait3A_859, %dma_wait3A_860, %dma_wait3A_871, %dma_wait3A_872] : memref<50x8x128x8x128xf32, #tpu.memory_space<hbm>> -> memref<1x1x1x8x128xf32, #tpu.memory_space<hbm>>
        %dma_wait3A_874 = tpu.memref_squeeze %dma_wait3A_873 : memref<1x1x1x8x128xf32, #tpu.memory_space<hbm>> -> memref<8x128xf32, #tpu.memory_space<hbm>>
        tpu.wait_dma2 semaphore(%arg14 : memref<!tpu.dma_semaphore, #tpu.memory_space<semaphore_mem>>) src(%dma_wait3A_874 : memref<8x128xf32, #tpu.memory_space<hbm>>) dst(%dma_wait3A_870 : memref<8x128xf32, #tpu.memory_space<vmem>>)
        %dma_wait3A_875 = arith.constant 0 : i32
        %dma_wait3A_876 = arith.constant 0 : i32
        %dma_wait3A_877 = arith.constant 0 : i32
        %dma_wait3A_878 = arith.constant 0 : i32
        %dma_wait3A_879 = arith.constant 0 : i32
        %dma_wait3A_880 = tpu.memref_slice %arg10[%dma_wait3A_878, %dma_wait3A_879] : memref<64x129xf32, #tpu.memory_space<vmem>> -> memref<8x128xf32, #tpu.memory_space<vmem>>
        %dma_wait3A_881 = arith.constant 0 : i32
        %dma_wait3A_882 = arith.constant 0 : i32
        %dma_wait3A_883 = tpu.memref_slice %arg4[%dma_wait3A_875, %dma_wait3A_876, %dma_wait3A_877, %dma_wait3A_881, %dma_wait3A_882] : memref<50x8x128x8x128xf32, #tpu.memory_space<hbm>> -> memref<1x1x1x8x128xf32, #tpu.memory_space<hbm>>
        %dma_wait3A_884 = tpu.memref_squeeze %dma_wait3A_883 : memref<1x1x1x8x128xf32, #tpu.memory_space<hbm>> -> memref<8x128xf32, #tpu.memory_space<hbm>>
        %dma_wait3A_885 = arith.constant 0 : i32
        %dma_wait3A_886 = arith.constant 0 : i32
        %dma_wait3A_887 = tpu.memref_slice %arg10[%dma_wait3A_885, %dma_wait3A_886] : memref<64x129xf32, #tpu.memory_space<vmem>> -> memref<8x128xf32, #tpu.memory_space<vmem>>
        %dma_wait3A_888 = arith.constant 0 : i32
        %dma_wait3A_889 = arith.constant 0 : i32
        %dma_wait3A_890 = tpu.memref_slice %arg4[%dma_wait3A_875, %dma_wait3A_876, %dma_wait3A_877, %dma_wait3A_888, %dma_wait3A_889] : memref<50x8x128x8x128xf32, #tpu.memory_space<hbm>> -> memref<1x1x1x8x128xf32, #tpu.memory_space<hbm>>
        %dma_wait3A_891 = tpu.memref_squeeze %dma_wait3A_890 : memref<1x1x1x8x128xf32, #tpu.memory_space<hbm>> -> memref<8x128xf32, #tpu.memory_space<hbm>>
        tpu.wait_dma2 semaphore(%arg14 : memref<!tpu.dma_semaphore, #tpu.memory_space<semaphore_mem>>) src(%dma_wait3A_891 : memref<8x128xf32, #tpu.memory_space<hbm>>) dst(%dma_wait3A_887 : memref<8x128xf32, #tpu.memory_space<vmem>>)
        %dma_wait3A_892 = arith.constant 0 : i32
        %dma_wait3A_893 = arith.constant 0 : i32
        %dma_wait3A_894 = arith.constant 0 : i32
        %dma_wait3A_895 = arith.constant 0 : i32
        %dma_wait3A_896 = arith.constant 0 : i32
        %dma_wait3A_897 = tpu.memref_slice %arg10[%dma_wait3A_895, %dma_wait3A_896] : memref<64x129xf32, #tpu.memory_space<vmem>> -> memref<8x128xf32, #tpu.memory_space<vmem>>
        %dma_wait3A_898 = arith.constant 0 : i32
        %dma_wait3A_899 = arith.constant 0 : i32
        %dma_wait3A_900 = tpu.memref_slice %arg4[%dma_wait3A_892, %dma_wait3A_893, %dma_wait3A_894, %dma_wait3A_898, %dma_wait3A_899] : memref<50x8x128x8x128xf32, #tpu.memory_space<hbm>> -> memref<1x1x1x8x128xf32, #tpu.memory_space<hbm>>
        %dma_wait3A_901 = tpu.memref_squeeze %dma_wait3A_900 : memref<1x1x1x8x128xf32, #tpu.memory_space<hbm>> -> memref<8x128xf32, #tpu.memory_space<hbm>>
        %dma_wait3A_902 = arith.constant 0 : i32
        %dma_wait3A_903 = arith.constant 0 : i32
        %dma_wait3A_904 = tpu.memref_slice %arg10[%dma_wait3A_902, %dma_wait3A_903] : memref<64x129xf32, #tpu.memory_space<vmem>> -> memref<8x128xf32, #tpu.memory_space<vmem>>
        %dma_wait3A_905 = arith.constant 0 : i32
        %dma_wait3A_906 = arith.constant 0 : i32
        %dma_wait3A_907 = tpu.memref_slice %arg4[%dma_wait3A_892, %dma_wait3A_893, %dma_wait3A_894, %dma_wait3A_905, %dma_wait3A_906] : memref<50x8x128x8x128xf32, #tpu.memory_space<hbm>> -> memref<1x1x1x8x128xf32, #tpu.memory_space<hbm>>
        %dma_wait3A_908 = tpu.memref_squeeze %dma_wait3A_907 : memref<1x1x1x8x128xf32, #tpu.memory_space<hbm>> -> memref<8x128xf32, #tpu.memory_space<hbm>>
        tpu.wait_dma2 semaphore(%arg14 : memref<!tpu.dma_semaphore, #tpu.memory_space<semaphore_mem>>) src(%dma_wait3A_908 : memref<8x128xf32, #tpu.memory_space<hbm>>) dst(%dma_wait3A_904 : memref<8x128xf32, #tpu.memory_space<vmem>>)
        %dma_wait3A_909 = arith.constant 0 : i32
        %dma_wait3A_910 = arith.constant 0 : i32
        %dma_wait3A_911 = arith.constant 0 : i32
        %dma_wait3A_912 = arith.constant 0 : i32
        %dma_wait3A_913 = arith.constant 0 : i32
        %dma_wait3A_914 = tpu.memref_slice %arg10[%dma_wait3A_912, %dma_wait3A_913] : memref<64x129xf32, #tpu.memory_space<vmem>> -> memref<8x128xf32, #tpu.memory_space<vmem>>
        %dma_wait3A_915 = arith.constant 0 : i32
        %dma_wait3A_916 = arith.constant 0 : i32
        %dma_wait3A_917 = tpu.memref_slice %arg4[%dma_wait3A_909, %dma_wait3A_910, %dma_wait3A_911, %dma_wait3A_915, %dma_wait3A_916] : memref<50x8x128x8x128xf32, #tpu.memory_space<hbm>> -> memref<1x1x1x8x128xf32, #tpu.memory_space<hbm>>
        %dma_wait3A_918 = tpu.memref_squeeze %dma_wait3A_917 : memref<1x1x1x8x128xf32, #tpu.memory_space<hbm>> -> memref<8x128xf32, #tpu.memory_space<hbm>>
        %dma_wait3A_919 = arith.constant 0 : i32
        %dma_wait3A_920 = arith.constant 0 : i32
        %dma_wait3A_921 = tpu.memref_slice %arg10[%dma_wait3A_919, %dma_wait3A_920] : memref<64x129xf32, #tpu.memory_space<vmem>> -> memref<8x128xf32, #tpu.memory_space<vmem>>
        %dma_wait3A_922 = arith.constant 0 : i32
        %dma_wait3A_923 = arith.constant 0 : i32
        %dma_wait3A_924 = tpu.memref_slice %arg4[%dma_wait3A_909, %dma_wait3A_910, %dma_wait3A_911, %dma_wait3A_922, %dma_wait3A_923] : memref<50x8x128x8x128xf32, #tpu.memory_space<hbm>> -> memref<1x1x1x8x128xf32, #tpu.memory_space<hbm>>
        %dma_wait3A_925 = tpu.memref_squeeze %dma_wait3A_924 : memref<1x1x1x8x128xf32, #tpu.memory_space<hbm>> -> memref<8x128xf32, #tpu.memory_space<hbm>>
        tpu.wait_dma2 semaphore(%arg14 : memref<!tpu.dma_semaphore, #tpu.memory_space<semaphore_mem>>) src(%dma_wait3A_925 : memref<8x128xf32, #tpu.memory_space<hbm>>) dst(%dma_wait3A_921 : memref<8x128xf32, #tpu.memory_space<vmem>>)
        %dma_wait3A_926 = arith.constant 0 : i32
        %dma_wait3A_927 = arith.constant 0 : i32
        %dma_wait3A_928 = arith.constant 0 : i32
        %dma_wait3A_929 = arith.constant 0 : i32
        %dma_wait3A_930 = arith.constant 0 : i32
        %dma_wait3A_931 = tpu.memref_slice %arg10[%dma_wait3A_929, %dma_wait3A_930] : memref<64x129xf32, #tpu.memory_space<vmem>> -> memref<8x128xf32, #tpu.memory_space<vmem>>
        %dma_wait3A_932 = arith.constant 0 : i32
        %dma_wait3A_933 = arith.constant 0 : i32
        %dma_wait3A_934 = tpu.memref_slice %arg4[%dma_wait3A_926, %dma_wait3A_927, %dma_wait3A_928, %dma_wait3A_932, %dma_wait3A_933] : memref<50x8x128x8x128xf32, #tpu.memory_space<hbm>> -> memref<1x1x1x8x128xf32, #tpu.memory_space<hbm>>
        %dma_wait3A_935 = tpu.memref_squeeze %dma_wait3A_934 : memref<1x1x1x8x128xf32, #tpu.memory_space<hbm>> -> memref<8x128xf32, #tpu.memory_space<hbm>>
        %dma_wait3A_936 = arith.constant 0 : i32
        %dma_wait3A_937 = arith.constant 0 : i32
        %dma_wait3A_938 = tpu.memref_slice %arg10[%dma_wait3A_936, %dma_wait3A_937] : memref<64x129xf32, #tpu.memory_space<vmem>> -> memref<8x128xf32, #tpu.memory_space<vmem>>
        %dma_wait3A_939 = arith.constant 0 : i32
        %dma_wait3A_940 = arith.constant 0 : i32
        %dma_wait3A_941 = tpu.memref_slice %arg4[%dma_wait3A_926, %dma_wait3A_927, %dma_wait3A_928, %dma_wait3A_939, %dma_wait3A_940] : memref<50x8x128x8x128xf32, #tpu.memory_space<hbm>> -> memref<1x1x1x8x128xf32, #tpu.memory_space<hbm>>
        %dma_wait3A_942 = tpu.memref_squeeze %dma_wait3A_941 : memref<1x1x1x8x128xf32, #tpu.memory_space<hbm>> -> memref<8x128xf32, #tpu.memory_space<hbm>>
        tpu.wait_dma2 semaphore(%arg14 : memref<!tpu.dma_semaphore, #tpu.memory_space<semaphore_mem>>) src(%dma_wait3A_942 : memref<8x128xf32, #tpu.memory_space<hbm>>) dst(%dma_wait3A_938 : memref<8x128xf32, #tpu.memory_space<vmem>>)
      } else {
      }
      %parallel_loop3A_609 = arith.constant 0 : i32
      %parallel_loop3A_610 = arith.constant 128 : i32
      %parallel_loop3A_611 = arith.constant 1 : i32
      scf.for %parallel_loop3A_807 = %parallel_loop3A_609 to %parallel_loop3A_610 step %parallel_loop3A_611  : i32 {
        %parallel_loop3A_808 = vector.broadcast %parallel_loop3A_807 : i32 to vector<16xi32>
        %parallel_loop3A_809 = arith.index_cast %parallel_loop3A_807 : i32 to index
        %parallel_loop3A_810 = arith.constant 0 : index
        %parallel_loop3A_811 = tpu.vector_load %arg8[%parallel_loop3A_809, %parallel_loop3A_810] {strides = array<i32>} : memref<128x64xf32, #tpu.memory_space<vmem>>, vector<16xf32>,
        tpu.vector_store_idx %arg10[%add3A_5, %parallel_loop3A_808], %parallel_loop3A_811 : memref<64x129xf32, #tpu.memory_space<vmem>>[vector<16xi32>, vector<16xi32>], vector<16xf32>,
        %parallel_loop3A_812 = arith.index_cast %parallel_loop3A_807 : i32 to index
        %parallel_loop3A_813 = arith.constant 16 : index
        %parallel_loop3A_814 = tpu.vector_load %arg8[%parallel_loop3A_812, %parallel_loop3A_813] {strides = array<i32>} : memref<128x64xf32, #tpu.memory_space<vmem>>, vector<16xf32>,
        tpu.vector_store_idx %arg10[%add3A_8, %parallel_loop3A_808], %parallel_loop3A_814 : memref<64x129xf32, #tpu.memory_space<vmem>>[vector<16xi32>, vector<16xi32>], vector<16xf32>,
        %parallel_loop3A_815 = arith.index_cast %parallel_loop3A_807 : i32 to index
        %parallel_loop3A_816 = arith.constant 32 : index
        %parallel_loop3A_817 = tpu.vector_load %arg8[%parallel_loop3A_815, %parallel_loop3A_816] {strides = array<i32>} : memref<128x64xf32, #tpu.memory_space<vmem>>, vector<16xf32>,
        tpu.vector_store_idx %arg10[%add3A_11, %parallel_loop3A_808], %parallel_loop3A_817 : memref<64x129xf32, #tpu.memory_space<vmem>>[vector<16xi32>, vector<16xi32>], vector<16xf32>,
        %parallel_loop3A_818 = arith.index_cast %parallel_loop3A_807 : i32 to index
        %parallel_loop3A_819 = arith.constant 48 : index
        %parallel_loop3A_820 = tpu.vector_load %arg8[%parallel_loop3A_818, %parallel_loop3A_819] {strides = array<i32>} : memref<128x64xf32, #tpu.memory_space<vmem>>, vector<16xf32>,
        tpu.vector_store_idx %arg10[%add3A_14, %parallel_loop3A_808], %parallel_loop3A_820 : memref<64x129xf32, #tpu.memory_space<vmem>>[vector<16xi32>, vector<16xi32>], vector<16xf32>,
      } {sc.loop_unroll_factor = 8 : i64, sc.parallel_access}
      %add3A_612 = arith.constant 2 : i32
      %add3A_613 = arith.addi %add3A_597, %add3A_612 : i32
      %lt3A_614 = arith.constant 200 : i32
      %lt3A_615 = arith.cmpi slt, %add3A_613, %lt3A_614 : i32
      %convert_element_type3A_616 = arith.extui %lt3A_615 : i1 to i32
      %cond3A_617 = arith.constant 0 : i32
      %cond3A_618 = arith.cmpi ne, %convert_element_type3A_616, %cond3A_617 : i32
      scf.if %cond3A_618 {
        %jit3A_807 = arith.constant 4 : i32
        %div3A_808 = arith.divsi %add3A_613, %jit3A_807 : i32
        %sign3A_809 = arith.constant 0 : i32
        %sign3A_810 = arith.cmpi sgt, %add3A_613, %sign3A_809 : i32
        %sign3A_811 = arith.extui %sign3A_810 : i1 to i32
        %sign3A_812 = arith.constant 0 : i32
        %sign3A_813 = arith.cmpi slt, %add3A_613, %sign3A_812 : i32
        %sign3A_814 = arith.extui %sign3A_813 : i1 to i32
        %sign3A_815 = arith.subi %sign3A_811, %sign3A_814 : i32
        %sign3A_816 = arith.constant 0 : i32
        %sign3A_817 = arith.cmpi sgt, %jit3A_807, %sign3A_816 : i32
        %sign3A_818 = arith.extui %sign3A_817 : i1 to i32
        %sign3A_819 = arith.constant 0 : i32
        %sign3A_820 = arith.cmpi slt, %jit3A_807, %sign3A_819 : i32
        %sign3A_821 = arith.extui %sign3A_820 : i1 to i32
        %sign3A_822 = arith.subi %sign3A_818, %sign3A_821 : i32
        %ne3A_823 = arith.cmpi ne, %sign3A_815, %sign3A_822 : i32
        %rem3A_824 = arith.remsi %add3A_613, %jit3A_807 : i32
        %ne3A_825 = arith.constant 0 : i32
        %ne3A_826 = arith.cmpi ne, %rem3A_824, %ne3A_825 : i32
        %and3A_827 = arith.andi %ne3A_823, %ne3A_826 : i1
        %sub3A_828 = arith.constant 1 : i32
        %sub3A_829 = arith.subi %div3A_808, %sub3A_828 : i32
        %select_n3A_830 = arith.select %and3A_827, %sub3A_829, %div3A_808 : i32
        %jit3A_831 = arith.constant 4 : i32
        %eq3A_832 = arith.constant 0 : i32
        %eq3A_833 = arith.cmpi eq, %jit3A_831, %eq3A_832 : i32
        %jit3A_834 = arith.constant 1 : i32
        %select_n3A_835 = arith.select %eq3A_833, %jit3A_834, %jit3A_831 : i32
        %rem3A_836 = arith.remsi %add3A_613, %select_n3A_835 : i32
        %ne3A_837 = arith.constant 0 : i32
        %ne3A_838 = arith.cmpi ne, %rem3A_836, %ne3A_837 : i32
        %lt3A_839 = arith.constant 0 : i32
        %lt3A_840 = arith.cmpi slt, %rem3A_836, %lt3A_839 : i32
        %lt3A_841 = arith.constant 0 : i32
        %lt3A_842 = arith.cmpi slt, %select_n3A_835, %lt3A_841 : i32
        %ne3A_843 = arith.xori %lt3A_840, %lt3A_842 : i1
        %and3A_844 = arith.andi %ne3A_843, %ne3A_838 : i1
        %add3A_845 = arith.addi %rem3A_836, %select_n3A_835 : i32
        %select_n3A_846 = arith.select %and3A_844, %add3A_845, %rem3A_836 : i32
        %mul3A_847 = arith.constant 128 : i32
        %mul3A_848 = arith.muli %select_n3A_846, %mul3A_847 : i32
        %dma_start3A_849 = tpu.memref_slice %arg6[%select_n3A_830, %mul3A_848] : memref<50x512xi32, #tpu.memory_space<vmem>> -> memref<1x128xi32, #tpu.memory_space<vmem>>
        %dma_start3A_850 = tpu.memref_squeeze %dma_start3A_849 : memref<1x128xi32, #tpu.memory_space<vmem>> -> memref<128xi32, #tpu.memory_space<vmem>>
        %dma_start3A_851 = arith.constant 0 : i32
        %dma_start3A_852 = arith.constant 0 : i32
        %dma_start3A_853 = tpu.memref_slice %arg3[%dma_start3A_851, %dma_start3A_852] : memref<1000000x64xf32, #tpu.memory_space<hbm>> -> memref<1000000x64xf32, #tpu.memory_space<hbm>>
        tpu.enqueue_indirect_dma source(%dma_start3A_853 : memref<1000000x64xf32, #tpu.memory_space<hbm>>) target(%arg8 : memref<128x64xf32, #tpu.memory_space<vmem>>) offsets(%dma_start3A_850 : memref<128xi32, #tpu.memory_space<vmem>>) semaphore(%arg12 : memref<!tpu.dma_semaphore, #tpu.memory_space<semaphore_mem>>)
      } else {
      }
      %jit3A_619 = arith.constant 4 : i32
      %div3A_620 = arith.divsi %add3A_597, %jit3A_619 : i32
      %sign3A_621 = arith.constant 0 : i32
      %sign3A_622 = arith.cmpi sgt, %add3A_597, %sign3A_621 : i32
      %sign3A_623 = arith.extui %sign3A_622 : i1 to i32
      %sign3A_624 = arith.constant 0 : i32
      %sign3A_625 = arith.cmpi slt, %add3A_597, %sign3A_624 : i32
      %sign3A_626 = arith.extui %sign3A_625 : i1 to i32
      %sign3A_627 = arith.subi %sign3A_623, %sign3A_626 : i32
      %sign3A_628 = arith.constant 0 : i32
      %sign3A_629 = arith.cmpi sgt, %jit3A_619, %sign3A_628 : i32
      %sign3A_630 = arith.extui %sign3A_629 : i1 to i32
      %sign3A_631 = arith.constant 0 : i32
      %sign3A_632 = arith.cmpi slt, %jit3A_619, %sign3A_631 : i32
      %sign3A_633 = arith.extui %sign3A_632 : i1 to i32
      %sign3A_634 = arith.subi %sign3A_630, %sign3A_633 : i32
      %ne3A_635 = arith.cmpi ne, %sign3A_627, %sign3A_634 : i32
      %rem3A_636 = arith.remsi %add3A_597, %jit3A_619 : i32
      %ne3A_637 = arith.constant 0 : i32
      %ne3A_638 = arith.cmpi ne, %rem3A_636, %ne3A_637 : i32
      %and3A_639 = arith.andi %ne3A_635, %ne3A_638 : i1
      %sub3A_640 = arith.constant 1 : i32
      %sub3A_641 = arith.subi %div3A_620, %sub3A_640 : i32
      %select_n3A_642 = arith.select %and3A_639, %sub3A_641, %div3A_620 : i32
      %jit3A_643 = arith.constant 4 : i32
      %eq3A_644 = arith.constant 0 : i32
      %eq3A_645 = arith.cmpi eq, %jit3A_643, %eq3A_644 : i32
      %jit3A_646 = arith.constant 1 : i32
      %select_n3A_647 = arith.select %eq3A_645, %jit3A_646, %jit3A_643 : i32
      %rem3A_648 = arith.remsi %add3A_597, %select_n3A_647 : i32
      %ne3A_649 = arith.constant 0 : i32
      %ne3A_650 = arith.cmpi ne, %rem3A_648, %ne3A_649 : i32
      %lt3A_651 = arith.constant 0 : i32
      %lt3A_652 = arith.cmpi slt, %rem3A_648, %lt3A_651 : i32
      %lt3A_653 = arith.constant 0 : i32
      %lt3A_654 = arith.cmpi slt, %select_n3A_647, %lt3A_653 : i32
      %ne3A_655 = arith.xori %lt3A_652, %lt3A_654 : i1
      %and3A_656 = arith.andi %ne3A_655, %ne3A_650 : i1
      %add3A_657 = arith.addi %rem3A_648, %select_n3A_647 : i32
      %select_n3A_658 = arith.select %and3A_656, %add3A_657, %rem3A_648 : i32
      %mul3A_659 = arith.constant 128 : i32
      %mul3A_660 = arith.muli %select_n3A_658, %mul3A_659 : i32
      %add3A_661 = arith.addi %mul3A_2, %mul3A_660 : i32
      %multiple_of3A_662 = tpu.assume_multiple %add3A_661, 128 : i32
      %jit3A_663 = arith.constant 128 : i32
      %div3A_664 = arith.divsi %multiple_of3A_662, %jit3A_663 : i32
      %sign3A_665 = arith.constant 0 : i32
      %sign3A_666 = arith.cmpi sgt, %multiple_of3A_662, %sign3A_665 : i32
      %sign3A_667 = arith.extui %sign3A_666 : i1 to i32
      %sign3A_668 = arith.constant 0 : i32
      %sign3A_669 = arith.cmpi slt, %multiple_of3A_662, %sign3A_668 : i32
      %sign3A_670 = arith.extui %sign3A_669 : i1 to i32
      %sign3A_671 = arith.subi %sign3A_667, %sign3A_670 : i32
      %sign3A_672 = arith.constant 0 : i32
      %sign3A_673 = arith.cmpi sgt, %jit3A_663, %sign3A_672 : i32
      %sign3A_674 = arith.extui %sign3A_673 : i1 to i32
      %sign3A_675 = arith.constant 0 : i32
      %sign3A_676 = arith.cmpi slt, %jit3A_663, %sign3A_675 : i32
      %sign3A_677 = arith.extui %sign3A_676 : i1 to i32
      %sign3A_678 = arith.subi %sign3A_674, %sign3A_677 : i32
      %ne3A_679 = arith.cmpi ne, %sign3A_671, %sign3A_678 : i32
      %rem3A_680 = arith.remsi %multiple_of3A_662, %jit3A_663 : i32
      %ne3A_681 = arith.constant 0 : i32
      %ne3A_682 = arith.cmpi ne, %rem3A_680, %ne3A_681 : i32
      %and3A_683 = arith.andi %ne3A_679, %ne3A_682 : i1
      %sub3A_684 = arith.constant 1 : i32
      %sub3A_685 = arith.subi %div3A_664, %sub3A_684 : i32
      %select_n3A_686 = arith.select %and3A_683, %sub3A_685, %div3A_664 : i32
      %dma_start3A_687 = arith.constant 0 : i32
      %dma_start3A_688 = arith.constant 0 : i32
      %dma_start3A_689 = arith.constant 0 : i32
      %dma_start3A_690 = tpu.memref_slice %arg10[%dma_start3A_688, %dma_start3A_689] : memref<64x129xf32, #tpu.memory_space<vmem>> -> memref<8x128xf32, #tpu.memory_space<vmem>>
      %dma_start3A_691 = arith.constant 0 : i32
      %dma_start3A_692 = arith.constant 0 : i32
      %dma_start3A_693 = tpu.memref_slice %arg4[%select_n3A_642, %dma_start3A_687, %select_n3A_686, %dma_start3A_691, %dma_start3A_692] : memref<50x8x128x8x128xf32, #tpu.memory_space<hbm>> -> memref<1x1x1x8x128xf32, #tpu.memory_space<hbm>>
      %dma_start3A_694 = tpu.memref_squeeze %dma_start3A_693 : memref<1x1x1x8x128xf32, #tpu.memory_space<hbm>> -> memref<8x128xf32, #tpu.memory_space<hbm>>
      %dma_start3A_695 = arith.constant 0 : i32
      %dma_start3A_696 = arith.constant 0 : i32
      %dma_start3A_697 = tpu.memref_slice %arg4[%select_n3A_642, %dma_start3A_687, %select_n3A_686, %dma_start3A_695, %dma_start3A_696] : memref<50x8x128x8x128xf32, #tpu.memory_space<hbm>> -> memref<1x1x1x8x128xf32, #tpu.memory_space<hbm>>
      %dma_start3A_698 = tpu.memref_squeeze %dma_start3A_697 : memref<1x1x1x8x128xf32, #tpu.memory_space<hbm>> -> memref<8x128xf32, #tpu.memory_space<hbm>>
      %dma_start3A_699 = arith.constant 0 : i32
      %dma_start3A_700 = arith.constant 0 : i32
      %dma_start3A_701 = tpu.memref_slice %arg10[%dma_start3A_699, %dma_start3A_700] : memref<64x129xf32, #tpu.memory_space<vmem>> -> memref<8x128xf32, #tpu.memory_space<vmem>>
      tpu.enqueue_dma source(%dma_start3A_701 : memref<8x128xf32, #tpu.memory_space<vmem>>) target(%dma_start3A_698 : memref<8x128xf32, #tpu.memory_space<hbm>>) target_semaphore(%arg14 : memref<!tpu.dma_semaphore, #tpu.memory_space<semaphore_mem>>)
      %dma_start3A_702 = arith.constant 1 : i32
      %dma_start3A_703 = arith.constant 8 : i32
      %dma_start3A_704 = arith.constant 0 : i32
      %dma_start3A_705 = tpu.memref_slice %arg10[%dma_start3A_703, %dma_start3A_704] : memref<64x129xf32, #tpu.memory_space<vmem>> -> memref<8x128xf32, #tpu.memory_space<vmem>>
      %dma_start3A_706 = arith.constant 0 : i32
      %dma_start3A_707 = arith.constant 0 : i32
      %dma_start3A_708 = tpu.memref_slice %arg4[%select_n3A_642, %dma_start3A_702, %select_n3A_686, %dma_start3A_706, %dma_start3A_707] : memref<50x8x128x8x128xf32, #tpu.memory_space<hbm>> -> memref<1x1x1x8x128xf32, #tpu.memory_space<hbm>>
      %dma_start3A_709 = tpu.memref_squeeze %dma_start3A_708 : memref<1x1x1x8x128xf32, #tpu.memory_space<hbm>> -> memref<8x128xf32, #tpu.memory_space<hbm>>
      %dma_start3A_710 = arith.constant 0 : i32
      %dma_start3A_711 = arith.constant 0 : i32
      %dma_start3A_712 = tpu.memref_slice %arg4[%select_n3A_642, %dma_start3A_702, %select_n3A_686, %dma_start3A_710, %dma_start3A_711] : memref<50x8x128x8x128xf32, #tpu.memory_space<hbm>> -> memref<1x1x1x8x128xf32, #tpu.memory_space<hbm>>
      %dma_start3A_713 = tpu.memref_squeeze %dma_start3A_712 : memref<1x1x1x8x128xf32, #tpu.memory_space<hbm>> -> memref<8x128xf32, #tpu.memory_space<hbm>>
      %dma_start3A_714 = arith.constant 8 : i32
      %dma_start3A_715 = arith.constant 0 : i32
      %dma_start3A_716 = tpu.memref_slice %arg10[%dma_start3A_714, %dma_start3A_715] : memref<64x129xf32, #tpu.memory_space<vmem>> -> memref<8x128xf32, #tpu.memory_space<vmem>>
      tpu.enqueue_dma source(%dma_start3A_716 : memref<8x128xf32, #tpu.memory_space<vmem>>) target(%dma_start3A_713 : memref<8x128xf32, #tpu.memory_space<hbm>>) target_semaphore(%arg14 : memref<!tpu.dma_semaphore, #tpu.memory_space<semaphore_mem>>)
      %dma_start3A_717 = arith.constant 2 : i32
      %dma_start3A_718 = arith.constant 16 : i32
      %dma_start3A_719 = arith.constant 0 : i32
      %dma_start3A_720 = tpu.memref_slice %arg10[%dma_start3A_718, %dma_start3A_719] : memref<64x129xf32, #tpu.memory_space<vmem>> -> memref<8x128xf32, #tpu.memory_space<vmem>>
      %dma_start3A_721 = arith.constant 0 : i32
      %dma_start3A_722 = arith.constant 0 : i32
      %dma_start3A_723 = tpu.memref_slice %arg4[%select_n3A_642, %dma_start3A_717, %select_n3A_686, %dma_start3A_721, %dma_start3A_722] : memref<50x8x128x8x128xf32, #tpu.memory_space<hbm>> -> memref<1x1x1x8x128xf32, #tpu.memory_space<hbm>>
      %dma_start3A_724 = tpu.memref_squeeze %dma_start3A_723 : memref<1x1x1x8x128xf32, #tpu.memory_space<hbm>> -> memref<8x128xf32, #tpu.memory_space<hbm>>
      %dma_start3A_725 = arith.constant 0 : i32
      %dma_start3A_726 = arith.constant 0 : i32
      %dma_start3A_727 = tpu.memref_slice %arg4[%select_n3A_642, %dma_start3A_717, %select_n3A_686, %dma_start3A_725, %dma_start3A_726] : memref<50x8x128x8x128xf32, #tpu.memory_space<hbm>> -> memref<1x1x1x8x128xf32, #tpu.memory_space<hbm>>
      %dma_start3A_728 = tpu.memref_squeeze %dma_start3A_727 : memref<1x1x1x8x128xf32, #tpu.memory_space<hbm>> -> memref<8x128xf32, #tpu.memory_space<hbm>>
      %dma_start3A_729 = arith.constant 16 : i32
      %dma_start3A_730 = arith.constant 0 : i32
      %dma_start3A_731 = tpu.memref_slice %arg10[%dma_start3A_729, %dma_start3A_730] : memref<64x129xf32, #tpu.memory_space<vmem>> -> memref<8x128xf32, #tpu.memory_space<vmem>>
      tpu.enqueue_dma source(%dma_start3A_731 : memref<8x128xf32, #tpu.memory_space<vmem>>) target(%dma_start3A_728 : memref<8x128xf32, #tpu.memory_space<hbm>>) target_semaphore(%arg14 : memref<!tpu.dma_semaphore, #tpu.memory_space<semaphore_mem>>)
      %dma_start3A_732 = arith.constant 3 : i32
      %dma_start3A_733 = arith.constant 24 : i32
      %dma_start3A_734 = arith.constant 0 : i32
      %dma_start3A_735 = tpu.memref_slice %arg10[%dma_start3A_733, %dma_start3A_734] : memref<64x129xf32, #tpu.memory_space<vmem>> -> memref<8x128xf32, #tpu.memory_space<vmem>>
      %dma_start3A_736 = arith.constant 0 : i32
      %dma_start3A_737 = arith.constant 0 : i32
      %dma_start3A_738 = tpu.memref_slice %arg4[%select_n3A_642, %dma_start3A_732, %select_n3A_686, %dma_start3A_736, %dma_start3A_737] : memref<50x8x128x8x128xf32, #tpu.memory_space<hbm>> -> memref<1x1x1x8x128xf32, #tpu.memory_space<hbm>>
      %dma_start3A_739 = tpu.memref_squeeze %dma_start3A_738 : memref<1x1x1x8x128xf32, #tpu.memory_space<hbm>> -> memref<8x128xf32, #tpu.memory_space<hbm>>
      %dma_start3A_740 = arith.constant 0 : i32
      %dma_start3A_741 = arith.constant 0 : i32
      %dma_start3A_742 = tpu.memref_slice %arg4[%select_n3A_642, %dma_start3A_732, %select_n3A_686, %dma_start3A_740, %dma_start3A_741] : memref<50x8x128x8x128xf32, #tpu.memory_space<hbm>> -> memref<1x1x1x8x128xf32, #tpu.memory_space<hbm>>
      %dma_start3A_743 = tpu.memref_squeeze %dma_start3A_742 : memref<1x1x1x8x128xf32, #tpu.memory_space<hbm>> -> memref<8x128xf32, #tpu.memory_space<hbm>>
      %dma_start3A_744 = arith.constant 24 : i32
      %dma_start3A_745 = arith.constant 0 : i32
      %dma_start3A_746 = tpu.memref_slice %arg10[%dma_start3A_744, %dma_start3A_745] : memref<64x129xf32, #tpu.memory_space<vmem>> -> memref<8x128xf32, #tpu.memory_space<vmem>>
      tpu.enqueue_dma source(%dma_start3A_746 : memref<8x128xf32, #tpu.memory_space<vmem>>) target(%dma_start3A_743 : memref<8x128xf32, #tpu.memory_space<hbm>>) target_semaphore(%arg14 : memref<!tpu.dma_semaphore, #tpu.memory_space<semaphore_mem>>)
      %dma_start3A_747 = arith.constant 4 : i32
      %dma_start3A_748 = arith.constant 32 : i32
      %dma_start3A_749 = arith.constant 0 : i32
      %dma_start3A_750 = tpu.memref_slice %arg10[%dma_start3A_748, %dma_start3A_749] : memref<64x129xf32, #tpu.memory_space<vmem>> -> memref<8x128xf32, #tpu.memory_space<vmem>>
      %dma_start3A_751 = arith.constant 0 : i32
      %dma_start3A_752 = arith.constant 0 : i32
      %dma_start3A_753 = tpu.memref_slice %arg4[%select_n3A_642, %dma_start3A_747, %select_n3A_686, %dma_start3A_751, %dma_start3A_752] : memref<50x8x128x8x128xf32, #tpu.memory_space<hbm>> -> memref<1x1x1x8x128xf32, #tpu.memory_space<hbm>>
      %dma_start3A_754 = tpu.memref_squeeze %dma_start3A_753 : memref<1x1x1x8x128xf32, #tpu.memory_space<hbm>> -> memref<8x128xf32, #tpu.memory_space<hbm>>
      %dma_start3A_755 = arith.constant 0 : i32
      %dma_start3A_756 = arith.constant 0 : i32
      %dma_start3A_757 = tpu.memref_slice %arg4[%select_n3A_642, %dma_start3A_747, %select_n3A_686, %dma_start3A_755, %dma_start3A_756] : memref<50x8x128x8x128xf32, #tpu.memory_space<hbm>> -> memref<1x1x1x8x128xf32, #tpu.memory_space<hbm>>
      %dma_start3A_758 = tpu.memref_squeeze %dma_start3A_757 : memref<1x1x1x8x128xf32, #tpu.memory_space<hbm>> -> memref<8x128xf32, #tpu.memory_space<hbm>>
      %dma_start3A_759 = arith.constant 32 : i32
      %dma_start3A_760 = arith.constant 0 : i32
      %dma_start3A_761 = tpu.memref_slice %arg10[%dma_start3A_759, %dma_start3A_760] : memref<64x129xf32, #tpu.memory_space<vmem>> -> memref<8x128xf32, #tpu.memory_space<vmem>>
      tpu.enqueue_dma source(%dma_start3A_761 : memref<8x128xf32, #tpu.memory_space<vmem>>) target(%dma_start3A_758 : memref<8x128xf32, #tpu.memory_space<hbm>>) target_semaphore(%arg14 : memref<!tpu.dma_semaphore, #tpu.memory_space<semaphore_mem>>)
      %dma_start3A_762 = arith.constant 5 : i32
      %dma_start3A_763 = arith.constant 40 : i32
      %dma_start3A_764 = arith.constant 0 : i32
      %dma_start3A_765 = tpu.memref_slice %arg10[%dma_start3A_763, %dma_start3A_764] : memref<64x129xf32, #tpu.memory_space<vmem>> -> memref<8x128xf32, #tpu.memory_space<vmem>>
      %dma_start3A_766 = arith.constant 0 : i32
      %dma_start3A_767 = arith.constant 0 : i32
      %dma_start3A_768 = tpu.memref_slice %arg4[%select_n3A_642, %dma_start3A_762, %select_n3A_686, %dma_start3A_766, %dma_start3A_767] : memref<50x8x128x8x128xf32, #tpu.memory_space<hbm>> -> memref<1x1x1x8x128xf32, #tpu.memory_space<hbm>>
      %dma_start3A_769 = tpu.memref_squeeze %dma_start3A_768 : memref<1x1x1x8x128xf32, #tpu.memory_space<hbm>> -> memref<8x128xf32, #tpu.memory_space<hbm>>
      %dma_start3A_770 = arith.constant 0 : i32
      %dma_start3A_771 = arith.constant 0 : i32
      %dma_start3A_772 = tpu.memref_slice %arg4[%select_n3A_642, %dma_start3A_762, %select_n3A_686, %dma_start3A_770, %dma_start3A_771] : memref<50x8x128x8x128xf32, #tpu.memory_space<hbm>> -> memref<1x1x1x8x128xf32, #tpu.memory_space<hbm>>
      %dma_start3A_773 = tpu.memref_squeeze %dma_start3A_772 : memref<1x1x1x8x128xf32, #tpu.memory_space<hbm>> -> memref<8x128xf32, #tpu.memory_space<hbm>>
      %dma_start3A_774 = arith.constant 40 : i32
      %dma_start3A_775 = arith.constant 0 : i32
      %dma_start3A_776 = tpu.memref_slice %arg10[%dma_start3A_774, %dma_start3A_775] : memref<64x129xf32, #tpu.memory_space<vmem>> -> memref<8x128xf32, #tpu.memory_space<vmem>>
      tpu.enqueue_dma source(%dma_start3A_776 : memref<8x128xf32, #tpu.memory_space<vmem>>) target(%dma_start3A_773 : memref<8x128xf32, #tpu.memory_space<hbm>>) target_semaphore(%arg14 : memref<!tpu.dma_semaphore, #tpu.memory_space<semaphore_mem>>)
      %dma_start3A_777 = arith.constant 6 : i32
      %dma_start3A_778 = arith.constant 48 : i32
      %dma_start3A_779 = arith.constant 0 : i32
      %dma_start3A_780 = tpu.memref_slice %arg10[%dma_start3A_778, %dma_start3A_779] : memref<64x129xf32, #tpu.memory_space<vmem>> -> memref<8x128xf32, #tpu.memory_space<vmem>>
      %dma_start3A_781 = arith.constant 0 : i32
      %dma_start3A_782 = arith.constant 0 : i32
      %dma_start3A_783 = tpu.memref_slice %arg4[%select_n3A_642, %dma_start3A_777, %select_n3A_686, %dma_start3A_781, %dma_start3A_782] : memref<50x8x128x8x128xf32, #tpu.memory_space<hbm>> -> memref<1x1x1x8x128xf32, #tpu.memory_space<hbm>>
      %dma_start3A_784 = tpu.memref_squeeze %dma_start3A_783 : memref<1x1x1x8x128xf32, #tpu.memory_space<hbm>> -> memref<8x128xf32, #tpu.memory_space<hbm>>
      %dma_start3A_785 = arith.constant 0 : i32
      %dma_start3A_786 = arith.constant 0 : i32
      %dma_start3A_787 = tpu.memref_slice %arg4[%select_n3A_642, %dma_start3A_777, %select_n3A_686, %dma_start3A_785, %dma_start3A_786] : memref<50x8x128x8x128xf32, #tpu.memory_space<hbm>> -> memref<1x1x1x8x128xf32, #tpu.memory_space<hbm>>
      %dma_start3A_788 = tpu.memref_squeeze %dma_start3A_787 : memref<1x1x1x8x128xf32, #tpu.memory_space<hbm>> -> memref<8x128xf32, #tpu.memory_space<hbm>>
      %dma_start3A_789 = arith.constant 48 : i32
      %dma_start3A_790 = arith.constant 0 : i32
      %dma_start3A_791 = tpu.memref_slice %arg10[%dma_start3A_789, %dma_start3A_790] : memref<64x129xf32, #tpu.memory_space<vmem>> -> memref<8x128xf32, #tpu.memory_space<vmem>>
      tpu.enqueue_dma source(%dma_start3A_791 : memref<8x128xf32, #tpu.memory_space<vmem>>) target(%dma_start3A_788 : memref<8x128xf32, #tpu.memory_space<hbm>>) target_semaphore(%arg14 : memref<!tpu.dma_semaphore, #tpu.memory_space<semaphore_mem>>)
      %dma_start3A_792 = arith.constant 7 : i32
      %dma_start3A_793 = arith.constant 56 : i32
      %dma_start3A_794 = arith.constant 0 : i32
      %dma_start3A_795 = tpu.memref_slice %arg10[%dma_start3A_793, %dma_start3A_794] : memref<64x129xf32, #tpu.memory_space<vmem>> -> memref<8x128xf32, #tpu.memory_space<vmem>>
      %dma_start3A_796 = arith.constant 0 : i32
      %dma_start3A_797 = arith.constant 0 : i32
      %dma_start3A_798 = tpu.memref_slice %arg4[%select_n3A_642, %dma_start3A_792, %select_n3A_686, %dma_start3A_796, %dma_start3A_797] : memref<50x8x128x8x128xf32, #tpu.memory_space<hbm>> -> memref<1x1x1x8x128xf32, #tpu.memory_space<hbm>>
      %dma_start3A_799 = tpu.memref_squeeze %dma_start3A_798 : memref<1x1x1x8x128xf32, #tpu.memory_space<hbm>> -> memref<8x128xf32, #tpu.memory_space<hbm>>
      %dma_start3A_800 = arith.constant 0 : i32
      %dma_start3A_801 = arith.constant 0 : i32
      %dma_start3A_802 = tpu.memref_slice %arg4[%select_n3A_642, %dma_start3A_792, %select_n3A_686, %dma_start3A_800, %dma_start3A_801] : memref<50x8x128x8x128xf32, #tpu.memory_space<hbm>> -> memref<1x1x1x8x128xf32, #tpu.memory_space<hbm>>
      %dma_start3A_803 = tpu.memref_squeeze %dma_start3A_802 : memref<1x1x1x8x128xf32, #tpu.memory_space<hbm>> -> memref<8x128xf32, #tpu.memory_space<hbm>>
      %dma_start3A_804 = arith.constant 56 : i32
      %dma_start3A_805 = arith.constant 0 : i32
      %dma_start3A_806 = tpu.memref_slice %arg10[%dma_start3A_804, %dma_start3A_805] : memref<64x129xf32, #tpu.memory_space<vmem>> -> memref<8x128xf32, #tpu.memory_space<vmem>>
      tpu.enqueue_dma source(%dma_start3A_806 : memref<8x128xf32, #tpu.memory_space<vmem>>) target(%dma_start3A_803 : memref<8x128xf32, #tpu.memory_space<hbm>>) target_semaphore(%arg14 : memref<!tpu.dma_semaphore, #tpu.memory_space<semaphore_mem>>)
    }
    %scan3A_122 = arith.constant 100 : i32
    %dma_wait3A = arith.constant 0 : i32
    %dma_wait3A_123 = arith.constant 0 : i32
    %dma_wait3A_124 = arith.constant 0 : i32
    %dma_wait3A_125 = arith.constant 0 : i32
    %dma_wait3A_126 = arith.constant 0 : i32
    %dma_wait3A_127 = tpu.memref_slice %arg9[%dma_wait3A_125, %dma_wait3A_126] : memref<64x129xf32, #tpu.memory_space<vmem>> -> memref<8x128xf32, #tpu.memory_space<vmem>>
    %dma_wait3A_128 = arith.constant 0 : i32
    %dma_wait3A_129 = arith.constant 0 : i32
    %dma_wait3A_130 = tpu.memref_slice %arg4[%dma_wait3A, %dma_wait3A_123, %dma_wait3A_124, %dma_wait3A_128, %dma_wait3A_129] : memref<50x8x128x8x128xf32, #tpu.memory_space<hbm>> -> memref<1x1x1x8x128xf32, #tpu.memory_space<hbm>>
    %dma_wait3A_131 = tpu.memref_squeeze %dma_wait3A_130 : memref<1x1x1x8x128xf32, #tpu.memory_space<hbm>> -> memref<8x128xf32, #tpu.memory_space<hbm>>
    %dma_wait3A_132 = arith.constant 0 : i32
    %dma_wait3A_133 = arith.constant 0 : i32
    %dma_wait3A_134 = tpu.memref_slice %arg9[%dma_wait3A_132, %dma_wait3A_133] : memref<64x129xf32, #tpu.memory_space<vmem>> -> memref<8x128xf32, #tpu.memory_space<vmem>>
    %dma_wait3A_135 = arith.constant 0 : i32
    %dma_wait3A_136 = arith.constant 0 : i32
    %dma_wait3A_137 = tpu.memref_slice %arg4[%dma_wait3A, %dma_wait3A_123, %dma_wait3A_124, %dma_wait3A_135, %dma_wait3A_136] : memref<50x8x128x8x128xf32, #tpu.memory_space<hbm>> -> memref<1x1x1x8x128xf32, #tpu.memory_space<hbm>>
    %dma_wait3A_138 = tpu.memref_squeeze %dma_wait3A_137 : memref<1x1x1x8x128xf32, #tpu.memory_space<hbm>> -> memref<8x128xf32, #tpu.memory_space<hbm>>
    tpu.wait_dma2 semaphore(%arg13 : memref<!tpu.dma_semaphore, #tpu.memory_space<semaphore_mem>>) src(%dma_wait3A_138 : memref<8x128xf32, #tpu.memory_space<hbm>>) dst(%dma_wait3A_134 : memref<8x128xf32, #tpu.memory_space<vmem>>)
    %dma_wait3A_139 = arith.constant 0 : i32
    %dma_wait3A_140 = arith.constant 0 : i32
    %dma_wait3A_141 = arith.constant 0 : i32
    %dma_wait3A_142 = arith.constant 0 : i32
    %dma_wait3A_143 = arith.constant 0 : i32
    %dma_wait3A_144 = tpu.memref_slice %arg10[%dma_wait3A_142, %dma_wait3A_143] : memref<64x129xf32, #tpu.memory_space<vmem>> -> memref<8x128xf32, #tpu.memory_space<vmem>>
    %dma_wait3A_145 = arith.constant 0 : i32
    %dma_wait3A_146 = arith.constant 0 : i32
    %dma_wait3A_147 = tpu.memref_slice %arg4[%dma_wait3A_139, %dma_wait3A_140, %dma_wait3A_141, %dma_wait3A_145, %dma_wait3A_146] : memref<50x8x128x8x128xf32, #tpu.memory_space<hbm>> -> memref<1x1x1x8x128xf32, #tpu.memory_space<hbm>>
    %dma_wait3A_148 = tpu.memref_squeeze %dma_wait3A_147 : memref<1x1x1x8x128xf32, #tpu.memory_space<hbm>> -> memref<8x128xf32, #tpu.memory_space<hbm>>
    %dma_wait3A_149 = arith.constant 0 : i32
    %dma_wait3A_150 = arith.constant 0 : i32
    %dma_wait3A_151 = tpu.memref_slice %arg10[%dma_wait3A_149, %dma_wait3A_150] : memref<64x129xf32, #tpu.memory_space<vmem>> -> memref<8x128xf32, #tpu.memory_space<vmem>>
    %dma_wait3A_152 = arith.constant 0 : i32
    %dma_wait3A_153 = arith.constant 0 : i32
    %dma_wait3A_154 = tpu.memref_slice %arg4[%dma_wait3A_139, %dma_wait3A_140, %dma_wait3A_141, %dma_wait3A_152, %dma_wait3A_153] : memref<50x8x128x8x128xf32, #tpu.memory_space<hbm>> -> memref<1x1x1x8x128xf32, #tpu.memory_space<hbm>>
    %dma_wait3A_155 = tpu.memref_squeeze %dma_wait3A_154 : memref<1x1x1x8x128xf32, #tpu.memory_space<hbm>> -> memref<8x128xf32, #tpu.memory_space<hbm>>
    tpu.wait_dma2 semaphore(%arg14 : memref<!tpu.dma_semaphore, #tpu.memory_space<semaphore_mem>>) src(%dma_wait3A_155 : memref<8x128xf32, #tpu.memory_space<hbm>>) dst(%dma_wait3A_151 : memref<8x128xf32, #tpu.memory_space<vmem>>)
    %dma_wait3A_156 = arith.constant 0 : i32
    %dma_wait3A_157 = arith.constant 0 : i32
    %dma_wait3A_158 = arith.constant 0 : i32
    %dma_wait3A_159 = arith.constant 0 : i32
    %dma_wait3A_160 = arith.constant 0 : i32
    %dma_wait3A_161 = tpu.memref_slice %arg9[%dma_wait3A_159, %dma_wait3A_160] : memref<64x129xf32, #tpu.memory_space<vmem>> -> memref<8x128xf32, #tpu.memory_space<vmem>>
    %dma_wait3A_162 = arith.constant 0 : i32
    %dma_wait3A_163 = arith.constant 0 : i32
    %dma_wait3A_164 = tpu.memref_slice %arg4[%dma_wait3A_156, %dma_wait3A_157, %dma_wait3A_158, %dma_wait3A_162, %dma_wait3A_163] : memref<50x8x128x8x128xf32, #tpu.memory_space<hbm>> -> memref<1x1x1x8x128xf32, #tpu.memory_space<hbm>>
    %dma_wait3A_165 = tpu.memref_squeeze %dma_wait3A_164 : memref<1x1x1x8x128xf32, #tpu.memory_space<hbm>> -> memref<8x128xf32, #tpu.memory_space<hbm>>
    %dma_wait3A_166 = arith.constant 0 : i32
    %dma_wait3A_167 = arith.constant 0 : i32
    %dma_wait3A_168 = tpu.memref_slice %arg9[%dma_wait3A_166, %dma_wait3A_167] : memref<64x129xf32, #tpu.memory_space<vmem>> -> memref<8x128xf32, #tpu.memory_space<vmem>>
    %dma_wait3A_169 = arith.constant 0 : i32
    %dma_wait3A_170 = arith.constant 0 : i32
    %dma_wait3A_171 = tpu.memref_slice %arg4[%dma_wait3A_156, %dma_wait3A_157, %dma_wait3A_158, %dma_wait3A_169, %dma_wait3A_170] : memref<50x8x128x8x128xf32, #tpu.memory_space<hbm>> -> memref<1x1x1x8x128xf32, #tpu.memory_space<hbm>>
    %dma_wait3A_172 = tpu.memref_squeeze %dma_wait3A_171 : memref<1x1x1x8x128xf32, #tpu.memory_space<hbm>> -> memref<8x128xf32, #tpu.memory_space<hbm>>
    tpu.wait_dma2 semaphore(%arg13 : memref<!tpu.dma_semaphore, #tpu.memory_space<semaphore_mem>>) src(%dma_wait3A_172 : memref<8x128xf32, #tpu.memory_space<hbm>>) dst(%dma_wait3A_168 : memref<8x128xf32, #tpu.memory_space<vmem>>)
    %dma_wait3A_173 = arith.constant 0 : i32
    %dma_wait3A_174 = arith.constant 0 : i32
    %dma_wait3A_175 = arith.constant 0 : i32
    %dma_wait3A_176 = arith.constant 0 : i32
    %dma_wait3A_177 = arith.constant 0 : i32
    %dma_wait3A_178 = tpu.memref_slice %arg10[%dma_wait3A_176, %dma_wait3A_177] : memref<64x129xf32, #tpu.memory_space<vmem>> -> memref<8x128xf32, #tpu.memory_space<vmem>>
    %dma_wait3A_179 = arith.constant 0 : i32
    %dma_wait3A_180 = arith.constant 0 : i32
    %dma_wait3A_181 = tpu.memref_slice %arg4[%dma_wait3A_173, %dma_wait3A_174, %dma_wait3A_175, %dma_wait3A_179, %dma_wait3A_180] : memref<50x8x128x8x128xf32, #tpu.memory_space<hbm>> -> memref<1x1x1x8x128xf32, #tpu.memory_space<hbm>>
    %dma_wait3A_182 = tpu.memref_squeeze %dma_wait3A_181 : memref<1x1x1x8x128xf32, #tpu.memory_space<hbm>> -> memref<8x128xf32, #tpu.memory_space<hbm>>
    %dma_wait3A_183 = arith.constant 0 : i32
    %dma_wait3A_184 = arith.constant 0 : i32
    %dma_wait3A_185 = tpu.memref_slice %arg10[%dma_wait3A_183, %dma_wait3A_184] : memref<64x129xf32, #tpu.memory_space<vmem>> -> memref<8x128xf32, #tpu.memory_space<vmem>>
    %dma_wait3A_186 = arith.constant 0 : i32
    %dma_wait3A_187 = arith.constant 0 : i32
    %dma_wait3A_188 = tpu.memref_slice %arg4[%dma_wait3A_173, %dma_wait3A_174, %dma_wait3A_175, %dma_wait3A_186, %dma_wait3A_187] : memref<50x8x128x8x128xf32, #tpu.memory_space<hbm>> -> memref<1x1x1x8x128xf32, #tpu.memory_space<hbm>>
    %dma_wait3A_189 = tpu.memref_squeeze %dma_wait3A_188 : memref<1x1x1x8x128xf32, #tpu.memory_space<hbm>> -> memref<8x128xf32, #tpu.memory_space<hbm>>
    tpu.wait_dma2 semaphore(%arg14 : memref<!tpu.dma_semaphore, #tpu.memory_space<semaphore_mem>>) src(%dma_wait3A_189 : memref<8x128xf32, #tpu.memory_space<hbm>>) dst(%dma_wait3A_185 : memref<8x128xf32, #tpu.memory_space<vmem>>)
    %dma_wait3A_190 = arith.constant 0 : i32
    %dma_wait3A_191 = arith.constant 0 : i32
    %dma_wait3A_192 = arith.constant 0 : i32
    %dma_wait3A_193 = arith.constant 0 : i32
    %dma_wait3A_194 = arith.constant 0 : i32
    %dma_wait3A_195 = tpu.memref_slice %arg9[%dma_wait3A_193, %dma_wait3A_194] : memref<64x129xf32, #tpu.memory_space<vmem>> -> memref<8x128xf32, #tpu.memory_space<vmem>>
    %dma_wait3A_196 = arith.constant 0 : i32
    %dma_wait3A_197 = arith.constant 0 : i32
    %dma_wait3A_198 = tpu.memref_slice %arg4[%dma_wait3A_190, %dma_wait3A_191, %dma_wait3A_192, %dma_wait3A_196, %dma_wait3A_197] : memref<50x8x128x8x128xf32, #tpu.memory_space<hbm>> -> memref<1x1x1x8x128xf32, #tpu.memory_space<hbm>>
    %dma_wait3A_199 = tpu.memref_squeeze %dma_wait3A_198 : memref<1x1x1x8x128xf32, #tpu.memory_space<hbm>> -> memref<8x128xf32, #tpu.memory_space<hbm>>
    %dma_wait3A_200 = arith.constant 0 : i32
    %dma_wait3A_201 = arith.constant 0 : i32
    %dma_wait3A_202 = tpu.memref_slice %arg9[%dma_wait3A_200, %dma_wait3A_201] : memref<64x129xf32, #tpu.memory_space<vmem>> -> memref<8x128xf32, #tpu.memory_space<vmem>>
    %dma_wait3A_203 = arith.constant 0 : i32
    %dma_wait3A_204 = arith.constant 0 : i32
    %dma_wait3A_205 = tpu.memref_slice %arg4[%dma_wait3A_190, %dma_wait3A_191, %dma_wait3A_192, %dma_wait3A_203, %dma_wait3A_204] : memref<50x8x128x8x128xf32, #tpu.memory_space<hbm>> -> memref<1x1x1x8x128xf32, #tpu.memory_space<hbm>>
    %dma_wait3A_206 = tpu.memref_squeeze %dma_wait3A_205 : memref<1x1x1x8x128xf32, #tpu.memory_space<hbm>> -> memref<8x128xf32, #tpu.memory_space<hbm>>
    tpu.wait_dma2 semaphore(%arg13 : memref<!tpu.dma_semaphore, #tpu.memory_space<semaphore_mem>>) src(%dma_wait3A_206 : memref<8x128xf32, #tpu.memory_space<hbm>>) dst(%dma_wait3A_202 : memref<8x128xf32, #tpu.memory_space<vmem>>)
    %dma_wait3A_207 = arith.constant 0 : i32
    %dma_wait3A_208 = arith.constant 0 : i32
    %dma_wait3A_209 = arith.constant 0 : i32
    %dma_wait3A_210 = arith.constant 0 : i32
    %dma_wait3A_211 = arith.constant 0 : i32
    %dma_wait3A_212 = tpu.memref_slice %arg10[%dma_wait3A_210, %dma_wait3A_211] : memref<64x129xf32, #tpu.memory_space<vmem>> -> memref<8x128xf32, #tpu.memory_space<vmem>>
    %dma_wait3A_213 = arith.constant 0 : i32
    %dma_wait3A_214 = arith.constant 0 : i32
    %dma_wait3A_215 = tpu.memref_slice %arg4[%dma_wait3A_207, %dma_wait3A_208, %dma_wait3A_209, %dma_wait3A_213, %dma_wait3A_214] : memref<50x8x128x8x128xf32, #tpu.memory_space<hbm>> -> memref<1x1x1x8x128xf32, #tpu.memory_space<hbm>>
    %dma_wait3A_216 = tpu.memref_squeeze %dma_wait3A_215 : memref<1x1x1x8x128xf32, #tpu.memory_space<hbm>> -> memref<8x128xf32, #tpu.memory_space<hbm>>
    %dma_wait3A_217 = arith.constant 0 : i32
    %dma_wait3A_218 = arith.constant 0 : i32
    %dma_wait3A_219 = tpu.memref_slice %arg10[%dma_wait3A_217, %dma_wait3A_218] : memref<64x129xf32, #tpu.memory_space<vmem>> -> memref<8x128xf32, #tpu.memory_space<vmem>>
    %dma_wait3A_220 = arith.constant 0 : i32
    %dma_wait3A_221 = arith.constant 0 : i32
    %dma_wait3A_222 = tpu.memref_slice %arg4[%dma_wait3A_207, %dma_wait3A_208, %dma_wait3A_209, %dma_wait3A_220, %dma_wait3A_221] : memref<50x8x128x8x128xf32, #tpu.memory_space<hbm>> -> memref<1x1x1x8x128xf32, #tpu.memory_space<hbm>>
    %dma_wait3A_223 = tpu.memref_squeeze %dma_wait3A_222 : memref<1x1x1x8x128xf32, #tpu.memory_space<hbm>> -> memref<8x128xf32, #tpu.memory_space<hbm>>
    tpu.wait_dma2 semaphore(%arg14 : memref<!tpu.dma_semaphore, #tpu.memory_space<semaphore_mem>>) src(%dma_wait3A_223 : memref<8x128xf32, #tpu.memory_space<hbm>>) dst(%dma_wait3A_219 : memref<8x128xf32, #tpu.memory_space<vmem>>)
    %dma_wait3A_224 = arith.constant 0 : i32
    %dma_wait3A_225 = arith.constant 0 : i32
    %dma_wait3A_226 = arith.constant 0 : i32
    %dma_wait3A_227 = arith.constant 0 : i32
    %dma_wait3A_228 = arith.constant 0 : i32
    %dma_wait3A_229 = tpu.memref_slice %arg9[%dma_wait3A_227, %dma_wait3A_228] : memref<64x129xf32, #tpu.memory_space<vmem>> -> memref<8x128xf32, #tpu.memory_space<vmem>>
    %dma_wait3A_230 = arith.constant 0 : i32
    %dma_wait3A_231 = arith.constant 0 : i32
    %dma_wait3A_232 = tpu.memref_slice %arg4[%dma_wait3A_224, %dma_wait3A_225, %dma_wait3A_226, %dma_wait3A_230, %dma_wait3A_231] : memref<50x8x128x8x128xf32, #tpu.memory_space<hbm>> -> memref<1x1x1x8x128xf32, #tpu.memory_space<hbm>>
    %dma_wait3A_233 = tpu.memref_squeeze %dma_wait3A_232 : memref<1x1x1x8x128xf32, #tpu.memory_space<hbm>> -> memref<8x128xf32, #tpu.memory_space<hbm>>
    %dma_wait3A_234 = arith.constant 0 : i32
    %dma_wait3A_235 = arith.constant 0 : i32
    %dma_wait3A_236 = tpu.memref_slice %arg9[%dma_wait3A_234, %dma_wait3A_235] : memref<64x129xf32, #tpu.memory_space<vmem>> -> memref<8x128xf32, #tpu.memory_space<vmem>>
    %dma_wait3A_237 = arith.constant 0 : i32
    %dma_wait3A_238 = arith.constant 0 : i32
    %dma_wait3A_239 = tpu.memref_slice %arg4[%dma_wait3A_224, %dma_wait3A_225, %dma_wait3A_226, %dma_wait3A_237, %dma_wait3A_238] : memref<50x8x128x8x128xf32, #tpu.memory_space<hbm>> -> memref<1x1x1x8x128xf32, #tpu.memory_space<hbm>>
    %dma_wait3A_240 = tpu.memref_squeeze %dma_wait3A_239 : memref<1x1x1x8x128xf32, #tpu.memory_space<hbm>> -> memref<8x128xf32, #tpu.memory_space<hbm>>
    tpu.wait_dma2 semaphore(%arg13 : memref<!tpu.dma_semaphore, #tpu.memory_space<semaphore_mem>>) src(%dma_wait3A_240 : memref<8x128xf32, #tpu.memory_space<hbm>>) dst(%dma_wait3A_236 : memref<8x128xf32, #tpu.memory_space<vmem>>)
    %dma_wait3A_241 = arith.constant 0 : i32
    %dma_wait3A_242 = arith.constant 0 : i32
    %dma_wait3A_243 = arith.constant 0 : i32
    %dma_wait3A_244 = arith.constant 0 : i32
    %dma_wait3A_245 = arith.constant 0 : i32
    %dma_wait3A_246 = tpu.memref_slice %arg10[%dma_wait3A_244, %dma_wait3A_245] : memref<64x129xf32, #tpu.memory_space<vmem>> -> memref<8x128xf32, #tpu.memory_space<vmem>>
    %dma_wait3A_247 = arith.constant 0 : i32
    %dma_wait3A_248 = arith.constant 0 : i32
    %dma_wait3A_249 = tpu.memref_slice %arg4[%dma_wait3A_241, %dma_wait3A_242, %dma_wait3A_243, %dma_wait3A_247, %dma_wait3A_248] : memref<50x8x128x8x128xf32, #tpu.memory_space<hbm>> -> memref<1x1x1x8x128xf32, #tpu.memory_space<hbm>>
    %dma_wait3A_250 = tpu.memref_squeeze %dma_wait3A_249 : memref<1x1x1x8x128xf32, #tpu.memory_space<hbm>> -> memref<8x128xf32, #tpu.memory_space<hbm>>
    %dma_wait3A_251 = arith.constant 0 : i32
    %dma_wait3A_252 = arith.constant 0 : i32
    %dma_wait3A_253 = tpu.memref_slice %arg10[%dma_wait3A_251, %dma_wait3A_252] : memref<64x129xf32, #tpu.memory_space<vmem>> -> memref<8x128xf32, #tpu.memory_space<vmem>>
    %dma_wait3A_254 = arith.constant 0 : i32
    %dma_wait3A_255 = arith.constant 0 : i32
    %dma_wait3A_256 = tpu.memref_slice %arg4[%dma_wait3A_241, %dma_wait3A_242, %dma_wait3A_243, %dma_wait3A_254, %dma_wait3A_255] : memref<50x8x128x8x128xf32, #tpu.memory_space<hbm>> -> memref<1x1x1x8x128xf32, #tpu.memory_space<hbm>>
    %dma_wait3A_257 = tpu.memref_squeeze %dma_wait3A_256 : memref<1x1x1x8x128xf32, #tpu.memory_space<hbm>> -> memref<8x128xf32, #tpu.memory_space<hbm>>
    tpu.wait_dma2 semaphore(%arg14 : memref<!tpu.dma_semaphore, #tpu.memory_space<semaphore_mem>>) src(%dma_wait3A_257 : memref<8x128xf32, #tpu.memory_space<hbm>>) dst(%dma_wait3A_253 : memref<8x128xf32, #tpu.memory_space<vmem>>)
    %dma_wait3A_258 = arith.constant 0 : i32
    %dma_wait3A_259 = arith.constant 0 : i32
    %dma_wait3A_260 = arith.constant 0 : i32
    %dma_wait3A_261 = arith.constant 0 : i32
    %dma_wait3A_262 = arith.constant 0 : i32
    %dma_wait3A_263 = tpu.memref_slice %arg9[%dma_wait3A_261, %dma_wait3A_262] : memref<64x129xf32, #tpu.memory_space<vmem>> -> memref<8x128xf32, #tpu.memory_space<vmem>>
    %dma_wait3A_264 = arith.constant 0 : i32
    %dma_wait3A_265 = arith.constant 0 : i32
    %dma_wait3A_266 = tpu.memref_slice %arg4[%dma_wait3A_258, %dma_wait3A_259, %dma_wait3A_260, %dma_wait3A_264, %dma_wait3A_265] : memref<50x8x128x8x128xf32, #tpu.memory_space<hbm>> -> memref<1x1x1x8x128xf32, #tpu.memory_space<hbm>>
    %dma_wait3A_267 = tpu.memref_squeeze %dma_wait3A_266 : memref<1x1x1x8x128xf32, #tpu.memory_space<hbm>> -> memref<8x128xf32, #tpu.memory_space<hbm>>
    %dma_wait3A_268 = arith.constant 0 : i32
    %dma_wait3A_269 = arith.constant 0 : i32
    %dma_wait3A_270 = tpu.memref_slice %arg9[%dma_wait3A_268, %dma_wait3A_269] : memref<64x129xf32, #tpu.memory_space<vmem>> -> memref<8x128xf32, #tpu.memory_space<vmem>>
    %dma_wait3A_271 = arith.constant 0 : i32
    %dma_wait3A_272 = arith.constant 0 : i32
    %dma_wait3A_273 = tpu.memref_slice %arg4[%dma_wait3A_258, %dma_wait3A_259, %dma_wait3A_260, %dma_wait3A_271, %dma_wait3A_272] : memref<50x8x128x8x128xf32, #tpu.memory_space<hbm>> -> memref<1x1x1x8x128xf32, #tpu.memory_space<hbm>>
    %dma_wait3A_274 = tpu.memref_squeeze %dma_wait3A_273 : memref<1x1x1x8x128xf32, #tpu.memory_space<hbm>> -> memref<8x128xf32, #tpu.memory_space<hbm>>
    tpu.wait_dma2 semaphore(%arg13 : memref<!tpu.dma_semaphore, #tpu.memory_space<semaphore_mem>>) src(%dma_wait3A_274 : memref<8x128xf32, #tpu.memory_space<hbm>>) dst(%dma_wait3A_270 : memref<8x128xf32, #tpu.memory_space<vmem>>)
    %dma_wait3A_275 = arith.constant 0 : i32
    %dma_wait3A_276 = arith.constant 0 : i32
    %dma_wait3A_277 = arith.constant 0 : i32
    %dma_wait3A_278 = arith.constant 0 : i32
    %dma_wait3A_279 = arith.constant 0 : i32
    %dma_wait3A_280 = tpu.memref_slice %arg10[%dma_wait3A_278, %dma_wait3A_279] : memref<64x129xf32, #tpu.memory_space<vmem>> -> memref<8x128xf32, #tpu.memory_space<vmem>>
    %dma_wait3A_281 = arith.constant 0 : i32
    %dma_wait3A_282 = arith.constant 0 : i32
    %dma_wait3A_283 = tpu.memref_slice %arg4[%dma_wait3A_275, %dma_wait3A_276, %dma_wait3A_277, %dma_wait3A_281, %dma_wait3A_282] : memref<50x8x128x8x128xf32, #tpu.memory_space<hbm>> -> memref<1x1x1x8x128xf32, #tpu.memory_space<hbm>>
    %dma_wait3A_284 = tpu.memref_squeeze %dma_wait3A_283 : memref<1x1x1x8x128xf32, #tpu.memory_space<hbm>> -> memref<8x128xf32, #tpu.memory_space<hbm>>
    %dma_wait3A_285 = arith.constant 0 : i32
    %dma_wait3A_286 = arith.constant 0 : i32
    %dma_wait3A_287 = tpu.memref_slice %arg10[%dma_wait3A_285, %dma_wait3A_286] : memref<64x129xf32, #tpu.memory_space<vmem>> -> memref<8x128xf32, #tpu.memory_space<vmem>>
    %dma_wait3A_288 = arith.constant 0 : i32
    %dma_wait3A_289 = arith.constant 0 : i32
    %dma_wait3A_290 = tpu.memref_slice %arg4[%dma_wait3A_275, %dma_wait3A_276, %dma_wait3A_277, %dma_wait3A_288, %dma_wait3A_289] : memref<50x8x128x8x128xf32, #tpu.memory_space<hbm>> -> memref<1x1x1x8x128xf32, #tpu.memory_space<hbm>>
    %dma_wait3A_291 = tpu.memref_squeeze %dma_wait3A_290 : memref<1x1x1x8x128xf32, #tpu.memory_space<hbm>> -> memref<8x128xf32, #tpu.memory_space<hbm>>
    tpu.wait_dma2 semaphore(%arg14 : memref<!tpu.dma_semaphore, #tpu.memory_space<semaphore_mem>>) src(%dma_wait3A_291 : memref<8x128xf32, #tpu.memory_space<hbm>>) dst(%dma_wait3A_287 : memref<8x128xf32, #tpu.memory_space<vmem>>)
    %dma_wait3A_292 = arith.constant 0 : i32
    %dma_wait3A_293 = arith.constant 0 : i32
    %dma_wait3A_294 = arith.constant 0 : i32
    %dma_wait3A_295 = arith.constant 0 : i32
    %dma_wait3A_296 = arith.constant 0 : i32
    %dma_wait3A_297 = tpu.memref_slice %arg9[%dma_wait3A_295, %dma_wait3A_296] : memref<64x129xf32, #tpu.memory_space<vmem>> -> memref<8x128xf32, #tpu.memory_space<vmem>>
    %dma_wait3A_298 = arith.constant 0 : i32
    %dma_wait3A_299 = arith.constant 0 : i32
    %dma_wait3A_300 = tpu.memref_slice %arg4[%dma_wait3A_292, %dma_wait3A_293, %dma_wait3A_294, %dma_wait3A_298, %dma_wait3A_299] : memref<50x8x128x8x128xf32, #tpu.memory_space<hbm>> -> memref<1x1x1x8x128xf32, #tpu.memory_space<hbm>>
    %dma_wait3A_301 = tpu.memref_squeeze %dma_wait3A_300 : memref<1x1x1x8x128xf32, #tpu.memory_space<hbm>> -> memref<8x128xf32, #tpu.memory_space<hbm>>
    %dma_wait3A_302 = arith.constant 0 : i32
    %dma_wait3A_303 = arith.constant 0 : i32
    %dma_wait3A_304 = tpu.memref_slice %arg9[%dma_wait3A_302, %dma_wait3A_303] : memref<64x129xf32, #tpu.memory_space<vmem>> -> memref<8x128xf32, #tpu.memory_space<vmem>>
    %dma_wait3A_305 = arith.constant 0 : i32
    %dma_wait3A_306 = arith.constant 0 : i32
    %dma_wait3A_307 = tpu.memref_slice %arg4[%dma_wait3A_292, %dma_wait3A_293, %dma_wait3A_294, %dma_wait3A_305, %dma_wait3A_306] : memref<50x8x128x8x128xf32, #tpu.memory_space<hbm>> -> memref<1x1x1x8x128xf32, #tpu.memory_space<hbm>>
    %dma_wait3A_308 = tpu.memref_squeeze %dma_wait3A_307 : memref<1x1x1x8x128xf32, #tpu.memory_space<hbm>> -> memref<8x128xf32, #tpu.memory_space<hbm>>
    tpu.wait_dma2 semaphore(%arg13 : memref<!tpu.dma_semaphore, #tpu.memory_space<semaphore_mem>>) src(%dma_wait3A_308 : memref<8x128xf32, #tpu.memory_space<hbm>>) dst(%dma_wait3A_304 : memref<8x128xf32, #tpu.memory_space<vmem>>)
    %dma_wait3A_309 = arith.constant 0 : i32
    %dma_wait3A_310 = arith.constant 0 : i32
    %dma_wait3A_311 = arith.constant 0 : i32
    %dma_wait3A_312 = arith.constant 0 : i32
    %dma_wait3A_313 = arith.constant 0 : i32
    %dma_wait3A_314 = tpu.memref_slice %arg10[%dma_wait3A_312, %dma_wait3A_313] : memref<64x129xf32, #tpu.memory_space<vmem>> -> memref<8x128xf32, #tpu.memory_space<vmem>>
    %dma_wait3A_315 = arith.constant 0 : i32
    %dma_wait3A_316 = arith.constant 0 : i32
    %dma_wait3A_317 = tpu.memref_slice %arg4[%dma_wait3A_309, %dma_wait3A_310, %dma_wait3A_311, %dma_wait3A_315, %dma_wait3A_316] : memref<50x8x128x8x128xf32, #tpu.memory_space<hbm>> -> memref<1x1x1x8x128xf32, #tpu.memory_space<hbm>>
    %dma_wait3A_318 = tpu.memref_squeeze %dma_wait3A_317 : memref<1x1x1x8x128xf32, #tpu.memory_space<hbm>> -> memref<8x128xf32, #tpu.memory_space<hbm>>
    %dma_wait3A_319 = arith.constant 0 : i32
    %dma_wait3A_320 = arith.constant 0 : i32
    %dma_wait3A_321 = tpu.memref_slice %arg10[%dma_wait3A_319, %dma_wait3A_320] : memref<64x129xf32, #tpu.memory_space<vmem>> -> memref<8x128xf32, #tpu.memory_space<vmem>>
    %dma_wait3A_322 = arith.constant 0 : i32
    %dma_wait3A_323 = arith.constant 0 : i32
    %dma_wait3A_324 = tpu.memref_slice %arg4[%dma_wait3A_309, %dma_wait3A_310, %dma_wait3A_311, %dma_wait3A_322, %dma_wait3A_323] : memref<50x8x128x8x128xf32, #tpu.memory_space<hbm>> -> memref<1x1x1x8x128xf32, #tpu.memory_space<hbm>>
    %dma_wait3A_325 = tpu.memref_squeeze %dma_wait3A_324 : memref<1x1x1x8x128xf32, #tpu.memory_space<hbm>> -> memref<8x128xf32, #tpu.memory_space<hbm>>
    tpu.wait_dma2 semaphore(%arg14 : memref<!tpu.dma_semaphore, #tpu.memory_space<semaphore_mem>>) src(%dma_wait3A_325 : memref<8x128xf32, #tpu.memory_space<hbm>>) dst(%dma_wait3A_321 : memref<8x128xf32, #tpu.memory_space<vmem>>)
    %dma_wait3A_326 = arith.constant 0 : i32
    %dma_wait3A_327 = arith.constant 0 : i32
    %dma_wait3A_328 = arith.constant 0 : i32
    %dma_wait3A_329 = arith.constant 0 : i32
    %dma_wait3A_330 = arith.constant 0 : i32
    %dma_wait3A_331 = tpu.memref_slice %arg9[%dma_wait3A_329, %dma_wait3A_330] : memref<64x129xf32, #tpu.memory_space<vmem>> -> memref<8x128xf32, #tpu.memory_space<vmem>>
    %dma_wait3A_332 = arith.constant 0 : i32
    %dma_wait3A_333 = arith.constant 0 : i32
    %dma_wait3A_334 = tpu.memref_slice %arg4[%dma_wait3A_326, %dma_wait3A_327, %dma_wait3A_328, %dma_wait3A_332, %dma_wait3A_333] : memref<50x8x128x8x128xf32, #tpu.memory_space<hbm>> -> memref<1x1x1x8x128xf32, #tpu.memory_space<hbm>>
    %dma_wait3A_335 = tpu.memref_squeeze %dma_wait3A_334 : memref<1x1x1x8x128xf32, #tpu.memory_space<hbm>> -> memref<8x128xf32, #tpu.memory_space<hbm>>
    %dma_wait3A_336 = arith.constant 0 : i32
    %dma_wait3A_337 = arith.constant 0 : i32
    %dma_wait3A_338 = tpu.memref_slice %arg9[%dma_wait3A_336, %dma_wait3A_337] : memref<64x129xf32, #tpu.memory_space<vmem>> -> memref<8x128xf32, #tpu.memory_space<vmem>>
    %dma_wait3A_339 = arith.constant 0 : i32
    %dma_wait3A_340 = arith.constant 0 : i32
    %dma_wait3A_341 = tpu.memref_slice %arg4[%dma_wait3A_326, %dma_wait3A_327, %dma_wait3A_328, %dma_wait3A_339, %dma_wait3A_340] : memref<50x8x128x8x128xf32, #tpu.memory_space<hbm>> -> memref<1x1x1x8x128xf32, #tpu.memory_space<hbm>>
    %dma_wait3A_342 = tpu.memref_squeeze %dma_wait3A_341 : memref<1x1x1x8x128xf32, #tpu.memory_space<hbm>> -> memref<8x128xf32, #tpu.memory_space<hbm>>
    tpu.wait_dma2 semaphore(%arg13 : memref<!tpu.dma_semaphore, #tpu.memory_space<semaphore_mem>>) src(%dma_wait3A_342 : memref<8x128xf32, #tpu.memory_space<hbm>>) dst(%dma_wait3A_338 : memref<8x128xf32, #tpu.memory_space<vmem>>)
    %dma_wait3A_343 = arith.constant 0 : i32
    %dma_wait3A_344 = arith.constant 0 : i32
    %dma_wait3A_345 = arith.constant 0 : i32
    %dma_wait3A_346 = arith.constant 0 : i32
    %dma_wait3A_347 = arith.constant 0 : i32
    %dma_wait3A_348 = tpu.memref_slice %arg10[%dma_wait3A_346, %dma_wait3A_347] : memref<64x129xf32, #tpu.memory_space<vmem>> -> memref<8x128xf32, #tpu.memory_space<vmem>>
    %dma_wait3A_349 = arith.constant 0 : i32
    %dma_wait3A_350 = arith.constant 0 : i32
    %dma_wait3A_351 = tpu.memref_slice %arg4[%dma_wait3A_343, %dma_wait3A_344, %dma_wait3A_345, %dma_wait3A_349, %dma_wait3A_350] : memref<50x8x128x8x128xf32, #tpu.memory_space<hbm>> -> memref<1x1x1x8x128xf32, #tpu.memory_space<hbm>>
    %dma_wait3A_352 = tpu.memref_squeeze %dma_wait3A_351 : memref<1x1x1x8x128xf32, #tpu.memory_space<hbm>> -> memref<8x128xf32, #tpu.memory_space<hbm>>
    %dma_wait3A_353 = arith.constant 0 : i32
    %dma_wait3A_354 = arith.constant 0 : i32
    %dma_wait3A_355 = tpu.memref_slice %arg10[%dma_wait3A_353, %dma_wait3A_354] : memref<64x129xf32, #tpu.memory_space<vmem>> -> memref<8x128xf32, #tpu.memory_space<vmem>>
    %dma_wait3A_356 = arith.constant 0 : i32
    %dma_wait3A_357 = arith.constant 0 : i32
    %dma_wait3A_358 = tpu.memref_slice %arg4[%dma_wait3A_343, %dma_wait3A_344, %dma_wait3A_345, %dma_wait3A_356, %dma_wait3A_357] : memref<50x8x128x8x128xf32, #tpu.memory_space<hbm>> -> memref<1x1x1x8x128xf32, #tpu.memory_space<hbm>>
    %dma_wait3A_359 = tpu.memref_squeeze %dma_wait3A_358 : memref<1x1x1x8x128xf32, #tpu.memory_space<hbm>> -> memref<8x128xf32, #tpu.memory_space<hbm>>
    tpu.wait_dma2 semaphore(%arg14 : memref<!tpu.dma_semaphore, #tpu.memory_space<semaphore_mem>>) src(%dma_wait3A_359 : memref<8x128xf32, #tpu.memory_space<hbm>>) dst(%dma_wait3A_355 : memref<8x128xf32, #tpu.memory_space<vmem>>)
    %dma_wait3A_360 = arith.constant 0 : i32
    %dma_wait3A_361 = arith.constant 0 : i32
    %dma_wait3A_362 = arith.constant 0 : i32
    %dma_wait3A_363 = arith.constant 0 : i32
    %dma_wait3A_364 = arith.constant 0 : i32
    %dma_wait3A_365 = tpu.memref_slice %arg9[%dma_wait3A_363, %dma_wait3A_364] : memref<64x129xf32, #tpu.memory_space<vmem>> -> memref<8x128xf32, #tpu.memory_space<vmem>>
    %dma_wait3A_366 = arith.constant 0 : i32
    %dma_wait3A_367 = arith.constant 0 : i32
    %dma_wait3A_368 = tpu.memref_slice %arg4[%dma_wait3A_360, %dma_wait3A_361, %dma_wait3A_362, %dma_wait3A_366, %dma_wait3A_367] : memref<50x8x128x8x128xf32, #tpu.memory_space<hbm>> -> memref<1x1x1x8x128xf32, #tpu.memory_space<hbm>>
    %dma_wait3A_369 = tpu.memref_squeeze %dma_wait3A_368 : memref<1x1x1x8x128xf32, #tpu.memory_space<hbm>> -> memref<8x128xf32, #tpu.memory_space<hbm>>
    %dma_wait3A_370 = arith.constant 0 : i32
    %dma_wait3A_371 = arith.constant 0 : i32
    %dma_wait3A_372 = tpu.memref_slice %arg9[%dma_wait3A_370, %dma_wait3A_371] : memref<64x129xf32, #tpu.memory_space<vmem>> -> memref<8x128xf32, #tpu.memory_space<vmem>>
    %dma_wait3A_373 = arith.constant 0 : i32
    %dma_wait3A_374 = arith.constant 0 : i32
    %dma_wait3A_375 = tpu.memref_slice %arg4[%dma_wait3A_360, %dma_wait3A_361, %dma_wait3A_362, %dma_wait3A_373, %dma_wait3A_374] : memref<50x8x128x8x128xf32, #tpu.memory_space<hbm>> -> memref<1x1x1x8x128xf32, #tpu.memory_space<hbm>>
    %dma_wait3A_376 = tpu.memref_squeeze %dma_wait3A_375 : memref<1x1x1x8x128xf32, #tpu.memory_space<hbm>> -> memref<8x128xf32, #tpu.memory_space<hbm>>
    tpu.wait_dma2 semaphore(%arg13 : memref<!tpu.dma_semaphore, #tpu.memory_space<semaphore_mem>>) src(%dma_wait3A_376 : memref<8x128xf32, #tpu.memory_space<hbm>>) dst(%dma_wait3A_372 : memref<8x128xf32, #tpu.memory_space<vmem>>)
    %dma_wait3A_377 = arith.constant 0 : i32
    %dma_wait3A_378 = arith.constant 0 : i32
    %dma_wait3A_379 = arith.constant 0 : i32
    %dma_wait3A_380 = arith.constant 0 : i32
    %dma_wait3A_381 = arith.constant 0 : i32
    %dma_wait3A_382 = tpu.memref_slice %arg10[%dma_wait3A_380, %dma_wait3A_381] : memref<64x129xf32, #tpu.memory_space<vmem>> -> memref<8x128xf32, #tpu.memory_space<vmem>>
    %dma_wait3A_383 = arith.constant 0 : i32
    %dma_wait3A_384 = arith.constant 0 : i32
    %dma_wait3A_385 = tpu.memref_slice %arg4[%dma_wait3A_377, %dma_wait3A_378, %dma_wait3A_379, %dma_wait3A_383, %dma_wait3A_384] : memref<50x8x128x8x128xf32, #tpu.memory_space<hbm>> -> memref<1x1x1x8x128xf32, #tpu.memory_space<hbm>>
    %dma_wait3A_386 = tpu.memref_squeeze %dma_wait3A_385 : memref<1x1x1x8x128xf32, #tpu.memory_space<hbm>> -> memref<8x128xf32, #tpu.memory_space<hbm>>
    %dma_wait3A_387 = arith.constant 0 : i32
    %dma_wait3A_388 = arith.constant 0 : i32
    %dma_wait3A_389 = tpu.memref_slice %arg10[%dma_wait3A_387, %dma_wait3A_388] : memref<64x129xf32, #tpu.memory_space<vmem>> -> memref<8x128xf32, #tpu.memory_space<vmem>>
    %dma_wait3A_390 = arith.constant 0 : i32
    %dma_wait3A_391 = arith.constant 0 : i32
    %dma_wait3A_392 = tpu.memref_slice %arg4[%dma_wait3A_377, %dma_wait3A_378, %dma_wait3A_379, %dma_wait3A_390, %dma_wait3A_391] : memref<50x8x128x8x128xf32, #tpu.memory_space<hbm>> -> memref<1x1x1x8x128xf32, #tpu.memory_space<hbm>>
    %dma_wait3A_393 = tpu.memref_squeeze %dma_wait3A_392 : memref<1x1x1x8x128xf32, #tpu.memory_space<hbm>> -> memref<8x128xf32, #tpu.memory_space<hbm>>
    tpu.wait_dma2 semaphore(%arg14 : memref<!tpu.dma_semaphore, #tpu.memory_space<semaphore_mem>>) src(%dma_wait3A_393 : memref<8x128xf32, #tpu.memory_space<hbm>>) dst(%dma_wait3A_389 : memref<8x128xf32, #tpu.memory_space<vmem>>)
    return
  }
}

</mosaic_0001>

<sc_bundles>
// kernel: kernel.3.cloned.1.call-start
scs
__scs_entry_jumppad:
0x0: {  	(pc) =	sbr.rel $0x88, $3  }
0x1: {  	(tag) =	ssettag $0x0;
	lr =	simm.s32 $0x1  }
0x2: {  	[smem:$0x3F9F] =	sst lr;
	_ =	strace $0xD0000000  }
0x3: {  	_ = 	snop  }
0x4: {  	_ = 	snop  }
0x5: {  	_ = 	snop  }
0x6: {  	_ = 	snop  }
0x7: {  	_ = 	snop  }
__scs_overlays_trampoline_lowered:
0x8: {  	[smem:$0x3FAE] =	sst s0  }
0x9: {  	[smem:$0x3FAF] =	sst s1  }
0xa: {  	[smem:$0x3FB0] =	sst s2  }
0xb: {  	[smem:$0x3FB1] =	sst s3  }
0xc: {  	[smem:$0x3FB2] =	sst s4  }
0xd: {  	[smem:$0x3FB3] =	sst s5  }
0xe: {  	[smem:$0x3FB4] =	sst s6  }
0xf: {  	[smem:$0x3FB5] =	sst s7  }
0x10: {  	[smem:$0x3FB6] =	sst s8  }
0x11: {  	[smem:$0x3FB7] =	sst s9;
	s0 =	simm.s32 @!p0 $0x0  }
0x12: {  	s1 =	sld [smem:$0x3F9D];
	s0 =	simm.s32 @p0 $0x1  }
0x13: {  	[smem:$0x3FB8] =	sst s0;
	s0 =	simm.s32 @!p1 $0x0  }
0x14: {  	s2 =	sld [smem:$0x3F9C];
	s0 =	simm.s32 @p1 $0x1  }
0x15: {  	[smem:$0x3FB9] =	sst s0;
	s0 =	simm.s32 @!p2 $0x0  }
0x16: {  	s3 =	sld [smem:$0x3FDB];
	s0 =	simm.s32 @p2 $0x1  }
0x17: {  	s4 =	simm.s32 $0x1BF5;
	[smem:$0x3FBB] =	sst s0  }
0x18: {  	s0 =	sld [smem:$0x3F9E];
	_ =	swait.ge [sflag:s4], $0x0  }
0x19: {  	s7 =	sld [smem:$0x3F9F]  }
0x1a: {  	s8 =	sadd.s32 $0xFFFFE003, lr  }
0x1b: {  	s9 =	sadd.s32 $0xFFFFFEF7, lr;
	s5 =	simm.s32 $0xFFFFFFFF;
	p2 =	slt.u32 s8, $0xFFFFF086  }
0x1c: {  	p1 =	slt.u32 s9, $0xF7A;
	s5 =	simm.s32 @!p2 $0x0  }
0x1d: {  	s5 =	simm.s32 @p1 $0x1;
	p0 =	seq.s32 s7, s2  }
0x1e: {  	s7 =	smul.u32 @!p0 $0xF7A, s2;
	p2 =	seq.s32 @!p0 s5, $0x0  }
0x1f: {  	s9 =	smul.u32 $0xF7A, s1;
	s8 =	simm.s32 @!p0 $0x1BF5;
	p2 =	por !p2, p0  }
0x20: {  	[sflag:s8] =	ssyncset.s32 @!p0 $0xFFFFF086;
	s6 =	sadd.s32 @!p0 s3, s7;
	s7 =	simm.s32 @!p0 $0x108  }
0x21: {  	s3 =	sadd.s32 s3, s9;
	s6 =	sadd.s32 @!p0 $0x88, s6;
	s7 =	simm.s32 @p2 $0x1082  }
0x22: {  	[simem:s7], [sflag:s8] =	dma.local @!p0 [hbm:s6], $0xF7A  }
0x23: {  	s9 =	sor.u32 $0xD0000000, s2;
	s6 =	simm.s32 $0x108;
	_ =	swait.ge @!p0 [sflag:s8], $0x0  }
0x24: {  	s3 =	sadd.s32 $0x88, s3;
	s6 =	simm.s32 @!p1 $0x1082;
	[sflag:s4] =	ssyncset.s32 $0xFFFFF086  }
0x25: {  	[simem:s6], [sflag:s4] =	dma.local [hbm:s3], $0xF7A  }
0x26: {  	[smem:$0x3F9F] =	sst s1;
	(tag) =	ssettag s2;
	_ =	strace s9  }
0x27: {  	s1 =	sld [smem:$0x3FAF]  }
0x28: {  	s2 =	sld [smem:$0x3FB0]  }
0x29: {  	s4 =	sld [smem:$0x3FB2]  }
0x2a: {  	p0 =	seq.s32 s5, $0x0;
	s5 =	sld [smem:$0x3FB3]  }
0x2b: {  	s6 =	sld [smem:$0x3FB4]  }
0x2c: {  	s7 =	sld [smem:$0x3FB5]  }
0x2d: {  	s3 =	simm.s32 $0x108;
	s8 =	sld [smem:$0x3FB6]  }
0x2e: {  	s3 =	simm.s32 @!p0 $0x1082;
	s9 =	sld [smem:$0x3FB7]  }
0x2f: {  	lr =	sadd.s32 s0, s3;
	s0 =	sld [smem:$0x3FAE]  }
0x30: {  	s3 =	sld [smem:$0x3FB1]  }
0x31: {  	[smem:$0x3FBA] =	sst s10  }
0x32: {  	s10 =	sld [smem:$0x3FB8];
	_ =	sdelay $0x3  }
0x33: {  	p0 =	seq.s32 s10, $0x1;
	s10 =	sld [smem:$0x3FBA];
	_ =	sdelay $0x3  }
0x34: {  	[smem:$0x3FBA] =	sst s10  }
0x35: {  	s10 =	sld [smem:$0x3FB9];
	_ =	sdelay $0x3  }
0x36: {  	p1 =	seq.s32 s10, $0x1;
	s10 =	sld [smem:$0x3FBA];
	_ =	sdelay $0x3  }
0x37: {  	[smem:$0x3FBA] =	sst s10  }
0x38: {  	s10 =	sld [smem:$0x3FBB]  }
0x39: {  	_ = 	snop;
	(pc) =	sbr.ind lr, $3  }
0x3a: {  	_ = 	snop  }
0x3b: {  	_ = 	snop  }
0x3c: {  	p2 =	seq.s32 s10, $0x1;
	s10 =	sld [smem:$0x3FBA]  }
0x3d: {  	_ =	shalt  }
0x3e: {  	_ =	shalt  }
0x3f: {  	_ =	shalt  }
0x40: {  	_ =	shalt  }
0x41: {  	_ =	shalt  }
0x42: {  	_ =	shalt  }
0x43: {  	_ =	shalt  }
0x44: {  	_ =	shalt  }
0x45: {  	_ =	shalt  }
0x46: {  	_ =	shalt  }
0x47: {  	_ =	shalt  }
0x48: {  	_ =	shalt  }
0x49: {  	_ =	shalt  }
0x4a: {  	_ =	shalt  }
0x4b: {  	_ =	shalt  }
0x4c: {  	_ =	shalt  }
0x4d: {  	_ =	shalt  }
0x4e: {  	_ =	shalt  }
0x4f: {  	_ =	shalt  }
0x50: {  	_ =	shalt  }
0x51: {  	_ =	shalt  }
0x52: {  	_ =	shalt  }
0x53: {  	_ =	shalt  }
0x54: {  	_ =	shalt  }
0x55: {  	_ =	shalt  }
0x56: {  	_ =	shalt  }
0x57: {  	_ =	shalt  }
0x58: {  	_ =	shalt  }
0x59: {  	_ =	shalt  }
0x5a: {  	_ =	shalt  }
0x5b: {  	_ =	shalt  }
0x5c: {  	_ =	shalt  }
0x5d: {  	_ =	shalt  }
0x5e: {  	_ =	shalt  }
0x5f: {  	_ =	shalt  }
0x60: {  	_ =	shalt  }
0x61: {  	_ =	shalt  }
0x62: {  	_ =	shalt  }
0x63: {  	_ =	shalt  }
0x64: {  	_ =	shalt  }
0x65: {  	_ =	shalt  }
0x66: {  	_ =	shalt  }
0x67: {  	_ =	shalt  }
0x68: {  	_ =	shalt  }
0x69: {  	_ =	shalt  }
0x6a: {  	_ =	shalt  }
0x6b: {  	_ =	shalt  }
0x6c: {  	_ =	shalt  }
0x6d: {  	_ =	shalt  }
0x6e: {  	_ =	shalt  }
0x6f: {  	_ =	shalt  }
0x70: {  	_ =	shalt  }
0x71: {  	_ =	shalt  }
0x72: {  	_ =	shalt  }
0x73: {  	_ =	shalt  }
0x74: {  	_ =	shalt  }
0x75: {  	_ =	shalt  }
0x76: {  	_ =	shalt  }
0x77: {  	_ =	shalt  }
0x78: {  	_ =	shalt  }
0x79: {  	_ =	shalt  }
0x7a: {  	_ =	shalt  }
0x7b: {  	_ =	shalt  }
0x7c: {  	_ =	shalt  }
0x7d: {  	_ =	shalt  }
0x7e: {  	_ =	shalt  }
0x7f: {  	_ =	shalt  }
0x80: {  	_ =	shalt  }
0x81: {  	_ =	shalt  }
0x82: {  	_ =	shalt  }
0x83: {  	_ =	shalt  }
0x84: {  	_ =	shalt  }
0x85: {  	_ =	shalt  }
0x86: {  	_ =	shalt  }
0x87: {  	_ =	shalt  }
.Lfunc_end0:
.L_simem_size_0:
called_computation_lowered:
.L_overlay_start_0:
0x88: {  	s2 =	sld [smem:$0x3FD9]  }
0x89: {  	s3 =	sld [smem:$0x3FFE];
	_ =	sdelay $0x1  }
0x8a: {  	s1 =	srdreg.scid  }
0x8b: {  	s0 =	sand.u32 $0x1, s1  }
0x8c: {  	s17 =	sshll.u32 s0, $0xA;
	s2 =	sadd.s32 s3, s2  }
0x8d: {  	s2 =	sadd.s32 s2, s17  }
0x8e: {  	[smem:$0x3FC6] =	sst s2  }
0x8f: {  	_ = 	snop  }
0x90: {  	s2 =	sld [smem:$0x3FD0];
	(tm) =	ssettm $0x1  }
0x91: {  	s18 =	sld [smem:$0x3FFB];
	_ =	sdelay $0x3  }
0x92: {  	_ =	strace s18  }
0x93: {  	s3 =	sld [smem:$0x3FFC];
	_ =	sdelay $0x3  }
0x94: {  	_ =	strace s3  }
0x95: {  	s3 =	sld [smem:$0x3FFD];
	_ =	sdelay $0x3  }
0x96: {  	_ =	strace s3  }
0x97: {  	_ =	strace $0x8FFFFFFF  }
0x98: {  	s19 =	sld [smem:$0x3FDB];
	_ =	sdelay $0x1  }
0x99: {  	s4 =	simm.s32 $_scs_section_size  }
0x9a: {  	s5 =	simm.s32 $_size__tile_overlayer_lowered;
	s6 =	simm.s32 $_tile_overlayer_lowered  }
0x9b: {  	s22 =	simm.s32 $0x1BFF;
	s21 =	sshll.u32 s6, $0x1;
	s3 =	sadd.s32 s4, s19  }
0x9c: {  	s7 =	simm.s32 $0x0;
	s20 =	sshll.u32 s5, $0x1;
	s5 =	sadd.s32 s21, s3  }
0x9d: {  	[timem:s7], [sflag:s22] =	dma.local [hbm:s5], s20  }
0x9e: {  	_ =	swait.ge [sflag:s22], s20  }
0x9f: {  	s4 =	ssub.s32 $0x0, s20;
	[sflag:s22] =	ssyncset.done $0x0  }
0xa0: {  	[sflag:s22] =	ssyncadd.s32 s4;
	_ =	sdelay $0x1  }
0xa1: {  	s23 =	simm.s32 $0x1B8B  }
0xa2: {  	_ =	swait.ge [sflag:s23], $0x1  }
0xa3: {  	[sflag:s23] =	ssyncset.done $0x0  }
0xa4: {  	s25 =	simm.s32 $0x1B8E;
	s24 =	sld [smem:$0x3FFE];
	[sflag:s23] =	ssyncadd.s32 $0xFFFFFFFF  }
0xa5: {  	s26 =	simm.s32 $execute0_lowered;
	[smem:$0x3FD2] =	sst s25  }
0xa6: {  	s5 =	sshll.u32 s26, $0x1;
	_ =	strace $0x80000046;
	[dreg:$0x1] =	wrdreg $0xFFFFFFFF  }
0xa7: {  	s28 =	simm.s32 $_size_execute0_lowered;
	s3 =	sadd.s32 s3, s5;
	[dreg:$0x0] =	wrdreg $0x0  }
0xa8: {  	s5 =	sshll.u32 s28, $0x1;
	[dreg:$0x2] =	wrdreg s3  }
0xa9: {  	[dreg:$0x3] =	wrdreg s5  }
0xaa: {  	[dreg:$0x4] =	wrdreg $0xC0  }
0xab: {  	_ =	task [dreg:s7], $0x5FFFF  }
0xac: {  	[dreg:$0x1] =	wrdreg $0xFFFFFFFF  }
0xad: {  	[dreg:$0x0] =	wrdreg $0x60  }
0xae: {  	[dreg:$0x2] =	wrdreg s24  }
0xaf: {  	[dreg:$0x3] =	wrdreg s2  }
0xb0: {  	[dreg:$0x4] =	wrdreg $0x9  }
0xb1: {  	_ =	task.clear_ibuf [dreg:s7], $0x5FFFF;
	_ =	strace $0x90000046  }
0xb2: {  	s29 =	simm.s32 $0x9;
	_ =	strace $0x80000048  }
0xb3: {  	_ =	swait.ge [sflag:s29], $0x1  }
0xb4: {  	[sflag:s29] =	ssyncadd.s32 $0xFFFFFFFF  }
0xb5: {  	_ =	strace $0x90000048  }
0xb6: {  	_ =	sfence  }
0xb7: {  	s30 =	sld [smem:$0x0];
	_ =	sdelay $0x2  }
0xb8: {  	s31 =	sshll.u32 s1, $0xD;
	s1 =	sshrl.u32 s1, $0x2  }
0xb9: {  	s3 =	sand.u32 $0x4000, s31;
	s1 =	sadd.s32 s1, s30  }
0xba: {  	s0 =	sor.u32 s3, s0;
	s1 =	sshll.u32 s1, $0x11  }
0xbb: {  	s0 =	sor.u32 s1, s0  }
0xbc: {  	s0 =	sadd.s32 $0x8F2B, s0  }
0xbd: {  	[sflag:s0] =	ssyncadd.remote.s32 $0x1  }
0xbe: {  	_ =	sfence.sel $0xFFFF  }
0xbf: {  	[dreg:$0x0] =	wrdreg $0xFFFFFFFF;
	(pc) =	sbr.abs _section_cstart, $3  }
0xc0: {  	[dreg:$0x1] =	wrdreg $0xFFFFFFFF  }
0xc1: {  	_ =	task.clear_ibuf [dreg:s7], $0x2FFFF;
	_ =	strace $0x9FFFFFFF  }
0xc2: {  	(tm) =	ssettm $0x7FFFFFFF  }
0xc3: {  	_ =	shalt  }
tec
execute0_lowered:
.L_overlay_start_1:
0x0: {  	(tag) =	ssettag $0x1  }
0x1: {  	v0 =	vlaneseq.u32  }
0x2: {  	s1 =	rddreg [dreg:$0x0];
	s3 =	simm.s32 $0x0;
	v3 =	vmul.u32 $0x38, v0  }
0x3: {  	[smem:$0x7FF] =	sst s3  }
0x4: {  	s21 =	rddreg [dreg:$0x1];
	_ =	strace $0x80000047;
	v1 =	vadd.s32 $0x5080, v3;
	[tilespmem:$0x1FE90] =	vst v3  }
0x5: {  	v30 =	vmul.u32 $0x88, v0;
	v0 =	vadd.s32 $0x6900, v3;
	[tilespmem:$0x1FE20] =	vst v1  }
0x6: {  	v4 =	vadd.s32 $0x380, v3;
	[tilespmem:$0x1FE70] =	vst v0  }
0x7: {  	v5 =	vadd.s32 $0x700, v3;
	[tilespmem:$0x1FEA0] =	vst v4  }
0x8: {  	v6 =	vadd.s32 $0xA80, v3;
	[tilespmem:$0x1FEB0] =	vst v5  }
0x9: {  	v7 =	vadd.s32 $0xE00, v3;
	[tilespmem:$0x1FEC0] =	vst v6  }
0xa: {  	v8 =	vadd.s32 $0x1180, v3;
	[tilespmem:$0x1FED0] =	vst v7  }
0xb: {  	v9 =	vadd.s32 $0x1500, v3;
	[tilespmem:$0x1FEE0] =	vst v8  }
0xc: {  	v10 =	vadd.s32 $0x1880, v3;
	[tilespmem:$0x1FEF0] =	vst v9  }
0xd: {  	v11 =	vor.u32 $0x1C00, v3;
	[tilespmem:$0x1FF00] =	vst v10  }
0xe: {  	v12 =	vadd.s32 $0x1F80, v3;
	[tilespmem:$0x1FF10] =	vst v11  }
0xf: {  	v13 =	vadd.s32 $0x2300, v3;
	[tilespmem:$0x1FF20] =	vst v12  }
0x10: {  	v14 =	vadd.s32 $0x2680, v3;
	[tilespmem:$0x1FF30] =	vst v13  }
0x11: {  	vm0 =	vcmask $0x300;
	v15 =	vadd.s32 $0x2A00, v3;
	v16 =	vadd.s32 $0x2D80, v3;
	[tilespmem:$0x1FF40] =	vst v14  }
0x12: {  	v17 =	vadd.s32 $0x3100, v3;
	v18 =	vadd.s32 $0x3480, v3;
	v19 =	vor.u32 $0x3800, v3;
	[tilespmem:$0x1FF50] =	vst v15  }
0x13: {  	v20 =	vadd.s32 $0x3B80, v3;
	v21 =	vadd.s32 $0x3F00, v3;
	v22 =	vadd.s32 $0x4280, v3;
	[tilespmem:$0x1FF60] =	vst v16  }
0x14: {  	v23 =	vadd.s32 $0x4600, v3;
	v24 =	vadd.s32 $0x4980, v3;
	v25 =	vadd.s32 $0x4D00, v3;
	[tilespmem:$0x1FF70] =	vst v17  }
0x15: {  	s0 =	srdreg.scid;
	v32 =	vadd.s32 $0x6200, v3;
	v31 =	vadd.s32 $0x6580, v3;
	v34 =	vadd.s32 $0x880, v30;
	[tilespmem:$0x1FF80] =	vst v18  }
0x16: {  	s2 =	stileid.u32;
	s30 =	simm.s32 $0x1;
	s31 =	simm.s32 $0x11400;
	v35 =	vadd.s32 $0x1100, v30;
	v36 =	vadd.s32 $0x1980, v30;
	v37 =	vor.u32 $0x1, v30;
	[tilespmem:$0x1FF90] =	vst v19  }
0x17: {  	s22 =	simm.s32 $0x2;
	s23 =	simm.s32 $0x13600;
	s2 =	sshll.u32 s2, $0xA;
	v38 =	vadd.s32 $0x881, v30;
	v39 =	vadd.s32 $0x1101, v30;
	v40 =	vadd.s32 $0x1981, v30;
	[tilespmem:$0x1FFA0] =	vst v20  }
0x18: {  	s0 =	sand.u32 $0x1, s0;
	s5 =	sadd.s32 $0xF42A00, s1;
	s7 =	sadd.s32 $0x4000, s21;
	v41 =	vor.u32 $0x2, v30;
	v42 =	vadd.s32 $0x882, v30;
	v43 =	vadd.s32 $0x1102, v30;
	[tilespmem:$0x1FFB0] =	vst v21  }
0x19: {  	s8 =	sadd.s32 $0x8000, s21;
	s9 =	sadd.s32 $0xC000, s21;
	s10 =	sadd.s32 $0x10000, s21;
	v44 =	vadd.s32 $0x1982, v30;
	v45 =	vor.u32 $0x3, v30;
	v46 =	vadd.s32 $0x883, v30;
	[tilespmem:$0x1FFC0] =	vst v22  }
0x1a: {  	s11 =	sadd.s32 $0x14000, s21;
	s12 =	sadd.s32 $0x18000, s21;
	s13 =	sadd.s32 $0x1C000, s21;
	v47 =	vadd.s32 $0x1103, v30;
	v48 =	vadd.s32 $0x1983, v30;
	v49 =	vor.u32 $0x4, v30;
	[tilespmem:$0x1FFD0] =	vst v23  }
0x1b: {  	s14 =	sadd.s32 $0x80, s21;
	s15 =	sadd.s32 $0x4080, s21;
	s4 =	sshll.u32 s0, $0x9;
	v50 =	vadd.s32 $0x884, v30;
	v51 =	vadd.s32 $0x1104, v30;
	v52 =	vadd.s32 $0x1984, v30;
	[tilespmem:$0x1FFE0] =	vst v24  }
0x1c: {  	s16 =	sadd.s32 $0x8080, s21;
	s0 =	ssub.s32 $0x2, s0;
	s4 =	sor.u32 s4, s2;
	v53 =	vor.u32 $0x5, v30;
	v54 =	vadd.s32 $0x885, v30;
	v1 =	vor.u32 $0x5400, v3;
	[tilespmem:$0x1FFF0] =	vst v25  }
0x1d: {  	s17 =	sadd.s32 $0xC080, s21;
	s6 =	sshrl.u32 s0, $0x1;
	v55 =	vadd.s32 $0x1105, v30;
	v56 =	vadd.s32 $0x1985, v30;
	s2 =	smul.u32 $0x7, s4;
	[tilespmem:$0x1FE30] =	vst v1;
	v1 =	vadd.s32 $0x5780, v3  }
0x1e: {  	s18 =	sadd.s32 $0x10080, s21;
	s19 =	sadd.s32 $0x14080, s21;
	v57 =	vor.u32 $0x6, v30;
	v58 =	vadd.s32 $0x886, v30;
	s0 =	ssub.s32 s0, s6;
	[tilespmem:$0x1FE40] =	vst v1;
	v1 =	vadd.s32 $0x5B00, v3  }
0x1f: {  	s20 =	sadd.s32 $0x18080, s21;
	v59 =	vadd.s32 $0x1106, v30;
	v60 =	vadd.s32 $0x1986, v30;
	s0 =	smax.u32 s0, $0x1;
	s2 =	sadd.s32 s2, s1;
	[tilespmem:$0x1FE50] =	vst v1;
	v1 =	vadd.s32 $0x5E80, v3  }
0x20: {  	s21 =	sadd.s32 $0x1C080, s21;
	v61 =	vor.u32 $0x7, v30;
	v0 =	vadd.s32 $0x6C80, v3;
	[dreg:$0x4] =	wrdreg s0;
	s29 =	sadd.s32 $0x600, s2;
	[tilespmem:$0x1FE60] =	vst v1;
	v1 =	vimm.s32 $0x0  }
0x21: {  	v62 =	vadd.s32 $0x887, v30;
	v63 =	vadd.s32 $0x1107, v30;
	s6 =	simm.s32 $0x15778;
	[tilespmem:$0x1FE80] =	vst v0;
	s2 =	simm.s32 $0x0;
	[dreg:$0x3] =	wrdreg s29;
	v33 =	vsel vm0, $0x3, v1  }
.LBB2_1:
0x22: {  	v0 =	vmov s3  }
0x23: {  	[dreg:$0x5] =	wrdreg s2;
	v0 =	vand.u32 $0x3F, v0  }
0x24: {  	s0 =	rddreg [dreg:$0x3];
	s29 =	simm.s32 $0x5;
	v1 =	vadd.s32 v3, v0  }
0x25: {  	[tilespmem:s3], [sflag:$0x5] =	stream.linear.gather [hbm4b:s0+s3], $0x7000, $0x38;
	[tilespmem:$0x15800] =	vst v63  }
0x26: {  	_ =	swait.ge [sflag:s29], $0x7000  }
0x27: {  	[sflag:s29] =	ssyncset.done $0x0  }
0x28: {  	[sflag:s29] =	ssyncadd.s32 $0xFFFF9000  }
0x29: {  	v1 =	vld.idx.msk [tilespmem:v1+s3+$0x0], $0xffff  }
0x2a: {  	v2 =	vadd.s32 v4, v0;
	_ =	sdelay $0x2  }
0x2b: {  	s0 =	simm.s32 $0x7100  }
0x2c: {  	[tilespmem:s0+$0xFFFFFF00] =	vst v1  }
0x2d: {  	v1 =	vld.idx.msk [tilespmem:v2+s3+$0x0], $0xffff  }
0x2e: {  	v2 =	vadd.s32 v5, v0;
	_ =	sdelay $0x3  }
0x2f: {  	[tilespmem:s0+$0xFFFFFF10] =	vst v1  }
0x30: {  	v1 =	vld.idx.msk [tilespmem:v2+s3+$0x0], $0xffff  }
0x31: {  	v2 =	vadd.s32 v6, v0;
	_ =	sdelay $0x3  }
0x32: {  	[tilespmem:s0+$0xFFFFFF20] =	vst v1  }
0x33: {  	v1 =	vld.idx.msk [tilespmem:v2+s3+$0x0], $0xffff  }
0x34: {  	v2 =	vadd.s32 v7, v0;
	_ =	sdelay $0x3  }
0x35: {  	[tilespmem:s0+$0xFFFFFF30] =	vst v1  }
0x36: {  	v1 =	vld.idx.msk [tilespmem:v2+s3+$0x0], $0xffff  }
0x37: {  	v2 =	vadd.s32 v8, v0;
	_ =	sdelay $0x3  }
0x38: {  	[tilespmem:s0+$0xFFFFFF40] =	vst v1  }
0x39: {  	v1 =	vld.idx.msk [tilespmem:v2+s3+$0x0], $0xffff  }
0x3a: {  	v2 =	vadd.s32 v9, v0;
	_ =	sdelay $0x3  }
0x3b: {  	[tilespmem:s0+$0xFFFFFF50] =	vst v1  }
0x3c: {  	v1 =	vld.idx.msk [tilespmem:v2+s3+$0x0], $0xffff  }
0x3d: {  	v2 =	vadd.s32 v10, v0;
	_ =	sdelay $0x3  }
0x3e: {  	[tilespmem:s0+$0xFFFFFF60] =	vst v1  }
0x3f: {  	v1 =	vld.idx.msk [tilespmem:v2+s3+$0x0], $0xffff  }
0x40: {  	v2 =	vadd.s32 v11, v0;
	_ =	sdelay $0x3  }
0x41: {  	[tilespmem:s0+$0xFFFFFF70] =	vst v1  }
0x42: {  	v1 =	vld.idx.msk [tilespmem:v2+s3+$0x0], $0xffff  }
0x43: {  	v2 =	vadd.s32 v12, v0;
	_ =	sdelay $0x3  }
0x44: {  	[tilespmem:s0+$0xFFFFFF80] =	vst v1  }
0x45: {  	v1 =	vld.idx.msk [tilespmem:v2+s3+$0x0], $0xffff  }
0x46: {  	v2 =	vadd.s32 v13, v0;
	_ =	sdelay $0x3  }
0x47: {  	[tilespmem:s0+$0xFFFFFF90] =	vst v1  }
0x48: {  	v1 =	vld.idx.msk [tilespmem:v2+s3+$0x0], $0xffff  }
0x49: {  	v2 =	vadd.s32 v14, v0;
	_ =	sdelay $0x3  }
0x4a: {  	[tilespmem:s0+$0xFFFFFFA0] =	vst v1  }
0x4b: {  	v1 =	vld.idx.msk [tilespmem:v2+s3+$0x0], $0xffff  }
0x4c: {  	v2 =	vadd.s32 v15, v0;
	_ =	sdelay $0x3  }
0x4d: {  	[tilespmem:s0+$0xFFFFFFB0] =	vst v1  }
0x4e: {  	v1 =	vld.idx.msk [tilespmem:v2+s3+$0x0], $0xffff  }
0x4f: {  	v2 =	vadd.s32 v16, v0;
	_ =	sdelay $0x3  }
0x50: {  	[tilespmem:s0+$0xFFFFFFC0] =	vst v1  }
0x51: {  	v1 =	vld.idx.msk [tilespmem:v2+s3+$0x0], $0xffff  }
0x52: {  	v2 =	vadd.s32 v17, v0;
	_ =	sdelay $0x3  }
0x53: {  	[tilespmem:s0+$0xFFFFFFD0] =	vst v1  }
0x54: {  	v1 =	vld.idx.msk [tilespmem:v2+s3+$0x0], $0xffff  }
0x55: {  	v2 =	vadd.s32 v18, v0;
	_ =	sdelay $0x3  }
0x56: {  	[tilespmem:s0+$0xFFFFFFE0] =	vst v1  }
0x57: {  	v1 =	vld.idx.msk [tilespmem:v2+s3+$0x0], $0xffff  }
0x58: {  	v2 =	vadd.s32 v19, v0;
	_ =	sdelay $0x3  }
0x59: {  	[tilespmem:s0+$0xFFFFFFF0] =	vst v1  }
0x5a: {  	v1 =	vld.idx.msk [tilespmem:v2+s3+$0x0], $0xffff  }
0x5b: {  	v2 =	vadd.s32 v20, v0;
	_ =	sdelay $0x3  }
0x5c: {  	[tilespmem:s0+$0x0] =	vst v1  }
0x5d: {  	v1 =	vld.idx.msk [tilespmem:v2+s3+$0x0], $0xffff  }
0x5e: {  	v2 =	vadd.s32 v21, v0;
	_ =	sdelay $0x3  }
0x5f: {  	[tilespmem:s0+$0x10] =	vst v1  }
0x60: {  	v1 =	vld.idx.msk [tilespmem:v2+s3+$0x0], $0xffff  }
0x61: {  	v2 =	vadd.s32 v22, v0;
	_ =	sdelay $0x3  }
0x62: {  	[tilespmem:s0+$0x20] =	vst v1  }
0x63: {  	v1 =	vld.idx.msk [tilespmem:v2+s3+$0x0], $0xffff  }
0x64: {  	v2 =	vadd.s32 v23, v0;
	_ =	sdelay $0x3  }
0x65: {  	[tilespmem:s0+$0x30] =	vst v1  }
0x66: {  	v1 =	vld.idx.msk [tilespmem:v2+s3+$0x0], $0xffff  }
0x67: {  	v2 =	vadd.s32 v24, v0;
	_ =	sdelay $0x3  }
0x68: {  	[tilespmem:s0+$0x40] =	vst v1  }
0x69: {  	v1 =	vld.idx.msk [tilespmem:v2+s3+$0x0], $0xffff  }
0x6a: {  	v2 =	vadd.s32 v25, v0;
	_ =	sdelay $0x3  }
0x6b: {  	[tilespmem:s0+$0x50] =	vst v1  }
0x6c: {  	v1 =	vld.idx.msk [tilespmem:v2+s3+$0x0], $0xffff  }
0x6d: {  	v2 =	vld [tilespmem:$0x1FE20];
	_ =	sdelay $0x4  }
0x6e: {  	v2 =	vadd.s32 v2, v0;
	_ =	sdelay $0x3  }
0x6f: {  	[tilespmem:s0+$0x60] =	vst v1  }
0x70: {  	v1 =	vld.idx.msk [tilespmem:v2+s3+$0x0], $0xffff  }
0x71: {  	v2 =	vld [tilespmem:$0x1FE30];
	_ =	sdelay $0x4  }
0x72: {  	v2 =	vadd.s32 v2, v0;
	_ =	sdelay $0x3  }
0x73: {  	[tilespmem:s0+$0x70] =	vst v1  }
0x74: {  	v1 =	vld.idx.msk [tilespmem:v2+s3+$0x0], $0xffff  }
0x75: {  	v2 =	vld [tilespmem:$0x1FE40];
	_ =	sdelay $0x4  }
0x76: {  	v2 =	vadd.s32 v2, v0  }
0x77: {  	v29 =	vld [tilespmem:$0x1FE50];
	_ =	sdelay $0x2  }
0x78: {  	[tilespmem:s0+$0x80] =	vst v1  }
0x79: {  	v1 =	vld.idx.msk [tilespmem:v2+s3+$0x0], $0xffff  }
0x7a: {  	v2 =	vadd.s32 v29, v0  }
0x7b: {  	v28 =	vmov v32;
	v32 =	vld [tilespmem:$0x1FE60];
	_ =	sdelay $0x2  }
0x7c: {  	[tilespmem:s0+$0x90] =	vst v1  }
0x7d: {  	v1 =	vld.idx.msk [tilespmem:v2+s3+$0x0], $0xffff  }
0x7e: {  	v2 =	vadd.s32 v32, v0;
	_ =	sdelay $0x3  }
0x7f: {  	[tilespmem:s0+$0xA0] =	vst v1  }
0x80: {  	v1 =	vld.idx.msk [tilespmem:v2+s3+$0x0], $0xffff  }
0x81: {  	v2 =	vadd.s32 v28, v0;
	_ =	sdelay $0x3  }
0x82: {  	[tilespmem:s0+$0xB0] =	vst v1  }
0x83: {  	v1 =	vld.idx.msk [tilespmem:v2+s3+$0x0], $0xffff  }
0x84: {  	v2 =	vadd.s32 v31, v0  }
0x85: {  	v26 =	vld [tilespmem:$0x1FE70];
	_ =	sdelay $0x2  }
0x86: {  	[tilespmem:s0+$0xC0] =	vst v1  }
0x87: {  	v1 =	vld.idx.msk [tilespmem:v2+s3+$0x0], $0xffff  }
0x88: {  	v2 =	vadd.s32 v26, v0  }
0x89: {  	v27 =	vld [tilespmem:$0x1FE80];
	_ =	sdelay $0x2  }
0x8a: {  	[tilespmem:s0+$0xD0] =	vst v1  }
0x8b: {  	v1 =	vld.idx.msk [tilespmem:v2+s3+$0x0], $0xffff  }
0x8c: {  	v2 =	vadd.s32 v27, v0;
	_ =	sdelay $0x3  }
0x8d: {  	s1 =	simm.s32 $0x1;
	[tilespmem:s0+$0xE0] =	vst v1  }
0x8e: {  	v0 =	vmov s1;
	s1 =	simm.s32 $0x2;
	v1 =	vld.idx.msk [tilespmem:v2+s3+$0x0], $0xffff  }
.LBB2_2:
0x8f: {  	v0 =	vand.u32 $0x3F, v0  }
0x90: {  	v2 =	vadd.s32 v3, v0;
	_ =	sdelay $0x3  }
0x91: {  	[tilespmem:s0+$0xF0] =	vst v1  }
0x92: {  	v1 =	vld.idx.msk [tilespmem:v2+s3+$0x0], $0xffff  }
0x93: {  	v2 =	vadd.s32 v4, v0;
	_ =	sdelay $0x2  }
0x94: {  	s0 =	sadd.s32 $0x200, s0  }
0x95: {  	[tilespmem:s0+$0xFFFFFF00] =	vst v1  }
0x96: {  	v1 =	vld.idx.msk [tilespmem:v2+s3+$0x0], $0xffff  }
0x97: {  	v2 =	vadd.s32 v5, v0;
	_ =	sdelay $0x3  }
0x98: {  	[tilespmem:s0+$0xFFFFFF10] =	vst v1  }
0x99: {  	v1 =	vld.idx.msk [tilespmem:v2+s3+$0x0], $0xffff  }
0x9a: {  	v2 =	vadd.s32 v6, v0;
	_ =	sdelay $0x3  }
0x9b: {  	[tilespmem:s0+$0xFFFFFF20] =	vst v1  }
0x9c: {  	v1 =	vld.idx.msk [tilespmem:v2+s3+$0x0], $0xffff  }
0x9d: {  	v2 =	vadd.s32 v7, v0;
	_ =	sdelay $0x3  }
0x9e: {  	[tilespmem:s0+$0xFFFFFF30] =	vst v1  }
0x9f: {  	v1 =	vld.idx.msk [tilespmem:v2+s3+$0x0], $0xffff  }
0xa0: {  	v2 =	vadd.s32 v8, v0;
	_ =	sdelay $0x3  }
0xa1: {  	[tilespmem:s0+$0xFFFFFF40] =	vst v1  }
0xa2: {  	v1 =	vld.idx.msk [tilespmem:v2+s3+$0x0], $0xffff  }
0xa3: {  	v2 =	vadd.s32 v9, v0;
	_ =	sdelay $0x3  }
0xa4: {  	[tilespmem:s0+$0xFFFFFF50] =	vst v1  }
0xa5: {  	v1 =	vld.idx.msk [tilespmem:v2+s3+$0x0], $0xffff  }
0xa6: {  	v2 =	vadd.s32 v10, v0;
	_ =	sdelay $0x3  }
0xa7: {  	[tilespmem:s0+$0xFFFFFF60] =	vst v1  }
0xa8: {  	v1 =	vld.idx.msk [tilespmem:v2+s3+$0x0], $0xffff  }
0xa9: {  	v2 =	vadd.s32 v11, v0;
	_ =	sdelay $0x3  }
0xaa: {  	[tilespmem:s0+$0xFFFFFF70] =	vst v1  }
0xab: {  	v1 =	vld.idx.msk [tilespmem:v2+s3+$0x0], $0xffff  }
0xac: {  	v2 =	vadd.s32 v12, v0;
	_ =	sdelay $0x3  }
0xad: {  	[tilespmem:s0+$0xFFFFFF80] =	vst v1  }
0xae: {  	v1 =	vld.idx.msk [tilespmem:v2+s3+$0x0], $0xffff  }
0xaf: {  	v2 =	vadd.s32 v13, v0;
	_ =	sdelay $0x3  }
0xb0: {  	[tilespmem:s0+$0xFFFFFF90] =	vst v1  }
0xb1: {  	v1 =	vld.idx.msk [tilespmem:v2+s3+$0x0], $0xffff  }
0xb2: {  	v2 =	vadd.s32 v14, v0;
	_ =	sdelay $0x3  }
0xb3: {  	[tilespmem:s0+$0xFFFFFFA0] =	vst v1  }
0xb4: {  	v1 =	vld.idx.msk [tilespmem:v2+s3+$0x0], $0xffff  }
0xb5: {  	v2 =	vadd.s32 v15, v0;
	_ =	sdelay $0x3  }
0xb6: {  	[tilespmem:s0+$0xFFFFFFB0] =	vst v1  }
0xb7: {  	v1 =	vld.idx.msk [tilespmem:v2+s3+$0x0], $0xffff  }
0xb8: {  	v2 =	vadd.s32 v16, v0;
	_ =	sdelay $0x3  }
0xb9: {  	[tilespmem:s0+$0xFFFFFFC0] =	vst v1  }
0xba: {  	v1 =	vld.idx.msk [tilespmem:v2+s3+$0x0], $0xffff  }
0xbb: {  	v2 =	vadd.s32 v17, v0;
	_ =	sdelay $0x3  }
0xbc: {  	[tilespmem:s0+$0xFFFFFFD0] =	vst v1  }
0xbd: {  	v1 =	vld.idx.msk [tilespmem:v2+s3+$0x0], $0xffff  }
0xbe: {  	v2 =	vadd.s32 v18, v0;
	_ =	sdelay $0x3  }
0xbf: {  	[tilespmem:s0+$0xFFFFFFE0] =	vst v1  }
0xc0: {  	v1 =	vld.idx.msk [tilespmem:v2+s3+$0x0], $0xffff  }
0xc1: {  	v2 =	vadd.s32 v19, v0;
	_ =	sdelay $0x3  }
0xc2: {  	[tilespmem:s0+$0xFFFFFFF0] =	vst v1  }
0xc3: {  	v1 =	vld.idx.msk [tilespmem:v2+s3+$0x0], $0xffff  }
0xc4: {  	v2 =	vadd.s32 v20, v0;
	_ =	sdelay $0x3  }
0xc5: {  	[tilespmem:s0+$0x0] =	vst v1  }
0xc6: {  	v1 =	vld.idx.msk [tilespmem:v2+s3+$0x0], $0xffff  }
0xc7: {  	v2 =	vadd.s32 v21, v0;
	_ =	sdelay $0x3  }
0xc8: {  	[tilespmem:s0+$0x10] =	vst v1  }
0xc9: {  	v1 =	vld.idx.msk [tilespmem:v2+s3+$0x0], $0xffff  }
0xca: {  	v2 =	vadd.s32 v22, v0;
	_ =	sdelay $0x3  }
0xcb: {  	[tilespmem:s0+$0x20] =	vst v1  }
0xcc: {  	v1 =	vld.idx.msk [tilespmem:v2+s3+$0x0], $0xffff  }
0xcd: {  	v2 =	vadd.s32 v23, v0;
	_ =	sdelay $0x3  }
0xce: {  	[tilespmem:s0+$0x30] =	vst v1  }
0xcf: {  	v1 =	vld.idx.msk [tilespmem:v2+s3+$0x0], $0xffff  }
0xd0: {  	v2 =	vadd.s32 v24, v0;
	_ =	sdelay $0x3  }
0xd1: {  	[tilespmem:s0+$0x40] =	vst v1  }
0xd2: {  	v1 =	vld.idx.msk [tilespmem:v2+s3+$0x0], $0xffff  }
0xd3: {  	v2 =	vadd.s32 v25, v0;
	_ =	sdelay $0x3  }
0xd4: {  	[tilespmem:s0+$0x50] =	vst v1  }
0xd5: {  	v1 =	vld.idx.msk [tilespmem:v2+s3+$0x0], $0xffff  }
0xd6: {  	v2 =	vld [tilespmem:$0x1FE20];
	_ =	sdelay $0x4  }
0xd7: {  	v2 =	vadd.s32 v2, v0;
	_ =	sdelay $0x3  }
0xd8: {  	[tilespmem:s0+$0x60] =	vst v1  }
0xd9: {  	v1 =	vld.idx.msk [tilespmem:v2+s3+$0x0], $0xffff  }
0xda: {  	v2 =	vld [tilespmem:$0x1FE30];
	_ =	sdelay $0x4  }
0xdb: {  	v2 =	vadd.s32 v2, v0;
	_ =	sdelay $0x3  }
0xdc: {  	[tilespmem:s0+$0x70] =	vst v1  }
0xdd: {  	v1 =	vld.idx.msk [tilespmem:v2+s3+$0x0], $0xffff  }
0xde: {  	v2 =	vld [tilespmem:$0x1FE40];
	_ =	sdelay $0x4  }
0xdf: {  	v2 =	vadd.s32 v2, v0;
	_ =	sdelay $0x3  }
0xe0: {  	[tilespmem:s0+$0x80] =	vst v1  }
0xe1: {  	v1 =	vld.idx.msk [tilespmem:v2+s3+$0x0], $0xffff  }
0xe2: {  	v2 =	vadd.s32 v29, v0;
	_ =	sdelay $0x3  }
0xe3: {  	[tilespmem:s0+$0x90] =	vst v1  }
0xe4: {  	v1 =	vld.idx.msk [tilespmem:v2+s3+$0x0], $0xffff  }
0xe5: {  	v2 =	vadd.s32 v32, v0;
	_ =	sdelay $0x3  }
0xe6: {  	[tilespmem:s0+$0xA0] =	vst v1  }
0xe7: {  	v1 =	vld.idx.msk [tilespmem:v2+s3+$0x0], $0xffff  }
0xe8: {  	v2 =	vadd.s32 v28, v0;
	_ =	sdelay $0x3  }
0xe9: {  	[tilespmem:s0+$0xB0] =	vst v1  }
0xea: {  	v1 =	vld.idx.msk [tilespmem:v2+s3+$0x0], $0xffff  }
0xeb: {  	v2 =	vadd.s32 v31, v0;
	_ =	sdelay $0x3  }
0xec: {  	[tilespmem:s0+$0xC0] =	vst v1  }
0xed: {  	v1 =	vld.idx.msk [tilespmem:v2+s3+$0x0], $0xffff  }
0xee: {  	v2 =	vadd.s32 v26, v0;
	_ =	sdelay $0x3  }
0xef: {  	[tilespmem:s0+$0xD0] =	vst v1  }
0xf0: {  	v1 =	vld.idx.msk [tilespmem:v2+s3+$0x0], $0xffff  }
0xf1: {  	p0 =	sne.s32 s1, $0x31;
	v2 =	vadd.s32 v27, v0  }
.Ltmp0:
0xf2: {  	_ = 	snop;
	(pc) =	sbr.rel @p0 .LBB2_2-.Ltmp0, $3  }
0xf3: {  	_ =	sdelay $0x1  }
0xf4: {  	[tilespmem:s0+$0xE0] =	vst v1  }
0xf5: {  	v0 =	vmov s1;
	s1 =	sadd.s32 $0x1, s1;
	v1 =	vld.idx.msk [tilespmem:v2+s3+$0x0], $0xffff  }
0xf6: {  	v0 =	vand.u32 $0x3F, v0  }
0xf7: {  	v2 =	vadd.s32 v3, v0;
	_ =	sdelay $0x3  }
0xf8: {  	[tilespmem:s0+$0xF0] =	vst v1  }
0xf9: {  	v1 =	vld.idx.msk [tilespmem:v2+s3+$0x0], $0xffff  }
0xfa: {  	v4 =	vadd.s32 v4, v0;
	_ =	sdelay $0x2  }
0xfb: {  	s25 =	sadd.s32 $0x200, s0  }
0xfc: {  	[tilespmem:s25+$0xFFFFFF00] =	vst v1  }
0xfd: {  	v1 =	vld.idx.msk [tilespmem:v4+s3+$0x0], $0xffff  }
0xfe: {  	v5 =	vadd.s32 v5, v0;
	_ =	sdelay $0x3  }
0xff: {  	[tilespmem:s25+$0xFFFFFF10] =	vst v1  }
0x100: {  	v1 =	vld.idx.msk [tilespmem:v5+s3+$0x0], $0xffff  }
0x101: {  	v6 =	vadd.s32 v6, v0;
	_ =	sdelay $0x3  }
0x102: {  	[tilespmem:s25+$0xFFFFFF20] =	vst v1  }
0x103: {  	v1 =	vld.idx.msk [tilespmem:v6+s3+$0x0], $0xffff  }
0x104: {  	v7 =	vadd.s32 v7, v0;
	_ =	sdelay $0x3  }
0x105: {  	[tilespmem:s25+$0xFFFFFF30] =	vst v1  }
0x106: {  	v1 =	vld.idx.msk [tilespmem:v7+s3+$0x0], $0xffff  }
0x107: {  	v8 =	vadd.s32 v8, v0;
	_ =	sdelay $0x3  }
0x108: {  	[tilespmem:s25+$0xFFFFFF40] =	vst v1  }
0x109: {  	v1 =	vld.idx.msk [tilespmem:v8+s3+$0x0], $0xffff  }
0x10a: {  	v9 =	vadd.s32 v9, v0;
	_ =	sdelay $0x3  }
0x10b: {  	[tilespmem:s25+$0xFFFFFF50] =	vst v1  }
0x10c: {  	v1 =	vld.idx.msk [tilespmem:v9+s3+$0x0], $0xffff  }
0x10d: {  	v10 =	vadd.s32 v10, v0;
	_ =	sdelay $0x3  }
0x10e: {  	[tilespmem:s25+$0xFFFFFF60] =	vst v1  }
0x10f: {  	v1 =	vld.idx.msk [tilespmem:v10+s3+$0x0], $0xffff  }
0x110: {  	v4 =	vadd.s32 v11, v0;
	_ =	sdelay $0x3  }
0x111: {  	[tilespmem:s25+$0xFFFFFF70] =	vst v1  }
0x112: {  	v1 =	vld.idx.msk [tilespmem:v4+s3+$0x0], $0xffff  }
0x113: {  	v5 =	vadd.s32 v12, v0;
	_ =	sdelay $0x3  }
0x114: {  	[tilespmem:s25+$0xFFFFFF80] =	vst v1  }
0x115: {  	v1 =	vld.idx.msk [tilespmem:v5+s3+$0x0], $0xffff  }
0x116: {  	v6 =	vadd.s32 v13, v0;
	_ =	sdelay $0x3  }
0x117: {  	[tilespmem:s25+$0xFFFFFF90] =	vst v1  }
0x118: {  	v1 =	vld.idx.msk [tilespmem:v6+s3+$0x0], $0xffff  }
0x119: {  	v7 =	vadd.s32 v14, v0;
	_ =	sdelay $0x3  }
0x11a: {  	[tilespmem:s25+$0xFFFFFFA0] =	vst v1  }
0x11b: {  	v1 =	vld.idx.msk [tilespmem:v7+s3+$0x0], $0xffff  }
0x11c: {  	v8 =	vadd.s32 v15, v0;
	_ =	sdelay $0x3  }
0x11d: {  	[tilespmem:s25+$0xFFFFFFB0] =	vst v1  }
0x11e: {  	v1 =	vld.idx.msk [tilespmem:v8+s3+$0x0], $0xffff  }
0x11f: {  	v9 =	vadd.s32 v16, v0;
	_ =	sdelay $0x3  }
0x120: {  	[tilespmem:s25+$0xFFFFFFC0] =	vst v1  }
0x121: {  	v1 =	vld.idx.msk [tilespmem:v9+s3+$0x0], $0xffff  }
0x122: {  	v10 =	vadd.s32 v17, v0;
	_ =	sdelay $0x3  }
0x123: {  	[tilespmem:s25+$0xFFFFFFD0] =	vst v1  }
0x124: {  	v1 =	vld.idx.msk [tilespmem:v10+s3+$0x0], $0xffff  }
0x125: {  	v11 =	vadd.s32 v18, v0;
	_ =	sdelay $0x3  }
0x126: {  	[tilespmem:s25+$0xFFFFFFE0] =	vst v1  }
0x127: {  	v1 =	vld.idx.msk [tilespmem:v11+s3+$0x0], $0xffff  }
0x128: {  	v12 =	vadd.s32 v19, v0;
	_ =	sdelay $0x3  }
0x129: {  	[tilespmem:s25+$0xFFFFFFF0] =	vst v1  }
0x12a: {  	v1 =	vld.idx.msk [tilespmem:v12+s3+$0x0], $0xffff  }
0x12b: {  	v13 =	vadd.s32 v20, v0;
	_ =	sdelay $0x3  }
0x12c: {  	[tilespmem:s25+$0x0] =	vst v1  }
0x12d: {  	v1 =	vld.idx.msk [tilespmem:v13+s3+$0x0], $0xffff  }
0x12e: {  	v14 =	vadd.s32 v21, v0;
	_ =	sdelay $0x3  }
0x12f: {  	[tilespmem:s25+$0x10] =	vst v1  }
0x130: {  	v1 =	vld.idx.msk [tilespmem:v14+s3+$0x0], $0xffff  }
0x131: {  	v15 =	vadd.s32 v22, v0;
	_ =	sdelay $0x3  }
0x132: {  	[tilespmem:s25+$0x20] =	vst v1  }
0x133: {  	v1 =	vld.idx.msk [tilespmem:v15+s3+$0x0], $0xffff  }
0x134: {  	v16 =	vadd.s32 v23, v0;
	_ =	sdelay $0x3  }
0x135: {  	[tilespmem:s25+$0x30] =	vst v1  }
0x136: {  	v1 =	vld.idx.msk [tilespmem:v16+s3+$0x0], $0xffff  }
0x137: {  	v17 =	vadd.s32 v24, v0;
	_ =	sdelay $0x3  }
0x138: {  	[tilespmem:s25+$0x40] =	vst v1  }
0x139: {  	v1 =	vld.idx.msk [tilespmem:v17+s3+$0x0], $0xffff  }
0x13a: {  	v18 =	vadd.s32 v25, v0  }
0x13b: {  	v19 =	vld [tilespmem:$0x1FE20];
	_ =	sdelay $0x2  }
0x13c: {  	[tilespmem:s25+$0x50] =	vst v1  }
0x13d: {  	v1 =	vld.idx.msk [tilespmem:v18+s3+$0x0], $0xffff  }
0x13e: {  	v2 =	vadd.s32 v19, v0  }
0x13f: {  	v20 =	vld [tilespmem:$0x1FE30];
	_ =	sdelay $0x2  }
0x140: {  	[tilespmem:s25+$0x60] =	vst v1  }
0x141: {  	v1 =	vld.idx.msk [tilespmem:v2+s3+$0x0], $0xffff  }
0x142: {  	v2 =	vadd.s32 v20, v0  }
0x143: {  	v21 =	vld [tilespmem:$0x1FE40];
	_ =	sdelay $0x2  }
0x144: {  	[tilespmem:s25+$0x70] =	vst v1  }
0x145: {  	v1 =	vld.idx.msk [tilespmem:v2+s3+$0x0], $0xffff  }
0x146: {  	v2 =	vadd.s32 v21, v0;
	_ =	sdelay $0x3  }
0x147: {  	[tilespmem:s25+$0x80] =	vst v1  }
0x148: {  	v1 =	vld.idx.msk [tilespmem:v2+s3+$0x0], $0xffff  }
0x149: {  	v22 =	vadd.s32 v29, v0;
	_ =	sdelay $0x3  }
0x14a: {  	[tilespmem:s25+$0x90] =	vst v1  }
0x14b: {  	v1 =	vld.idx.msk [tilespmem:v22+s3+$0x0], $0xffff  }
0x14c: {  	v23 =	vadd.s32 v32, v0;
	_ =	sdelay $0x3  }
0x14d: {  	[tilespmem:s25+$0xA0] =	vst v1  }
0x14e: {  	v1 =	vld.idx.msk [tilespmem:v23+s3+$0x0], $0xffff  }
0x14f: {  	v24 =	vadd.s32 v28, v0;
	_ =	sdelay $0x3  }
0x150: {  	[tilespmem:s25+$0xB0] =	vst v1  }
0x151: {  	v1 =	vld.idx.msk [tilespmem:v24+s3+$0x0], $0xffff  }
0x152: {  	v25 =	vadd.s32 v31, v0;
	_ =	sdelay $0x3  }
0x153: {  	[tilespmem:s25+$0xC0] =	vst v1  }
0x154: {  	v1 =	vld.idx.msk [tilespmem:v25+s3+$0x0], $0xffff  }
0x155: {  	v32 =	vadd.s32 v26, v0;
	_ =	sdelay $0x3  }
0x156: {  	[tilespmem:s25+$0xD0] =	vst v1  }
0x157: {  	v1 =	vld.idx.msk [tilespmem:v32+s3+$0x0], $0xffff  }
0x158: {  	v0 =	vadd.s32 v27, v0;
	_ =	sdelay $0x3  }
0x159: {  	[tilespmem:s25+$0xE0] =	vst v1  }
0x15a: {  	v0 =	vld.idx.msk [tilespmem:v0+s3+$0x0], $0xffff;
	_ =	sdelay $0x3  }
0x15b: {  	s26 =	simm.s32 $0x80  }
0x15c: {  	s1 =	simm.s32 $0x7000;
	s2 =	simm.s32 $0xD400;
	s28 =	simm.s32 $0x7080;
	[tilespmem:s25+$0xF0] =	vst v0  }
0x15d: {  	[tilespmem:s2], [sflag:$0x1] =	stream.indirect.gather [hbm4b:s5+s26], $0x40, s1, s26, $0xb8;
	[tilespmem:$0x15800] =	vst v63  }
0x15e: {  	s29 =	simm.s32 $0xF400;
	s2 =	simm.s32 $0x0;
	s1 =	simm.s32 $0x0  }
0x15f: {  	v32 =	vmov v28;
	[tilespmem:s29], [sflag:$0x2] =	stream.indirect.gather [hbm4b:s5+s26], $0x40, s28, s26, $0xb8;
	[tilespmem:$0x15800] =	vst v63  }
.LBB2_4:
0x160: {  	_ =	swait.ge [sflag:s30], $0x2000  }
0x161: {  	p0 =	seq.s32 s1, $0x0;
	[sflag:s30] =	ssyncset.done $0x0  }
0x162: {  	s0 =	simm.s32 @!p0 $0x3;
	[sflag:s30] =	ssyncadd.s32 $0xFFFFE000  }
0x163: {  	_ =	swait.ge @!p0 [sflag:s0], $0x400  }
0x164: {  	[sflag:s0] =	ssyncset.done @!p0 $0x0  }
0x165: {  	[sflag:s0] =	ssyncadd.s32 @!p0 $0xFFFFFC00  }
0x166: {  	_ =	swait.ge @!p0 [sflag:s0], $0x400  }
0x167: {  	[sflag:s0] =	ssyncset.done @!p0 $0x0  }
0x168: {  	[sflag:s0] =	ssyncadd.s32 @!p0 $0xFFFFFC00  }
0x169: {  	_ =	swait.ge @!p0 [sflag:s0], $0x400  }
0x16a: {  	[sflag:s0] =	ssyncset.done @!p0 $0x0  }
0x16b: {  	[sflag:s0] =	ssyncadd.s32 @!p0 $0xFFFFFC00  }
0x16c: {  	_ =	swait.ge @!p0 [sflag:s0], $0x400  }
0x16d: {  	[sflag:s0] =	ssyncset.done @!p0 $0x0  }
0x16e: {  	[sflag:s0] =	ssyncadd.s32 @!p0 $0xFFFFFC00  }
0x16f: {  	_ =	swait.ge @!p0 [sflag:s0], $0x400  }
0x170: {  	[sflag:s0] =	ssyncset.done @!p0 $0x0  }
0x171: {  	[sflag:s0] =	ssyncadd.s32 @!p0 $0xFFFFFC00  }
0x172: {  	_ =	swait.ge @!p0 [sflag:s0], $0x400  }
0x173: {  	v0 =	vmov s2;
	s25 =	simm.s32 $0x1;
	s26 =	simm.s32 $0x2;
	[sflag:s0] =	ssyncset.done @!p0 $0x0  }
0x174: {  	s24 =	simm.s32 $0x3;
	s29 =	simm.s32 $0x4;
	v0 =	vshrl.u32 v0, $0x3;
	[sflag:s0] =	ssyncadd.s32 @!p0 $0xFFFFFC00  }
0x175: {  	s28 =	simm.s32 $0x7;
	v1 =	vmov s25;
	v2 =	vmov s26;
	v3 =	vmov s24;
	s24 =	simm.s32 $0x5;
	_ =	swait.ge @!p0 [sflag:s0], $0x400  }
0x176: {  	v4 =	vmov s29;
	v5 =	vmov s28;
	v6 =	vmov s24;
	[sflag:s0] =	ssyncset.done @!p0 $0x0  }
0x177: {  	v0 =	vshll.u32 v0, v33;
	v5 =	vshrl.u32 v5, $0x3;
	v8 =	vshrl.u32 v1, $0x3;
	[sflag:s0] =	ssyncadd.s32 @!p0 $0xFFFFFC00  }
0x178: {  	v2 =	vshrl.u32 v2, $0x3;
	v3 =	vshrl.u32 v3, $0x3;
	v1 =	vshll.u32 v5, v33;
	_ =	swait.ge @!p0 [sflag:s0], $0x400  }
0x179: {  	v9 =	vbroadcast v1, $0x0;
	v1 =	vbroadcast v0, $0x0;
	v0 =	vshll.u32 v8, v33;
	[sflag:s0] =	ssyncset.done @!p0 $0x0  }
0x17a: {  	s25 =	simm.s32 $0xD500;
	v4 =	vshrl.u32 v4, $0x3;
	v15 =	vbroadcast v0, $0x0;
	v0 =	vshll.u32 v2, v33;
	[sflag:s0] =	ssyncadd.s32 @!p0 $0xFFFFFC00  }
0x17b: {  	v10 =	vadd.s32 v61, v9;
	v21 =	vbroadcast v0, $0x0;
	v0 =	vshll.u32 v3, v33;
	v8 =	vld [tilespmem:s25+$0xC0]  }
0x17c: {  	v12 =	vadd.s32 v30, v1;
	v3 =	vbroadcast v0, $0x0;
	v0 =	vshll.u32 v4, v33;
	v11 =	vld [tilespmem:s25+$0xFFFFFF00]  }
0x17d: {  	s29 =	simm.s32 $0x6;
	v14 =	vadd.s32 v37, v15;
	v2 =	vbroadcast v0, $0x0;
	v0 =	vshrl.u32 v6, $0x3;
	v13 =	vld [tilespmem:s25+$0xFFFFFF40]  }
0x17e: {  	v7 =	vmov s29;
	v17 =	vadd.s32 v41, v21;
	v0 =	vshll.u32 v0, v33;
	v16 =	vld [tilespmem:s25+$0xFFFFFF80]  }
0x17f: {  	v4 =	vshrl.u32 v7, $0x3;
	v18 =	vadd.s32 v45, v3;
	v5 =	vbroadcast v0, $0x0;
	v6 =	vld [tilespmem:s25+$0xFFFFFFC0]  }
0x180: {  	v19 =	vadd.s32 v49, v2;
	v0 =	vshll.u32 v4, v33;
	v7 =	vld [tilespmem:s25+$0x0];
	[tilespmem:v10+s31+$0x0] =	vst.idx.msk $0xffff, v8  }
0x181: {  	v4 =	vbroadcast v0, $0x0;
	[tilespmem:v12+s31+$0x0] =	vst.idx.msk $0xffff, v11;
	v10 =	vld [tilespmem:s25+$0x40];
	v11 =	vadd.s32 v53, v5  }
0x182: {  	v8 =	vadd.s32 v62, v9;
	[tilespmem:v14+s31+$0x0] =	vst.idx.msk $0xffff, v13;
	v0 =	vld [tilespmem:s25+$0xD0]  }
0x183: {  	[tilespmem:v17+s31+$0x0] =	vst.idx.msk $0xffff, v16;
	v12 =	vld [tilespmem:s25+$0x80];
	v13 =	vadd.s32 v57, v4  }
0x184: {  	v16 =	vadd.s32 v38, v15;
	[tilespmem:v18+s31+$0x0] =	vst.idx.msk $0xffff, v6;
	v14 =	vld [tilespmem:s25+$0xFFFFFF50]  }
0x185: {  	v17 =	vadd.s32 v42, v21;
	[tilespmem:v19+s31+$0x0] =	vst.idx.msk $0xffff, v7;
	v6 =	vld [tilespmem:s25+$0xFFFFFF90]  }
0x186: {  	v18 =	vadd.s32 v46, v3;
	v7 =	vld [tilespmem:s25+$0xFFFFFFD0];
	[tilespmem:v11+s31+$0x0] =	vst.idx.msk $0xffff, v10  }
0x187: {  	v10 =	vld [tilespmem:s25+$0x10];
	v11 =	vadd.s32 v50, v2;
	[tilespmem:v8+s31+$0x0] =	vst.idx.msk $0xffff, v0  }
0x188: {  	[tilespmem:v13+s31+$0x0] =	vst.idx.msk $0xffff, v12;
	v8 =	vadd.s32 v63, v9;
	v0 =	vld [tilespmem:s25+$0xE0]  }
0x189: {  	v13 =	vadd.s32 v54, v5;
	[tilespmem:v16+s31+$0x0] =	vst.idx.msk $0xffff, v14;
	v12 =	vld [tilespmem:s25+$0x50]  }
0x18a: {  	[tilespmem:v17+s31+$0x0] =	vst.idx.msk $0xffff, v6;
	v6 =	vld [tilespmem:s25+$0x90];
	v14 =	vadd.s32 v58, v4  }
0x18b: {  	v16 =	vld [tilespmem:s25+$0xFFFFFF10];
	v17 =	vadd.s32 v34, v1;
	[tilespmem:v18+s31+$0x0] =	vst.idx.msk $0xffff, v7  }
0x18c: {  	v18 =	vadd.s32 v39, v15;
	v7 =	vld [tilespmem:s25+$0xFFFFFF60];
	[tilespmem:v11+s31+$0x0] =	vst.idx.msk $0xffff, v10  }
0x18d: {  	v24 =	vadd.s32 v43, v21;
	v23 =	vld [tilespmem:s25+$0xFFFFFFA0];
	[tilespmem:v8+s31+$0x0] =	vst.idx.msk $0xffff, v0;
	v0 =	vadd.s32 $0x1987, v30  }
0x18e: {  	[tilespmem:v13+s31+$0x0] =	vst.idx.msk $0xffff, v12;
	v19 =	vld [tilespmem:s25+$0xF0];
	v22 =	vadd.s32 v0, v9  }
0x18f: {  	v26 =	vadd.s32 v47, v3;
	v25 =	vld [tilespmem:s25+$0xFFFFFFE0];
	[tilespmem:v14+s31+$0x0] =	vst.idx.msk $0xffff, v6  }
0x190: {  	s26 =	simm.s32 $0x9;
	v28 =	vadd.s32 v51, v2;
	[tilespmem:v17+s31+$0x0] =	vst.idx.msk $0xffff, v16;
	v27 =	vld [tilespmem:s25+$0x20]  }
0x191: {  	s24 =	simm.s32 $0x8;
	v20 =	vmov s26;
	[tilespmem:v18+s31+$0x0] =	vst.idx.msk $0xffff, v7;
	v8 =	vld [tilespmem:s25+$0x60];
	v9 =	vadd.s32 v55, v5  }
0x192: {  	s29 =	simm.s32 $0xA;
	v21 =	vadd.s32 v44, v21;
	v11 =	vadd.s32 v59, v4;
	v6 =	vmov s24;
	v10 =	vld [tilespmem:s25+$0xA0];
	[tilespmem:v24+s31+$0x0] =	vst.idx.msk $0xffff, v23  }
0x193: {  	s24 =	simm.s32 $0xB;
	v16 =	vadd.s32 v35, v1;
	v7 =	vshrl.u32 v6, $0x3;
	v13 =	vld [tilespmem:s25+$0xFFFFFF20];
	[tilespmem:v22+s31+$0x0] =	vst.idx.msk $0xffff, v19;
	v22 =	vmov s29;
	s29 =	simm.s32 $0xC  }
0x194: {  	v12 =	vmov s24;
	s24 =	simm.s32 $0xD;
	[tilespmem:v26+s31+$0x0] =	vst.idx.msk $0xffff, v25;
	v17 =	vld [tilespmem:s25+$0xFFFFFF70];
	v19 =	vadd.s32 v40, v15;
	v14 =	vmov s29;
	s29 =	simm.s32 $0xE  }
0x195: {  	s28 =	simm.s32 $0xF;
	s26 =	simm.s32 $0x10;
	s0 =	sshll.u32 s1, $0x1;
	v6 =	vmov s24;
	v18 =	vld [tilespmem:s25+$0xFFFFFFB0];
	[tilespmem:v28+s31+$0x0] =	vst.idx.msk $0xffff, v27;
	v15 =	vshll.u32 v7, v33;
	v7 =	vmov s29  }
.LBB2_5:
0x196: {  	p1 =	slt.u32 s26, $0x78;
	v20 =	vshrl.u32 v20, $0x3;
	v23 =	vmov s28;
	v24 =	vld [tilespmem:s25+$0xFFFFFFF0];
	v3 =	vadd.s32 v48, v3;
	[tilespmem:v9+s31+$0x0] =	vst.idx.msk $0xffff, v8  }
0x197: {  	v8 =	vshrl.u32 v22, $0x3;
	v2 =	vadd.s32 v52, v2;
	v9 =	vshrl.u32 v23, $0x3;
	v22 =	vld [tilespmem:s25+$0x30];
	[tilespmem:v11+s31+$0x0] =	vst.idx.msk $0xffff, v10  }
0x198: {  	v5 =	vadd.s32 v56, v5;
	v10 =	vshrl.u32 v12, $0x3;
	v9 =	vshll.u32 v9, v33;
	[tilespmem:v16+s31+$0x0] =	vst.idx.msk $0xffff, v13;
	v11 =	vld [tilespmem:s25+$0x70]  }
0x199: {  	v4 =	vadd.s32 v60, v4;
	v12 =	vshrl.u32 v14, $0x3;
	v9 =	vbroadcast v9, $0x0;
	[tilespmem:v19+s31+$0x0] =	vst.idx.msk $0xffff, v17;
	v13 =	vld [tilespmem:s25+$0xB0]  }
0x19a: {  	v14 =	vshll.u32 v20, v33;
	v17 =	vadd.s32 v36, v1;
	v1 =	vbroadcast v15, $0x0;
	v16 =	vld [tilespmem:s25+$0xFFFFFF30];
	[tilespmem:v21+s31+$0x0] =	vst.idx.msk $0xffff, v18;
	s25 =	sadd.s32 $0x200, s25  }
0x19b: {  	v8 =	vshll.u32 v8, v33;
	v15 =	vbroadcast v14, $0x0;
	v14 =	vld [tilespmem:s25+$0xC0];
	v18 =	vadd.s32 v61, v9;
	[tilespmem:v3+s31+$0x0] =	vst.idx.msk $0xffff, v24  }
0x19c: {  	v21 =	vbroadcast v8, $0x0;
	v20 =	vadd.s32 v30, v1;
	v3 =	vshll.u32 v10, v33;
	v19 =	vld [tilespmem:s25+$0xFFFFFF00];
	[tilespmem:v2+s31+$0x0] =	vst.idx.msk $0xffff, v22  }
0x19d: {  	v10 =	vadd.s32 v37, v15;
	v3 =	vbroadcast v3, $0x0;
	v2 =	vshll.u32 v12, v33;
	v8 =	vld [tilespmem:s25+$0xFFFFFF40];
	[tilespmem:v5+s31+$0x0] =	vst.idx.msk $0xffff, v11  }
0x19e: {  	v12 =	vadd.s32 v41, v21;
	v2 =	vbroadcast v2, $0x0;
	v5 =	vshrl.u32 v6, $0x3;
	v11 =	vld [tilespmem:s25+$0xFFFFFF80];
	[tilespmem:v4+s31+$0x0] =	vst.idx.msk $0xffff, v13  }
0x19f: {  	v7 =	vshrl.u32 v7, $0x3;
	v13 =	vadd.s32 v45, v3;
	v4 =	vshll.u32 v5, v33;
	v6 =	vld [tilespmem:s25+$0xFFFFFFC0];
	[tilespmem:v17+s31+$0x0] =	vst.idx.msk $0xffff, v16  }
0x1a0: {  	v17 =	vadd.s32 v49, v2;
	v5 =	vbroadcast v4, $0x0;
	v4 =	vshll.u32 v7, v33;
	v16 =	vld [tilespmem:s25+$0x0];
	[tilespmem:v18+s31+$0x0] =	vst.idx.msk $0xffff, v14  }
0x1a1: {  	v4 =	vbroadcast v4, $0x0;
	v14 =	vadd.s32 v62, v9;
	[tilespmem:v20+s31+$0x0] =	vst.idx.msk $0xffff, v19;
	v7 =	vld [tilespmem:s25+$0xD0]  }
0x1a2: {  	[tilespmem:v10+s31+$0x0] =	vst.idx.msk $0xffff, v8;
	v8 =	vld [tilespmem:s25+$0x40];
	v10 =	vadd.s32 v53, v5  }
0x1a3: {  	[tilespmem:v12+s31+$0x0] =	vst.idx.msk $0xffff, v11;
	v11 =	vld [tilespmem:s25+$0x80];
	v12 =	vadd.s32 v57, v4  }
0x1a4: {  	v19 =	vadd.s32 v38, v15;
	v18 =	vld [tilespmem:s25+$0xFFFFFF50];
	[tilespmem:v13+s31+$0x0] =	vst.idx.msk $0xffff, v6  }
0x1a5: {  	v13 =	vadd.s32 v42, v21;
	v6 =	vld [tilespmem:s25+$0xFFFFFF90];
	[tilespmem:v17+s31+$0x0] =	vst.idx.msk $0xffff, v16  }
0x1a6: {  	v17 =	vadd.s32 v46, v3;
	v16 =	vld [tilespmem:s25+$0xFFFFFFD0];
	[tilespmem:v14+s31+$0x0] =	vst.idx.msk $0xffff, v7  }
0x1a7: {  	[tilespmem:v10+s31+$0x0] =	vst.idx.msk $0xffff, v8;
	v7 =	vld [tilespmem:s25+$0xE0];
	v8 =	vadd.s32 v63, v9  }
0x1a8: {  	v14 =	vadd.s32 v50, v2;
	v10 =	vld [tilespmem:s25+$0x10];
	[tilespmem:v12+s31+$0x0] =	vst.idx.msk $0xffff, v11  }
0x1a9: {  	v12 =	vadd.s32 v54, v5;
	[tilespmem:v19+s31+$0x0] =	vst.idx.msk $0xffff, v18;
	v11 =	vld [tilespmem:s25+$0x50]  }
0x1aa: {  	[tilespmem:v13+s31+$0x0] =	vst.idx.msk $0xffff, v6;
	v6 =	vld [tilespmem:s25+$0x90];
	v13 =	vadd.s32 v58, v4  }
0x1ab: {  	v19 =	vadd.s32 v34, v1;
	v18 =	vld [tilespmem:s25+$0xFFFFFF10];
	[tilespmem:v17+s31+$0x0] =	vst.idx.msk $0xffff, v16  }
0x1ac: {  	v17 =	vadd.s32 v39, v15;
	v16 =	vld [tilespmem:s25+$0xFFFFFF60];
	[tilespmem:v8+s31+$0x0] =	vst.idx.msk $0xffff, v7  }
0x1ad: {  	[tilespmem:v14+s31+$0x0] =	vst.idx.msk $0xffff, v10;
	v7 =	vld [tilespmem:s25+$0xF0];
	v14 =	vadd.s32 v0, v9  }
0x1ae: {  	v24 =	vadd.s32 v43, v21;
	v23 =	vld [tilespmem:s25+$0xFFFFFFA0];
	[tilespmem:v12+s31+$0x0] =	vst.idx.msk $0xffff, v11  }
0x1af: {  	v26 =	vadd.s32 v47, v3;
	v25 =	vld [tilespmem:s25+$0xFFFFFFE0];
	[tilespmem:v13+s31+$0x0] =	vst.idx.msk $0xffff, v6  }
0x1b0: {  	v28 =	vadd.s32 v51, v2;
	[tilespmem:v19+s31+$0x0] =	vst.idx.msk $0xffff, v18;
	v27 =	vld [tilespmem:s25+$0x20]  }
.Ltmp1:
0x1b1: {  	s28 =	sadd.s32 $0x1, s26;
	v9 =	vadd.s32 v55, v5;
	v6 =	vmov s26;
	[tilespmem:v17+s31+$0x0] =	vst.idx.msk $0xffff, v16;
	v8 =	vld [tilespmem:s25+$0x60];
	(pc) =	sbr.rel @p1 .LBB2_5-.Ltmp1, $4  }
0x1b2: {  	s29 =	sadd.s32 $0x3, s26;
	v20 =	vmov s28;
	s28 =	sadd.s32 $0x2, s26;
	v11 =	vadd.s32 v59, v4;
	v18 =	vshrl.u32 v6, $0x3;
	v10 =	vld [tilespmem:s25+$0xA0];
	[tilespmem:v14+s31+$0x0] =	vst.idx.msk $0xffff, v7  }
0x1b3: {  	v22 =	vmov s28;
	s28 =	sadd.s32 $0x4, s26;
	v12 =	vmov s29;
	s29 =	sadd.s32 $0x5, s26;
	v16 =	vadd.s32 v35, v1;
	v13 =	vld [tilespmem:s25+$0xFFFFFF20];
	[tilespmem:v24+s31+$0x0] =	vst.idx.msk $0xffff, v23  }
0x1b4: {  	v6 =	vmov s29;
	v19 =	vadd.s32 v40, v15;
	v14 =	vmov s28;
	s28 =	sadd.s32 $0x6, s26;
	v17 =	vld [tilespmem:s25+$0xFFFFFF70];
	[tilespmem:v26+s31+$0x0] =	vst.idx.msk $0xffff, v25  }
0x1b5: {  	v21 =	vadd.s32 v44, v21;
	v15 =	vshll.u32 v18, v33;
	v7 =	vmov s28;
	s28 =	sadd.s32 $0x7, s26;
	s26 =	sadd.s32 $0x8, s26;
	v18 =	vld [tilespmem:s25+$0xFFFFFFB0];
	[tilespmem:v28+s31+$0x0] =	vst.idx.msk $0xffff, v27  }
0x1b6: {  	_ =	sdelay $0x2  }
0x1b7: {  	v20 =	vshrl.u32 v20, $0x3;
	v23 =	vmov s28  }
0x1b8: {  	v24 =	vld [tilespmem:s25+$0xFFFFFFF0];
	v3 =	vadd.s32 v48, v3;
	[tilespmem:v9+s31+$0x0] =	vst.idx.msk $0xffff, v8;
	v8 =	vshrl.u32 v22, $0x3;
	v2 =	vadd.s32 v52, v2  }
0x1b9: {  	v22 =	vld [tilespmem:s25+$0x30];
	v5 =	vadd.s32 v56, v5;
	v4 =	vadd.s32 v60, v4;
	v9 =	vshrl.u32 v23, $0x3;
	[tilespmem:v11+s31+$0x0] =	vst.idx.msk $0xffff, v10  }
0x1ba: {  	v10 =	vshrl.u32 v12, $0x3;
	v11 =	vld [tilespmem:s25+$0x70];
	v12 =	vshrl.u32 v14, $0x3;
	v9 =	vshll.u32 v9, v33;
	[tilespmem:v16+s31+$0x0] =	vst.idx.msk $0xffff, v13  }
0x1bb: {  	v14 =	vbroadcast v15, $0x0;
	v15 =	vshll.u32 v20, v33;
	v13 =	vld [tilespmem:s25+$0xB0];
	v9 =	vbroadcast v9, $0x0;
	[tilespmem:v19+s31+$0x0] =	vst.idx.msk $0xffff, v17  }
0x1bc: {  	v1 =	vadd.s32 v36, v1;
	s24 =	sadd.s32 $0x200, s25;
	v15 =	vbroadcast v15, $0x0;
	v16 =	vld [tilespmem:s25+$0xFFFFFF30];
	[tilespmem:v21+s31+$0x0] =	vst.idx.msk $0xffff, v18  }
0x1bd: {  	v6 =	vshrl.u32 v6, $0x3;
	v8 =	vshll.u32 v8, v33;
	v17 =	vld [tilespmem:s24+$0xC0];
	v18 =	vadd.s32 v61, v9;
	[tilespmem:v3+s31+$0x0] =	vst.idx.msk $0xffff, v24  }
0x1be: {  	v8 =	vbroadcast v8, $0x0;
	v10 =	vshll.u32 v10, v33;
	v20 =	vadd.s32 v37, v15;
	[tilespmem:v2+s31+$0x0] =	vst.idx.msk $0xffff, v22;
	v2 =	vld [tilespmem:s24+$0xFFFFFF40]  }
0x1bf: {  	v12 =	vshll.u32 v12, v33;
	v19 =	vadd.s32 v30, v14;
	v10 =	vbroadcast v10, $0x0;
	v3 =	vld [tilespmem:s24+$0xFFFFFF00];
	[tilespmem:v5+s31+$0x0] =	vst.idx.msk $0xffff, v11  }
0x1c0: {  	v6 =	vshll.u32 v6, v33;
	v12 =	vbroadcast v12, $0x0;
	v5 =	vld [tilespmem:s24+$0xFFFFFF80];
	v11 =	vadd.s32 v41, v8;
	[tilespmem:v4+s31+$0x0] =	vst.idx.msk $0xffff, v13  }
0x1c1: {  	v6 =	vbroadcast v6, $0x0;
	v4 =	vld [tilespmem:s24+$0xFFFFFFC0];
	v13 =	vadd.s32 v45, v10;
	[tilespmem:v1+s31+$0x0] =	vst.idx.msk $0xffff, v16  }
0x1c2: {  	v7 =	vshrl.u32 v7, $0x3;
	v1 =	vld [tilespmem:s24+$0x0];
	v16 =	vadd.s32 v49, v12;
	[tilespmem:v18+s31+$0x0] =	vst.idx.msk $0xffff, v17  }
0x1c3: {  	v7 =	vshll.u32 v7, v33;
	[tilespmem:v20+s31+$0x0] =	vst.idx.msk $0xffff, v2;
	v2 =	vld [tilespmem:s24+$0x40];
	v18 =	vadd.s32 v53, v6  }
0x1c4: {  	[tilespmem:v19+s31+$0x0] =	vst.idx.msk $0xffff, v3;
	v3 =	vbroadcast v7, $0x0;
	v17 =	vadd.s32 v62, v9;
	v7 =	vld [tilespmem:s24+$0xD0]  }
0x1c5: {  	v20 =	vadd.s32 v38, v15;
	[tilespmem:v11+s31+$0x0] =	vst.idx.msk $0xffff, v5;
	v19 =	vld [tilespmem:s24+$0xFFFFFF50]  }
0x1c6: {  	v5 =	vld [tilespmem:s24+$0x80];
	v11 =	vadd.s32 v57, v3;
	[tilespmem:v13+s31+$0x0] =	vst.idx.msk $0xffff, v4  }
0x1c7: {  	v4 =	vld [tilespmem:s24+$0xFFFFFF90];
	v13 =	vadd.s32 v42, v8;
	[tilespmem:v16+s31+$0x0] =	vst.idx.msk $0xffff, v1  }
0x1c8: {  	v1 =	vld [tilespmem:s24+$0xFFFFFFD0];
	v16 =	vadd.s32 v46, v10;
	[tilespmem:v18+s31+$0x0] =	vst.idx.msk $0xffff, v2  }
0x1c9: {  	v18 =	vadd.s32 v50, v12;
	[tilespmem:v17+s31+$0x0] =	vst.idx.msk $0xffff, v7;
	v17 =	vld [tilespmem:s24+$0x10]  }
0x1ca: {  	v7 =	vadd.s32 v63, v9;
	[tilespmem:v20+s31+$0x0] =	vst.idx.msk $0xffff, v19;
	v2 =	vld [tilespmem:s24+$0xE0]  }
0x1cb: {  	v19 =	vld [tilespmem:s24+$0xFFFFFF10];
	v20 =	vadd.s32 v34, v14;
	[tilespmem:v11+s31+$0x0] =	vst.idx.msk $0xffff, v5  }
0x1cc: {  	v5 =	vld [tilespmem:s24+$0x50];
	v11 =	vadd.s32 v54, v6;
	[tilespmem:v13+s31+$0x0] =	vst.idx.msk $0xffff, v4  }
0x1cd: {  	v13 =	vadd.s32 v58, v3;
	v4 =	vld [tilespmem:s24+$0x90];
	[tilespmem:v16+s31+$0x0] =	vst.idx.msk $0xffff, v1  }
0x1ce: {  	v1 =	vld [tilespmem:s24+$0xFFFFFF60];
	v16 =	vadd.s32 v39, v15;
	[tilespmem:v18+s31+$0x0] =	vst.idx.msk $0xffff, v17  }
0x1cf: {  	v17 =	vadd.s32 v43, v8;
	[tilespmem:v7+s31+$0x0] =	vst.idx.msk $0xffff, v2;
	v7 =	vadd.s32 v0, v9;
	v9 =	vld [tilespmem:s24+$0xFFFFFFA0]  }
0x1d0: {  	[tilespmem:v20+s31+$0x0] =	vst.idx.msk $0xffff, v19;
	v2 =	vld [tilespmem:s24+$0xF0]  }
0x1d1: {  	[tilespmem:v11+s31+$0x0] =	vst.idx.msk $0xffff, v5;
	v5 =	vld [tilespmem:s24+$0xFFFFFFE0];
	v11 =	vadd.s32 v47, v10  }
0x1d2: {  	[tilespmem:v13+s31+$0x0] =	vst.idx.msk $0xffff, v4;
	v4 =	vld [tilespmem:s24+$0x20];
	v13 =	vadd.s32 v51, v12  }
0x1d3: {  	[tilespmem:v16+s31+$0x0] =	vst.idx.msk $0xffff, v1;
	v1 =	vld [tilespmem:s24+$0x60];
	v16 =	vadd.s32 v55, v6  }
0x1d4: {  	v19 =	vadd.s32 v59, v3;
	v18 =	vld [tilespmem:s24+$0xA0];
	[tilespmem:v17+s31+$0x0] =	vst.idx.msk $0xffff, v9  }
0x1d5: {  	[tilespmem:v7+s31+$0x0] =	vst.idx.msk $0xffff, v2;
	v2 =	vld [tilespmem:s24+$0xFFFFFF20];
	v7 =	vadd.s32 v35, v14  }
0x1d6: {  	v15 =	vadd.s32 v40, v15;
	v9 =	vld [tilespmem:s24+$0xFFFFFF70];
	[tilespmem:v11+s31+$0x0] =	vst.idx.msk $0xffff, v5  }
0x1d7: {  	v8 =	vadd.s32 v44, v8;
	v5 =	vld [tilespmem:s24+$0xFFFFFFB0];
	[tilespmem:v13+s31+$0x0] =	vst.idx.msk $0xffff, v4  }
0x1d8: {  	v10 =	vadd.s32 v48, v10;
	v4 =	vld [tilespmem:s24+$0xFFFFFFF0];
	[tilespmem:v16+s31+$0x0] =	vst.idx.msk $0xffff, v1  }
0x1d9: {  	v11 =	vadd.s32 v52, v12;
	v1 =	vld [tilespmem:s24+$0x30];
	[tilespmem:v19+s31+$0x0] =	vst.idx.msk $0xffff, v18  }
0x1da: {  	v6 =	vadd.s32 v56, v6;
	[tilespmem:v7+s31+$0x0] =	vst.idx.msk $0xffff, v2;
	v2 =	vld [tilespmem:s24+$0x70]  }
0x1db: {  	v3 =	vadd.s32 v60, v3;
	[tilespmem:v15+s31+$0x0] =	vst.idx.msk $0xffff, v9;
	v7 =	vld [tilespmem:s24+$0xB0]  }
0x1dc: {  	v12 =	vadd.s32 v36, v14;
	[tilespmem:v8+s31+$0x0] =	vst.idx.msk $0xffff, v5;
	v9 =	vld [tilespmem:s24+$0xFFFFFF30]  }
0x1dd: {  	p1 =	seq.s32 s1, $0x63;
	[tilespmem:v10+s31+$0x0] =	vst.idx.msk $0xffff, v4  }
0x1de: {  	s25 =	sshll.u32 @!p1 s0, $0x7;
	[tilespmem:v11+s31+$0x0] =	vst.idx.msk $0xffff, v1  }
0x1df: {  	s0 =	sadd.s32 @!p1 $0x100, s25;
	[tilespmem:v6+s31+$0x0] =	vst.idx.msk $0xffff, v2  }
0x1e0: {  	s0 =	sand.u32 @!p1 $0xFF00, s0;
	[tilespmem:v3+s31+$0x0] =	vst.idx.msk $0xffff, v7  }
0x1e1: {  	s26 =	simm.s32 @!p1 $0x80;
	s28 =	simm.s32 @!p1 $0xD400;
	s0 =	sadd.s32 @!p1 $0x7000, s0;
	[tilespmem:v12+s31+$0x0] =	vst.idx.msk $0xffff, v9  }
0x1e2: {  	[tilespmem:s28], [sflag:$0x1] =	stream.indirect.gather @!p1 [hbm4b:s5+s26], $0x40, s0, s26, $0xb8;
	[tilespmem:$0x15800] =	vst v63  }
0x1e3: {  	s24 =	sshll.u32 s1, $0x10;
	s26 =	sshll.u32 s1, $0x8  }
0x1e4: {  	s0 =	sand.u32 $0x100, s26;
	s26 =	sand.u32 $0x7E0000, s24  }
0x1e5: {  	s0 =	sor.u32 s0, s26  }
0x1e6: {  	s24 =	rddreg [dreg:$0x1];
	s0 =	sor.u32 s4, s0  }
0x1e7: {  	s26 =	sadd.s32 s24, s0  }
0x1e8: {  	[hbm4b:s26+s3] =	stream.linear.scatter [tilespmem:s31], [sflag:$0x3], $0x80, $0x38;
	[tilespmem:$0x15800] =	vst v63  }
0x1e9: {  	s24 =	simm.s32 $0x11488;
	s28 =	sadd.s32 $0x10, s26  }
0x1ea: {  	[hbm4b:s28+s3] =	stream.linear.scatter [tilespmem:s24], [sflag:$0x3], $0x80, $0x38;
	[tilespmem:$0x15800] =	vst v63  }
0x1eb: {  	s28 =	sadd.s32 $0x20, s26;
	s24 =	simm.s32 $0x11510  }
0x1ec: {  	[hbm4b:s28+s3] =	stream.linear.scatter [tilespmem:s24], [sflag:$0x3], $0x80, $0x38;
	[tilespmem:$0x15800] =	vst v63  }
0x1ed: {  	s28 =	sadd.s32 $0x30, s26;
	s24 =	simm.s32 $0x11598  }
0x1ee: {  	[hbm4b:s28+s3] =	stream.linear.scatter [tilespmem:s24], [sflag:$0x3], $0x80, $0x38;
	[tilespmem:$0x15800] =	vst v63  }
0x1ef: {  	s28 =	sadd.s32 $0x40, s26;
	s24 =	simm.s32 $0x11620  }
0x1f0: {  	[hbm4b:s28+s3] =	stream.linear.scatter [tilespmem:s24], [sflag:$0x3], $0x80, $0x38;
	[tilespmem:$0x15800] =	vst v63  }
0x1f1: {  	s28 =	sadd.s32 $0x50, s26;
	s24 =	simm.s32 $0x116A8  }
0x1f2: {  	[hbm4b:s28+s3] =	stream.linear.scatter [tilespmem:s24], [sflag:$0x3], $0x80, $0x38;
	[tilespmem:$0x15800] =	vst v63  }
0x1f3: {  	s28 =	sadd.s32 $0x60, s26;
	s24 =	simm.s32 $0x11730  }
0x1f4: {  	[hbm4b:s28+s3] =	stream.linear.scatter [tilespmem:s24], [sflag:$0x3], $0x80, $0x38;
	[tilespmem:$0x15800] =	vst v63  }
0x1f5: {  	s26 =	sadd.s32 $0x70, s26;
	s24 =	simm.s32 $0x117B8  }
0x1f6: {  	[hbm4b:s26+s3] =	stream.linear.scatter [tilespmem:s24], [sflag:$0x3], $0x80, $0x38;
	[tilespmem:$0x15800] =	vst v63  }
0x1f7: {  	s26 =	sadd.s32 s0, s7;
	s24 =	simm.s32 $0x11840  }
0x1f8: {  	[hbm4b:s26+s3] =	stream.linear.scatter [tilespmem:s24], [sflag:$0x3], $0x80, $0x38;
	[tilespmem:$0x15800] =	vst v63  }
0x1f9: {  	s28 =	sadd.s32 $0x10, s26;
	s24 =	simm.s32 $0x118C8  }
0x1fa: {  	[hbm4b:s28+s3] =	stream.linear.scatter [tilespmem:s24], [sflag:$0x3], $0x80, $0x38;
	[tilespmem:$0x15800] =	vst v63  }
0x1fb: {  	s28 =	sadd.s32 $0x20, s26;
	s24 =	simm.s32 $0x11950  }
0x1fc: {  	[hbm4b:s28+s3] =	stream.linear.scatter [tilespmem:s24], [sflag:$0x3], $0x80, $0x38;
	[tilespmem:$0x15800] =	vst v63  }
0x1fd: {  	s28 =	sadd.s32 $0x30, s26;
	s24 =	simm.s32 $0x119D8  }
0x1fe: {  	[hbm4b:s28+s3] =	stream.linear.scatter [tilespmem:s24], [sflag:$0x3], $0x80, $0x38;
	[tilespmem:$0x15800] =	vst v63  }
0x1ff: {  	s28 =	sadd.s32 $0x40, s26;
	s24 =	simm.s32 $0x11A60  }
0x200: {  	[hbm4b:s28+s3] =	stream.linear.scatter [tilespmem:s24], [sflag:$0x3], $0x80, $0x38;
	[tilespmem:$0x15800] =	vst v63  }
0x201: {  	s28 =	sadd.s32 $0x50, s26;
	s24 =	simm.s32 $0x11AE8  }
0x202: {  	[hbm4b:s28+s3] =	stream.linear.scatter [tilespmem:s24], [sflag:$0x3], $0x80, $0x38;
	[tilespmem:$0x15800] =	vst v63  }
0x203: {  	s28 =	sadd.s32 $0x60, s26;
	s24 =	simm.s32 $0x11B70  }
0x204: {  	[hbm4b:s28+s3] =	stream.linear.scatter [tilespmem:s24], [sflag:$0x3], $0x80, $0x38;
	[tilespmem:$0x15800] =	vst v63  }
0x205: {  	s26 =	sadd.s32 $0x70, s26;
	s24 =	simm.s32 $0x11BF8  }
0x206: {  	[hbm4b:s26+s3] =	stream.linear.scatter [tilespmem:s24], [sflag:$0x3], $0x80, $0x38;
	[tilespmem:$0x15800] =	vst v63  }
0x207: {  	s26 =	sadd.s32 s0, s8;
	s24 =	simm.s32 $0x11C80  }
0x208: {  	[hbm4b:s26+s3] =	stream.linear.scatter [tilespmem:s24], [sflag:$0x3], $0x80, $0x38;
	[tilespmem:$0x15800] =	vst v63  }
0x209: {  	s28 =	sadd.s32 $0x10, s26;
	s24 =	simm.s32 $0x11D08  }
0x20a: {  	[hbm4b:s28+s3] =	stream.linear.scatter [tilespmem:s24], [sflag:$0x3], $0x80, $0x38;
	[tilespmem:$0x15800] =	vst v63  }
0x20b: {  	s28 =	sadd.s32 $0x20, s26;
	s24 =	simm.s32 $0x11D90  }
0x20c: {  	[hbm4b:s28+s3] =	stream.linear.scatter [tilespmem:s24], [sflag:$0x3], $0x80, $0x38;
	[tilespmem:$0x15800] =	vst v63  }
0x20d: {  	s28 =	sadd.s32 $0x30, s26;
	s24 =	simm.s32 $0x11E18  }
0x20e: {  	[hbm4b:s28+s3] =	stream.linear.scatter [tilespmem:s24], [sflag:$0x3], $0x80, $0x38;
	[tilespmem:$0x15800] =	vst v63  }
0x20f: {  	s28 =	sadd.s32 $0x40, s26;
	s24 =	simm.s32 $0x11EA0  }
0x210: {  	[hbm4b:s28+s3] =	stream.linear.scatter [tilespmem:s24], [sflag:$0x3], $0x80, $0x38;
	[tilespmem:$0x15800] =	vst v63  }
0x211: {  	s28 =	sadd.s32 $0x50, s26;
	s24 =	simm.s32 $0x11F28  }
0x212: {  	[hbm4b:s28+s3] =	stream.linear.scatter [tilespmem:s24], [sflag:$0x3], $0x80, $0x38;
	[tilespmem:$0x15800] =	vst v63  }
0x213: {  	s28 =	sadd.s32 $0x60, s26;
	s24 =	simm.s32 $0x11FB0  }
0x214: {  	[hbm4b:s28+s3] =	stream.linear.scatter [tilespmem:s24], [sflag:$0x3], $0x80, $0x38;
	[tilespmem:$0x15800] =	vst v63  }
0x215: {  	s26 =	sadd.s32 $0x70, s26;
	s24 =	simm.s32 $0x12038  }
0x216: {  	[hbm4b:s26+s3] =	stream.linear.scatter [tilespmem:s24], [sflag:$0x3], $0x80, $0x38;
	[tilespmem:$0x15800] =	vst v63  }
0x217: {  	s26 =	sadd.s32 s0, s9;
	s24 =	simm.s32 $0x120C0  }
0x218: {  	[hbm4b:s26+s3] =	stream.linear.scatter [tilespmem:s24], [sflag:$0x3], $0x80, $0x38;
	[tilespmem:$0x15800] =	vst v63  }
0x219: {  	s28 =	sadd.s32 $0x10, s26;
	s24 =	simm.s32 $0x12148  }
0x21a: {  	[hbm4b:s28+s3] =	stream.linear.scatter [tilespmem:s24], [sflag:$0x3], $0x80, $0x38;
	[tilespmem:$0x15800] =	vst v63  }
0x21b: {  	s28 =	sadd.s32 $0x20, s26;
	s24 =	simm.s32 $0x121D0  }
0x21c: {  	[hbm4b:s28+s3] =	stream.linear.scatter [tilespmem:s24], [sflag:$0x3], $0x80, $0x38;
	[tilespmem:$0x15800] =	vst v63  }
0x21d: {  	s28 =	sadd.s32 $0x30, s26;
	s24 =	simm.s32 $0x12258  }
0x21e: {  	[hbm4b:s28+s3] =	stream.linear.scatter [tilespmem:s24], [sflag:$0x3], $0x80, $0x38;
	[tilespmem:$0x15800] =	vst v63  }
0x21f: {  	s28 =	sadd.s32 $0x40, s26;
	s24 =	simm.s32 $0x122E0  }
0x220: {  	[hbm4b:s28+s3] =	stream.linear.scatter [tilespmem:s24], [sflag:$0x3], $0x80, $0x38;
	[tilespmem:$0x15800] =	vst v63  }
0x221: {  	s28 =	sadd.s32 $0x50, s26;
	s24 =	simm.s32 $0x12368  }
0x222: {  	[hbm4b:s28+s3] =	stream.linear.scatter [tilespmem:s24], [sflag:$0x3], $0x80, $0x38;
	[tilespmem:$0x15800] =	vst v63  }
0x223: {  	s28 =	sadd.s32 $0x60, s26;
	s24 =	simm.s32 $0x123F0  }
0x224: {  	[hbm4b:s28+s3] =	stream.linear.scatter [tilespmem:s24], [sflag:$0x3], $0x80, $0x38;
	[tilespmem:$0x15800] =	vst v63  }
0x225: {  	s26 =	sadd.s32 $0x70, s26;
	s24 =	simm.s32 $0x12478  }
0x226: {  	[hbm4b:s26+s3] =	stream.linear.scatter [tilespmem:s24], [sflag:$0x3], $0x80, $0x38;
	[tilespmem:$0x15800] =	vst v63  }
0x227: {  	s26 =	sadd.s32 s0, s10;
	s24 =	simm.s32 $0x12500  }
0x228: {  	[hbm4b:s26+s3] =	stream.linear.scatter [tilespmem:s24], [sflag:$0x3], $0x80, $0x38;
	[tilespmem:$0x15800] =	vst v63  }
0x229: {  	s28 =	sadd.s32 $0x10, s26;
	s24 =	simm.s32 $0x12588  }
0x22a: {  	[hbm4b:s28+s3] =	stream.linear.scatter [tilespmem:s24], [sflag:$0x3], $0x80, $0x38;
	[tilespmem:$0x15800] =	vst v63  }
0x22b: {  	s28 =	sadd.s32 $0x20, s26;
	s24 =	simm.s32 $0x12610  }
0x22c: {  	[hbm4b:s28+s3] =	stream.linear.scatter [tilespmem:s24], [sflag:$0x3], $0x80, $0x38;
	[tilespmem:$0x15800] =	vst v63  }
0x22d: {  	s28 =	sadd.s32 $0x30, s26;
	s24 =	simm.s32 $0x12698  }
0x22e: {  	[hbm4b:s28+s3] =	stream.linear.scatter [tilespmem:s24], [sflag:$0x3], $0x80, $0x38;
	[tilespmem:$0x15800] =	vst v63  }
0x22f: {  	s28 =	sadd.s32 $0x40, s26;
	s24 =	simm.s32 $0x12720  }
0x230: {  	[hbm4b:s28+s3] =	stream.linear.scatter [tilespmem:s24], [sflag:$0x3], $0x80, $0x38;
	[tilespmem:$0x15800] =	vst v63  }
0x231: {  	s28 =	sadd.s32 $0x50, s26;
	s24 =	simm.s32 $0x127A8  }
0x232: {  	[hbm4b:s28+s3] =	stream.linear.scatter [tilespmem:s24], [sflag:$0x3], $0x80, $0x38;
	[tilespmem:$0x15800] =	vst v63  }
0x233: {  	s28 =	sadd.s32 $0x60, s26;
	s24 =	simm.s32 $0x12830  }
0x234: {  	[hbm4b:s28+s3] =	stream.linear.scatter [tilespmem:s24], [sflag:$0x3], $0x80, $0x38;
	[tilespmem:$0x15800] =	vst v63  }
0x235: {  	s26 =	sadd.s32 $0x70, s26;
	s24 =	simm.s32 $0x128B8  }
0x236: {  	[hbm4b:s26+s3] =	stream.linear.scatter [tilespmem:s24], [sflag:$0x3], $0x80, $0x38;
	[tilespmem:$0x15800] =	vst v63  }
0x237: {  	s26 =	sadd.s32 s0, s11;
	s24 =	simm.s32 $0x12940  }
0x238: {  	[hbm4b:s26+s3] =	stream.linear.scatter [tilespmem:s24], [sflag:$0x3], $0x80, $0x38;
	[tilespmem:$0x15800] =	vst v63  }
0x239: {  	s28 =	sadd.s32 $0x10, s26;
	s24 =	simm.s32 $0x129C8  }
0x23a: {  	[hbm4b:s28+s3] =	stream.linear.scatter [tilespmem:s24], [sflag:$0x3], $0x80, $0x38;
	[tilespmem:$0x15800] =	vst v63  }
0x23b: {  	s28 =	sadd.s32 $0x20, s26;
	s24 =	simm.s32 $0x12A50  }
0x23c: {  	[hbm4b:s28+s3] =	stream.linear.scatter [tilespmem:s24], [sflag:$0x3], $0x80, $0x38;
	[tilespmem:$0x15800] =	vst v63  }
0x23d: {  	s28 =	sadd.s32 $0x30, s26;
	s24 =	simm.s32 $0x12AD8  }
0x23e: {  	[hbm4b:s28+s3] =	stream.linear.scatter [tilespmem:s24], [sflag:$0x3], $0x80, $0x38;
	[tilespmem:$0x15800] =	vst v63  }
0x23f: {  	s28 =	sadd.s32 $0x40, s26;
	s24 =	simm.s32 $0x12B60  }
0x240: {  	[hbm4b:s28+s3] =	stream.linear.scatter [tilespmem:s24], [sflag:$0x3], $0x80, $0x38;
	[tilespmem:$0x15800] =	vst v63  }
0x241: {  	s28 =	sadd.s32 $0x50, s26;
	s24 =	simm.s32 $0x12BE8  }
0x242: {  	[hbm4b:s28+s3] =	stream.linear.scatter [tilespmem:s24], [sflag:$0x3], $0x80, $0x38;
	[tilespmem:$0x15800] =	vst v63  }
0x243: {  	s28 =	sadd.s32 $0x60, s26;
	s24 =	simm.s32 $0x12C70  }
0x244: {  	[hbm4b:s28+s3] =	stream.linear.scatter [tilespmem:s24], [sflag:$0x3], $0x80, $0x38;
	[tilespmem:$0x15800] =	vst v63  }
0x245: {  	s26 =	sadd.s32 $0x70, s26;
	s24 =	simm.s32 $0x12CF8  }
0x246: {  	[hbm4b:s26+s3] =	stream.linear.scatter [tilespmem:s24], [sflag:$0x3], $0x80, $0x38;
	[tilespmem:$0x15800] =	vst v63  }
0x247: {  	s26 =	sadd.s32 s0, s12;
	s24 =	simm.s32 $0x12D80  }
0x248: {  	[hbm4b:s26+s3] =	stream.linear.scatter [tilespmem:s24], [sflag:$0x3], $0x80, $0x38;
	[tilespmem:$0x15800] =	vst v63  }
0x249: {  	s28 =	sadd.s32 $0x10, s26;
	s24 =	simm.s32 $0x12E08  }
0x24a: {  	[hbm4b:s28+s3] =	stream.linear.scatter [tilespmem:s24], [sflag:$0x3], $0x80, $0x38;
	[tilespmem:$0x15800] =	vst v63  }
0x24b: {  	s28 =	sadd.s32 $0x20, s26;
	s24 =	simm.s32 $0x12E90  }
0x24c: {  	[hbm4b:s28+s3] =	stream.linear.scatter [tilespmem:s24], [sflag:$0x3], $0x80, $0x38;
	[tilespmem:$0x15800] =	vst v63  }
0x24d: {  	s28 =	sadd.s32 $0x30, s26;
	s24 =	simm.s32 $0x12F18  }
0x24e: {  	[hbm4b:s28+s3] =	stream.linear.scatter [tilespmem:s24], [sflag:$0x3], $0x80, $0x38;
	[tilespmem:$0x15800] =	vst v63  }
0x24f: {  	s28 =	sadd.s32 $0x40, s26;
	s24 =	simm.s32 $0x12FA0  }
0x250: {  	[hbm4b:s28+s3] =	stream.linear.scatter [tilespmem:s24], [sflag:$0x3], $0x80, $0x38;
	[tilespmem:$0x15800] =	vst v63  }
0x251: {  	s28 =	sadd.s32 $0x50, s26;
	s24 =	simm.s32 $0x13028  }
0x252: {  	[hbm4b:s28+s3] =	stream.linear.scatter [tilespmem:s24], [sflag:$0x3], $0x80, $0x38;
	[tilespmem:$0x15800] =	vst v63  }
0x253: {  	s28 =	sadd.s32 $0x60, s26;
	s24 =	simm.s32 $0x130B0  }
0x254: {  	[hbm4b:s28+s3] =	stream.linear.scatter [tilespmem:s24], [sflag:$0x3], $0x80, $0x38;
	[tilespmem:$0x15800] =	vst v63  }
0x255: {  	s26 =	sadd.s32 $0x70, s26;
	s24 =	simm.s32 $0x13138  }
0x256: {  	[hbm4b:s26+s3] =	stream.linear.scatter [tilespmem:s24], [sflag:$0x3], $0x80, $0x38;
	[tilespmem:$0x15800] =	vst v63  }
0x257: {  	s26 =	sadd.s32 s0, s13;
	s24 =	simm.s32 $0x131C0  }
0x258: {  	[hbm4b:s26+s3] =	stream.linear.scatter [tilespmem:s24], [sflag:$0x3], $0x80, $0x38;
	[tilespmem:$0x15800] =	vst v63  }
0x259: {  	s28 =	sadd.s32 $0x10, s26;
	s24 =	simm.s32 $0x13248  }
0x25a: {  	[hbm4b:s28+s3] =	stream.linear.scatter [tilespmem:s24], [sflag:$0x3], $0x80, $0x38;
	[tilespmem:$0x15800] =	vst v63  }
0x25b: {  	s28 =	sadd.s32 $0x20, s26;
	s24 =	simm.s32 $0x132D0  }
0x25c: {  	[hbm4b:s28+s3] =	stream.linear.scatter [tilespmem:s24], [sflag:$0x3], $0x80, $0x38;
	[tilespmem:$0x15800] =	vst v63  }
0x25d: {  	s28 =	sadd.s32 $0x30, s26;
	s24 =	simm.s32 $0x13358  }
0x25e: {  	[hbm4b:s28+s3] =	stream.linear.scatter [tilespmem:s24], [sflag:$0x3], $0x80, $0x38;
	[tilespmem:$0x15800] =	vst v63  }
0x25f: {  	s28 =	sadd.s32 $0x40, s26;
	s24 =	simm.s32 $0x133E0  }
0x260: {  	[hbm4b:s28+s3] =	stream.linear.scatter [tilespmem:s24], [sflag:$0x3], $0x80, $0x38;
	[tilespmem:$0x15800] =	vst v63  }
0x261: {  	s28 =	sadd.s32 $0x50, s26;
	s24 =	simm.s32 $0x13468  }
0x262: {  	[hbm4b:s28+s3] =	stream.linear.scatter [tilespmem:s24], [sflag:$0x3], $0x80, $0x38;
	[tilespmem:$0x15800] =	vst v63  }
0x263: {  	s28 =	sadd.s32 $0x60, s26;
	s24 =	simm.s32 $0x134F0  }
0x264: {  	[hbm4b:s28+s3] =	stream.linear.scatter [tilespmem:s24], [sflag:$0x3], $0x80, $0x38;
	[tilespmem:$0x15800] =	vst v63  }
0x265: {  	s26 =	sadd.s32 $0x70, s26;
	s24 =	simm.s32 $0x13578  }
0x266: {  	[hbm4b:s26+s3] =	stream.linear.scatter [tilespmem:s24], [sflag:$0x3], $0x80, $0x38;
	[tilespmem:$0x15800] =	vst v63  }
0x267: {  	_ =	swait.ge [sflag:s22], $0x2000  }
0x268: {  	[sflag:s22] =	ssyncset.done $0x0  }
0x269: {  	s26 =	simm.s32 @!p0 $0x4;
	[sflag:s22] =	ssyncadd.s32 $0xFFFFE000  }
0x26a: {  	_ =	swait.ge @!p0 [sflag:s26], $0x400  }
0x26b: {  	[sflag:s26] =	ssyncset.done @!p0 $0x0  }
0x26c: {  	[sflag:s26] =	ssyncadd.s32 @!p0 $0xFFFFFC00  }
0x26d: {  	_ =	swait.ge @!p0 [sflag:s26], $0x400  }
0x26e: {  	[sflag:s26] =	ssyncset.done @!p0 $0x0  }
0x26f: {  	[sflag:s26] =	ssyncadd.s32 @!p0 $0xFFFFFC00  }
0x270: {  	_ =	swait.ge @!p0 [sflag:s26], $0x400  }
0x271: {  	[sflag:s26] =	ssyncset.done @!p0 $0x0  }
0x272: {  	[sflag:s26] =	ssyncadd.s32 @!p0 $0xFFFFFC00  }
0x273: {  	_ =	swait.ge @!p0 [sflag:s26], $0x400  }
0x274: {  	[sflag:s26] =	ssyncset.done @!p0 $0x0  }
0x275: {  	[sflag:s26] =	ssyncadd.s32 @!p0 $0xFFFFFC00  }
0x276: {  	_ =	swait.ge @!p0 [sflag:s26], $0x400  }
0x277: {  	[sflag:s26] =	ssyncset.done @!p0 $0x0  }
0x278: {  	[sflag:s26] =	ssyncadd.s32 @!p0 $0xFFFFFC00  }
0x279: {  	_ =	swait.ge @!p0 [sflag:s26], $0x400  }
0x27a: {  	s29 =	simm.s32 $0x2;
	s28 =	simm.s32 $0x0;
	[sflag:s26] =	ssyncset.done @!p0 $0x0  }
0x27b: {  	v3 =	vmov s29;
	v1 =	vmov s28;
	s28 =	simm.s32 $0x1;
	[sflag:s26] =	ssyncadd.s32 @!p0 $0xFFFFFC00  }
0x27c: {  	v3 =	vshrl.u32 v3, $0x3;
	s24 =	simm.s32 $0x3;
	v2 =	vmov s28;
	s28 =	simm.s32 $0x7;
	v1 =	vshrl.u32 v1, $0x3;
	_ =	swait.ge @!p0 [sflag:s26], $0x400  }
0x27d: {  	v4 =	vmov s24;
	s24 =	simm.s32 $0x4;
	v6 =	vmov s28;
	v1 =	vshll.u32 v1, v33;
	[sflag:s26] =	ssyncset.done @!p0 $0x0  }
0x27e: {  	v2 =	vshrl.u32 v2, $0x3;
	v5 =	vmov s24;
	v6 =	vshrl.u32 v6, $0x3;
	[sflag:s26] =	ssyncadd.s32 @!p0 $0xFFFFFC00  }
0x27f: {  	s24 =	simm.s32 $0x5;
	v4 =	vshrl.u32 v4, $0x3;
	v1 =	vbroadcast v1, $0x0;
	v6 =	vshll.u32 v6, v33;
	_ =	swait.ge @!p0 [sflag:s26], $0x400  }
0x280: {  	v2 =	vshll.u32 v2, v33;
	v7 =	vmov s24;
	v6 =	vbroadcast v6, $0x0;
	[sflag:s26] =	ssyncset.done @!p0 $0x0  }
0x281: {  	s24 =	simm.s32 $0x6;
	v5 =	vshrl.u32 v5, $0x3;
	v13 =	vbroadcast v2, $0x0;
	v2 =	vshll.u32 v3, v33;
	[sflag:s26] =	ssyncadd.s32 @!p0 $0xFFFFFC00;
	s26 =	simm.s32 $0xF500  }
0x282: {  	v8 =	vmov s24;
	v12 =	vadd.s32 v30, v1;
	v10 =	vadd.s32 v61, v6;
	v9 =	vld [tilespmem:s26+$0xC0]  }
0x283: {  	v20 =	vbroadcast v2, $0x0;
	v2 =	vshll.u32 v4, v33;
	v4 =	vshrl.u32 v7, $0x3;
	v11 =	vld [tilespmem:s26+$0xFFFFFF00]  }
0x284: {  	v15 =	vadd.s32 v37, v13;
	v3 =	vbroadcast v2, $0x0;
	v2 =	vshll.u32 v5, v33;
	v14 =	vld [tilespmem:s26+$0xFFFFFF40]  }
0x285: {  	v4 =	vshll.u32 v4, v33;
	v17 =	vadd.s32 v41, v20;
	v2 =	vbroadcast v2, $0x0;
	v16 =	vld [tilespmem:s26+$0xFFFFFF80]  }
0x286: {  	v8 =	vshrl.u32 v8, $0x3;
	v5 =	vbroadcast v4, $0x0;
	v18 =	vadd.s32 v45, v3;
	v7 =	vld [tilespmem:s26+$0xFFFFFFC0]  }
0x287: {  	v4 =	vshll.u32 v8, v33;
	v21 =	vadd.s32 v49, v2;
	v19 =	vld [tilespmem:s26+$0x0];
	[tilespmem:v10+s23+$0x0] =	vst.idx.msk $0xffff, v9  }
0x288: {  	v4 =	vbroadcast v4, $0x0;
	[tilespmem:v12+s23+$0x0] =	vst.idx.msk $0xffff, v11;
	v10 =	vld [tilespmem:s26+$0x40];
	v11 =	vadd.s32 v53, v5  }
0x289: {  	v9 =	vadd.s32 v62, v6;
	[tilespmem:v15+s23+$0x0] =	vst.idx.msk $0xffff, v14;
	v8 =	vld [tilespmem:s26+$0xD0]  }
0x28a: {  	[tilespmem:v17+s23+$0x0] =	vst.idx.msk $0xffff, v16;
	v12 =	vld [tilespmem:s26+$0x80];
	v14 =	vadd.s32 v57, v4  }
0x28b: {  	v16 =	vadd.s32 v38, v13;
	[tilespmem:v18+s23+$0x0] =	vst.idx.msk $0xffff, v7;
	v15 =	vld [tilespmem:s26+$0xFFFFFF50]  }
0x28c: {  	v17 =	vadd.s32 v42, v20;
	[tilespmem:v21+s23+$0x0] =	vst.idx.msk $0xffff, v19;
	v7 =	vld [tilespmem:s26+$0xFFFFFF90]  }
0x28d: {  	v19 =	vadd.s32 v46, v3;
	v18 =	vld [tilespmem:s26+$0xFFFFFFD0];
	[tilespmem:v11+s23+$0x0] =	vst.idx.msk $0xffff, v10  }
0x28e: {  	v10 =	vld [tilespmem:s26+$0x10];
	v11 =	vadd.s32 v50, v2;
	[tilespmem:v9+s23+$0x0] =	vst.idx.msk $0xffff, v8  }
0x28f: {  	[tilespmem:v14+s23+$0x0] =	vst.idx.msk $0xffff, v12;
	v9 =	vadd.s32 v63, v6;
	v8 =	vld [tilespmem:s26+$0xE0]  }
0x290: {  	v14 =	vadd.s32 v54, v5;
	[tilespmem:v16+s23+$0x0] =	vst.idx.msk $0xffff, v15;
	v12 =	vld [tilespmem:s26+$0x50]  }
0x291: {  	[tilespmem:v17+s23+$0x0] =	vst.idx.msk $0xffff, v7;
	v7 =	vld [tilespmem:s26+$0x90];
	v15 =	vadd.s32 v58, v4  }
0x292: {  	v16 =	vld [tilespmem:s26+$0xFFFFFF10];
	v17 =	vadd.s32 v34, v1;
	[tilespmem:v19+s23+$0x0] =	vst.idx.msk $0xffff, v18  }
0x293: {  	v19 =	vadd.s32 v39, v13;
	v18 =	vld [tilespmem:s26+$0xFFFFFF60];
	[tilespmem:v11+s23+$0x0] =	vst.idx.msk $0xffff, v10  }
0x294: {  	v24 =	vadd.s32 v43, v20;
	v23 =	vld [tilespmem:s26+$0xFFFFFFA0];
	[tilespmem:v9+s23+$0x0] =	vst.idx.msk $0xffff, v8  }
0x295: {  	v6 =	vadd.s32 v0, v6;
	[tilespmem:v14+s23+$0x0] =	vst.idx.msk $0xffff, v12;
	v22 =	vld [tilespmem:s26+$0xF0]  }
0x296: {  	v26 =	vadd.s32 v47, v3;
	v25 =	vld [tilespmem:s26+$0xFFFFFFE0];
	[tilespmem:v15+s23+$0x0] =	vst.idx.msk $0xffff, v7  }
0x297: {  	s24 =	simm.s32 $0x8;
	v28 =	vadd.s32 v51, v2;
	[tilespmem:v17+s23+$0x0] =	vst.idx.msk $0xffff, v16;
	v27 =	vld [tilespmem:s26+$0x20]  }
0x298: {  	v7 =	vmov s24;
	s24 =	simm.s32 $0x9;
	[tilespmem:v19+s23+$0x0] =	vst.idx.msk $0xffff, v18;
	v8 =	vld [tilespmem:s26+$0x60];
	v9 =	vadd.s32 v55, v5  }
0x299: {  	s28 =	simm.s32 $0xB;
	v20 =	vadd.s32 v44, v20;
	v11 =	vadd.s32 v59, v4;
	v21 =	vmov s24;
	s24 =	simm.s32 $0xA;
	v10 =	vld [tilespmem:s26+$0xA0];
	[tilespmem:v24+s23+$0x0] =	vst.idx.msk $0xffff, v23  }
0x29a: {  	v12 =	vmov s28;
	v16 =	vadd.s32 v35, v1;
	v14 =	vld [tilespmem:s26+$0xFFFFFF20];
	[tilespmem:v6+s23+$0x0] =	vst.idx.msk $0xffff, v22;
	v22 =	vmov s24;
	s24 =	simm.s32 $0xC  }
0x29b: {  	s28 =	simm.s32 $0xD;
	v7 =	vshrl.u32 v7, $0x3;
	v19 =	vadd.s32 v40, v13;
	[tilespmem:v26+s23+$0x0] =	vst.idx.msk $0xffff, v25;
	v17 =	vld [tilespmem:s26+$0xFFFFFF70];
	v15 =	vmov s24;
	s24 =	simm.s32 $0xE  }
0x29c: {  	s29 =	simm.s32 $0xF;
	v13 =	vshll.u32 v7, v33;
	v18 =	vld [tilespmem:s26+$0xFFFFFFB0];
	[tilespmem:v28+s23+$0x0] =	vst.idx.msk $0xffff, v27;
	v6 =	vmov s28;
	s28 =	simm.s32 $0x10;
	v7 =	vmov s24  }
.LBB2_7:
0x29d: {  	p0 =	slt.u32 s28, $0x78;
	v21 =	vshrl.u32 v21, $0x3;
	v23 =	vmov s29;
	v24 =	vld [tilespmem:s26+$0xFFFFFFF0];
	v3 =	vadd.s32 v48, v3;
	[tilespmem:v9+s23+$0x0] =	vst.idx.msk $0xffff, v8  }
0x29e: {  	v8 =	vshrl.u32 v22, $0x3;
	v2 =	vadd.s32 v52, v2;
	v9 =	vshrl.u32 v23, $0x3;
	v22 =	vld [tilespmem:s26+$0x30];
	[tilespmem:v11+s23+$0x0] =	vst.idx.msk $0xffff, v10  }
0x29f: {  	v5 =	vadd.s32 v56, v5;
	v10 =	vshrl.u32 v12, $0x3;
	v9 =	vshll.u32 v9, v33;
	[tilespmem:v16+s23+$0x0] =	vst.idx.msk $0xffff, v14;
	v11 =	vld [tilespmem:s26+$0x70]  }
0x2a0: {  	v4 =	vadd.s32 v60, v4;
	v12 =	vshrl.u32 v15, $0x3;
	v9 =	vbroadcast v9, $0x0;
	[tilespmem:v19+s23+$0x0] =	vst.idx.msk $0xffff, v17;
	v14 =	vld [tilespmem:s26+$0xB0]  }
0x2a1: {  	v15 =	vshll.u32 v21, v33;
	v17 =	vadd.s32 v36, v1;
	v1 =	vbroadcast v13, $0x0;
	v16 =	vld [tilespmem:s26+$0xFFFFFF30];
	[tilespmem:v20+s23+$0x0] =	vst.idx.msk $0xffff, v18;
	s26 =	sadd.s32 $0x200, s26  }
0x2a2: {  	v8 =	vshll.u32 v8, v33;
	v13 =	vbroadcast v15, $0x0;
	v15 =	vld [tilespmem:s26+$0xC0];
	v18 =	vadd.s32 v61, v9;
	[tilespmem:v3+s23+$0x0] =	vst.idx.msk $0xffff, v24  }
0x2a3: {  	v23 =	vbroadcast v8, $0x0;
	v20 =	vadd.s32 v30, v1;
	v3 =	vshll.u32 v10, v33;
	v19 =	vld [tilespmem:s26+$0xFFFFFF00];
	[tilespmem:v2+s23+$0x0] =	vst.idx.msk $0xffff, v22  }
0x2a4: {  	v10 =	vadd.s32 v37, v13;
	v3 =	vbroadcast v3, $0x0;
	v2 =	vshll.u32 v12, v33;
	v8 =	vld [tilespmem:s26+$0xFFFFFF40];
	[tilespmem:v5+s23+$0x0] =	vst.idx.msk $0xffff, v11  }
0x2a5: {  	v12 =	vadd.s32 v41, v23;
	v2 =	vbroadcast v2, $0x0;
	v5 =	vshrl.u32 v6, $0x3;
	v11 =	vld [tilespmem:s26+$0xFFFFFF80];
	[tilespmem:v4+s23+$0x0] =	vst.idx.msk $0xffff, v14  }
0x2a6: {  	v7 =	vshrl.u32 v7, $0x3;
	v14 =	vadd.s32 v45, v3;
	v4 =	vshll.u32 v5, v33;
	v6 =	vld [tilespmem:s26+$0xFFFFFFC0];
	[tilespmem:v17+s23+$0x0] =	vst.idx.msk $0xffff, v16  }
0x2a7: {  	v17 =	vadd.s32 v49, v2;
	v5 =	vbroadcast v4, $0x0;
	v4 =	vshll.u32 v7, v33;
	v16 =	vld [tilespmem:s26+$0x0];
	[tilespmem:v18+s23+$0x0] =	vst.idx.msk $0xffff, v15  }
0x2a8: {  	v4 =	vbroadcast v4, $0x0;
	v15 =	vadd.s32 v62, v9;
	[tilespmem:v20+s23+$0x0] =	vst.idx.msk $0xffff, v19;
	v7 =	vld [tilespmem:s26+$0xD0]  }
0x2a9: {  	[tilespmem:v10+s23+$0x0] =	vst.idx.msk $0xffff, v8;
	v8 =	vld [tilespmem:s26+$0x40];
	v10 =	vadd.s32 v53, v5  }
0x2aa: {  	[tilespmem:v12+s23+$0x0] =	vst.idx.msk $0xffff, v11;
	v11 =	vld [tilespmem:s26+$0x80];
	v12 =	vadd.s32 v57, v4  }
0x2ab: {  	v19 =	vadd.s32 v38, v13;
	v18 =	vld [tilespmem:s26+$0xFFFFFF50];
	[tilespmem:v14+s23+$0x0] =	vst.idx.msk $0xffff, v6  }
0x2ac: {  	v14 =	vadd.s32 v42, v23;
	v6 =	vld [tilespmem:s26+$0xFFFFFF90];
	[tilespmem:v17+s23+$0x0] =	vst.idx.msk $0xffff, v16  }
0x2ad: {  	v17 =	vadd.s32 v46, v3;
	v16 =	vld [tilespmem:s26+$0xFFFFFFD0];
	[tilespmem:v15+s23+$0x0] =	vst.idx.msk $0xffff, v7  }
0x2ae: {  	[tilespmem:v10+s23+$0x0] =	vst.idx.msk $0xffff, v8;
	v7 =	vld [tilespmem:s26+$0xE0];
	v8 =	vadd.s32 v63, v9  }
0x2af: {  	v15 =	vadd.s32 v50, v2;
	v10 =	vld [tilespmem:s26+$0x10];
	[tilespmem:v12+s23+$0x0] =	vst.idx.msk $0xffff, v11  }
0x2b0: {  	v12 =	vadd.s32 v54, v5;
	[tilespmem:v19+s23+$0x0] =	vst.idx.msk $0xffff, v18;
	v11 =	vld [tilespmem:s26+$0x50]  }
0x2b1: {  	[tilespmem:v14+s23+$0x0] =	vst.idx.msk $0xffff, v6;
	v6 =	vld [tilespmem:s26+$0x90];
	v14 =	vadd.s32 v58, v4  }
0x2b2: {  	v19 =	vadd.s32 v34, v1;
	v18 =	vld [tilespmem:s26+$0xFFFFFF10];
	[tilespmem:v17+s23+$0x0] =	vst.idx.msk $0xffff, v16  }
0x2b3: {  	v17 =	vadd.s32 v39, v13;
	v16 =	vld [tilespmem:s26+$0xFFFFFF60];
	[tilespmem:v8+s23+$0x0] =	vst.idx.msk $0xffff, v7  }
0x2b4: {  	[tilespmem:v15+s23+$0x0] =	vst.idx.msk $0xffff, v10;
	v7 =	vld [tilespmem:s26+$0xF0];
	v15 =	vadd.s32 v0, v9  }
0x2b5: {  	v24 =	vadd.s32 v43, v23;
	v20 =	vld [tilespmem:s26+$0xFFFFFFA0];
	[tilespmem:v12+s23+$0x0] =	vst.idx.msk $0xffff, v11  }
0x2b6: {  	v26 =	vadd.s32 v47, v3;
	v25 =	vld [tilespmem:s26+$0xFFFFFFE0];
	[tilespmem:v14+s23+$0x0] =	vst.idx.msk $0xffff, v6  }
0x2b7: {  	v28 =	vadd.s32 v51, v2;
	[tilespmem:v19+s23+$0x0] =	vst.idx.msk $0xffff, v18;
	v27 =	vld [tilespmem:s26+$0x20]  }
.Ltmp2:
0x2b8: {  	s24 =	sadd.s32 $0x1, s28;
	v9 =	vadd.s32 v55, v5;
	v6 =	vmov s28;
	[tilespmem:v17+s23+$0x0] =	vst.idx.msk $0xffff, v16;
	v8 =	vld [tilespmem:s26+$0x60];
	(pc) =	sbr.rel @p0 .LBB2_7-.Ltmp2, $4  }
0x2b9: {  	s29 =	sadd.s32 $0x3, s28;
	v21 =	vmov s24;
	s24 =	sadd.s32 $0x2, s28;
	v11 =	vadd.s32 v59, v4;
	v18 =	vshrl.u32 v6, $0x3;
	v10 =	vld [tilespmem:s26+$0xA0];
	[tilespmem:v15+s23+$0x0] =	vst.idx.msk $0xffff, v7  }
0x2ba: {  	v22 =	vmov s24;
	s24 =	sadd.s32 $0x4, s28;
	v12 =	vmov s29;
	s29 =	sadd.s32 $0x5, s28;
	v16 =	vadd.s32 v35, v1;
	v14 =	vld [tilespmem:s26+$0xFFFFFF20];
	[tilespmem:v24+s23+$0x0] =	vst.idx.msk $0xffff, v20  }
0x2bb: {  	v6 =	vmov s29;
	v19 =	vadd.s32 v40, v13;
	v15 =	vmov s24;
	s24 =	sadd.s32 $0x6, s28;
	v17 =	vld [tilespmem:s26+$0xFFFFFF70];
	[tilespmem:v26+s23+$0x0] =	vst.idx.msk $0xffff, v25  }
0x2bc: {  	s29 =	sadd.s32 $0x7, s28;
	v13 =	vshll.u32 v18, v33;
	s28 =	sadd.s32 $0x8, s28;
	v7 =	vmov s24;
	v20 =	vadd.s32 v44, v23;
	v18 =	vld [tilespmem:s26+$0xFFFFFFB0];
	[tilespmem:v28+s23+$0x0] =	vst.idx.msk $0xffff, v27  }
0x2bd: {  	_ =	sdelay $0x2  }
0x2be: {  	v21 =	vshrl.u32 v21, $0x3  }
0x2bf: {  	v23 =	vmov s29;
	v24 =	vld [tilespmem:s26+$0xFFFFFFF0];
	v3 =	vadd.s32 v48, v3;
	[tilespmem:v9+s23+$0x0] =	vst.idx.msk $0xffff, v8;
	v8 =	vshrl.u32 v22, $0x3  }
0x2c0: {  	v27 =	vld [tilespmem:s26+$0x30];
	v2 =	vadd.s32 v52, v2;
	v5 =	vadd.s32 v56, v5;
	v26 =	vshrl.u32 v23, $0x3;
	[tilespmem:v11+s23+$0x0] =	vst.idx.msk $0xffff, v10  }
0x2c1: {  	v4 =	vadd.s32 v60, v4;
	v13 =	vbroadcast v13, $0x0;
	v11 =	vld [tilespmem:s26+$0x70];
	v9 =	vshll.u32 v26, v33;
	[tilespmem:v16+s23+$0x0] =	vst.idx.msk $0xffff, v14  }
0x2c2: {  	v1 =	vadd.s32 v36, v1;
	v25 =	vld [tilespmem:s26+$0xB0];
	v26 =	vshll.u32 v21, v33;
	v9 =	vbroadcast v9, $0x0;
	[tilespmem:v19+s23+$0x0] =	vst.idx.msk $0xffff, v17  }
0x2c3: {  	s24 =	sadd.s32 $0x200, s26;
	v23 =	vshrl.u32 v12, $0x3;
	v12 =	vshrl.u32 v15, $0x3;
	v16 =	vld [tilespmem:s26+$0xFFFFFF30];
	v15 =	vbroadcast v26, $0x0;
	[tilespmem:v20+s23+$0x0] =	vst.idx.msk $0xffff, v18  }
0x2c4: {  	v6 =	vshrl.u32 v6, $0x3;
	v8 =	vshll.u32 v8, v33;
	v17 =	vld [tilespmem:s24+$0xC0];
	v18 =	vadd.s32 v61, v9;
	[tilespmem:v3+s23+$0x0] =	vst.idx.msk $0xffff, v24  }
0x2c5: {  	v8 =	vbroadcast v8, $0x0;
	v10 =	vshll.u32 v23, v33;
	[tilespmem:v2+s23+$0x0] =	vst.idx.msk $0xffff, v27;
	v2 =	vld [tilespmem:s24+$0xFFFFFF40];
	v27 =	vadd.s32 v37, v15  }
0x2c6: {  	v12 =	vshll.u32 v12, v33;
	v19 =	vadd.s32 v30, v13;
	v10 =	vbroadcast v10, $0x0;
	v3 =	vld [tilespmem:s24+$0xFFFFFF00];
	[tilespmem:v5+s23+$0x0] =	vst.idx.msk $0xffff, v11  }
0x2c7: {  	v22 =	vld [tilespmem:s24+$0xFFFFFF80];
	v6 =	vshll.u32 v6, v33;
	v12 =	vbroadcast v12, $0x0;
	v23 =	vadd.s32 v41, v8;
	[tilespmem:v4+s23+$0x0] =	vst.idx.msk $0xffff, v25  }
0x2c8: {  	v6 =	vbroadcast v6, $0x0;
	v24 =	vadd.s32 v45, v10;
	v4 =	vld [tilespmem:s24+$0xFFFFFFC0];
	[tilespmem:v1+s23+$0x0] =	vst.idx.msk $0xffff, v16  }
0x2c9: {  	v7 =	vshrl.u32 v7, $0x3;
	v26 =	vadd.s32 v49, v12;
	v25 =	vld [tilespmem:s24+$0x0];
	[tilespmem:v18+s23+$0x0] =	vst.idx.msk $0xffff, v17  }
0x2ca: {  	v7 =	vshll.u32 v7, v33;
	[tilespmem:v27+s23+$0x0] =	vst.idx.msk $0xffff, v2;
	v2 =	vld [tilespmem:s24+$0x40];
	v27 =	vadd.s32 v53, v6  }
0x2cb: {  	[tilespmem:v19+s23+$0x0] =	vst.idx.msk $0xffff, v3;
	v3 =	vbroadcast v7, $0x0;
	v17 =	vadd.s32 v62, v9;
	v7 =	vld [tilespmem:s24+$0xD0]  }
0x2cc: {  	v20 =	vadd.s32 v38, v15;
	[tilespmem:v23+s23+$0x0] =	vst.idx.msk $0xffff, v22;
	v19 =	vld [tilespmem:s24+$0xFFFFFF50]  }
0x2cd: {  	v5 =	vld [tilespmem:s24+$0x80];
	v11 =	vadd.s32 v57, v3;
	[tilespmem:v24+s23+$0x0] =	vst.idx.msk $0xffff, v4  }
0x2ce: {  	v23 =	vld [tilespmem:s24+$0xFFFFFF90];
	v24 =	vadd.s32 v42, v8;
	[tilespmem:v26+s23+$0x0] =	vst.idx.msk $0xffff, v25  }
0x2cf: {  	v26 =	vadd.s32 v46, v10;
	v25 =	vld [tilespmem:s24+$0xFFFFFFD0];
	[tilespmem:v27+s23+$0x0] =	vst.idx.msk $0xffff, v2  }
0x2d0: {  	v27 =	vadd.s32 v50, v12;
	[tilespmem:v17+s23+$0x0] =	vst.idx.msk $0xffff, v7;
	v17 =	vld [tilespmem:s24+$0x10]  }
0x2d1: {  	v7 =	vadd.s32 v63, v9;
	[tilespmem:v20+s23+$0x0] =	vst.idx.msk $0xffff, v19;
	v2 =	vld [tilespmem:s24+$0xE0]  }
0x2d2: {  	[tilespmem:v11+s23+$0x0] =	vst.idx.msk $0xffff, v5;
	v5 =	vld [tilespmem:s24+$0x50];
	v11 =	vadd.s32 v54, v6  }
0x2d3: {  	v19 =	vld [tilespmem:s24+$0xFFFFFF10];
	[tilespmem:v24+s23+$0x0] =	vst.idx.msk $0xffff, v23;
	v24 =	vadd.s32 v34, v13  }
0x2d4: {  	v14 =	vadd.s32 v58, v3;
	v4 =	vld [tilespmem:s24+$0x90];
	[tilespmem:v26+s23+$0x0] =	vst.idx.msk $0xffff, v25  }
0x2d5: {  	v25 =	vld [tilespmem:s24+$0xFFFFFF60];
	v26 =	vadd.s32 v39, v15;
	[tilespmem:v27+s23+$0x0] =	vst.idx.msk $0xffff, v17  }
0x2d6: {  	v27 =	vadd.s32 v43, v8;
	[tilespmem:v7+s23+$0x0] =	vst.idx.msk $0xffff, v2;
	v7 =	vld [tilespmem:s24+$0xFFFFFFA0]  }
0x2d7: {  	[tilespmem:v11+s23+$0x0] =	vst.idx.msk $0xffff, v5;
	v5 =	vld [tilespmem:s24+$0xFFFFFFE0];
	v11 =	vadd.s32 v47, v10  }
0x2d8: {  	v0 =	vadd.s32 v0, v9;
	[tilespmem:v24+s23+$0x0] =	vst.idx.msk $0xffff, v19;
	v2 =	vld [tilespmem:s24+$0xF0]  }
0x2d9: {  	[tilespmem:v14+s23+$0x0] =	vst.idx.msk $0xffff, v4;
	v4 =	vld [tilespmem:s24+$0x20];
	v14 =	vadd.s32 v51, v12  }
0x2da: {  	v22 =	vadd.s32 v55, v6;
	[tilespmem:v26+s23+$0x0] =	vst.idx.msk $0xffff, v25;
	v21 =	vld [tilespmem:s24+$0x60]  }
0x2db: {  	v25 =	vld [tilespmem:s24+$0xFFFFFF20];
	v26 =	vadd.s32 v35, v13;
	[tilespmem:v27+s23+$0x0] =	vst.idx.msk $0xffff, v7  }
0x2dc: {  	v24 =	vadd.s32 v59, v3;
	v23 =	vld [tilespmem:s24+$0xA0];
	[tilespmem:v11+s23+$0x0] =	vst.idx.msk $0xffff, v5  }
0x2dd: {  	v15 =	vadd.s32 v40, v15;
	v27 =	vld [tilespmem:s24+$0xFFFFFF70];
	[tilespmem:v0+s23+$0x0] =	vst.idx.msk $0xffff, v2  }
0x2de: {  	v8 =	vadd.s32 v44, v8;
	v19 =	vld [tilespmem:s24+$0xFFFFFFB0];
	[tilespmem:v14+s23+$0x0] =	vst.idx.msk $0xffff, v4  }
0x2df: {  	v10 =	vadd.s32 v48, v10;
	v20 =	vld [tilespmem:s24+$0xFFFFFFF0];
	[tilespmem:v22+s23+$0x0] =	vst.idx.msk $0xffff, v21  }
0x2e0: {  	v22 =	vadd.s32 v52, v12;
	[tilespmem:v26+s23+$0x0] =	vst.idx.msk $0xffff, v25;
	v21 =	vld [tilespmem:s24+$0x30]  }
0x2e1: {  	[tilespmem:v24+s23+$0x0] =	vst.idx.msk $0xffff, v23;
	v23 =	vld [tilespmem:s24+$0x70];
	v24 =	vadd.s32 v56, v6  }
0x2e2: {  	v3 =	vadd.s32 v60, v3;
	v25 =	vld [tilespmem:s24+$0xB0];
	[tilespmem:v15+s23+$0x0] =	vst.idx.msk $0xffff, v27  }
0x2e3: {  	v26 =	vld [tilespmem:s24+$0xFFFFFF30];
	v27 =	vadd.s32 v36, v13;
	[tilespmem:v8+s23+$0x0] =	vst.idx.msk $0xffff, v19  }
0x2e4: {  	[tilespmem:v10+s23+$0x0] =	vst.idx.msk $0xffff, v20  }
0x2e5: {  	[tilespmem:v22+s23+$0x0] =	vst.idx.msk $0xffff, v21  }
0x2e6: {  	s24 =	sadd.s32 @!p1 $0x180, s25;
	[tilespmem:v24+s23+$0x0] =	vst.idx.msk $0xffff, v23  }
0x2e7: {  	s24 =	sand.u32 @!p1 $0xFF80, s24;
	[tilespmem:v3+s23+$0x0] =	vst.idx.msk $0xffff, v25  }
0x2e8: {  	s26 =	simm.s32 @!p1 $0xF400;
	s25 =	simm.s32 @!p1 $0x80;
	s24 =	sadd.s32 @!p1 $0x7000, s24;
	[tilespmem:v27+s23+$0x0] =	vst.idx.msk $0xffff, v26  }
0x2e9: {  	[tilespmem:s26], [sflag:$0x2] =	stream.indirect.gather @!p1 [hbm4b:s5+s25], $0x40, s24, s25, $0xb8;
	[tilespmem:$0x15800] =	vst v63  }
0x2ea: {  	s24 =	sadd.s32 s0, s14  }
0x2eb: {  	[hbm4b:s24+s3] =	stream.linear.scatter [tilespmem:s23], [sflag:$0x4], $0x80, $0x38;
	[tilespmem:$0x15800] =	vst v63  }
0x2ec: {  	s29 =	simm.s32 $0x13688;
	s28 =	sadd.s32 $0x10, s24  }
0x2ed: {  	[hbm4b:s28+s3] =	stream.linear.scatter [tilespmem:s29], [sflag:$0x4], $0x80, $0x38;
	[tilespmem:$0x15800] =	vst v63  }
0x2ee: {  	s28 =	sadd.s32 $0x20, s24;
	s29 =	simm.s32 $0x13710  }
0x2ef: {  	[hbm4b:s28+s3] =	stream.linear.scatter [tilespmem:s29], [sflag:$0x4], $0x80, $0x38;
	[tilespmem:$0x15800] =	vst v63  }
0x2f0: {  	s28 =	sadd.s32 $0x30, s24;
	s29 =	simm.s32 $0x13798  }
0x2f1: {  	[hbm4b:s28+s3] =	stream.linear.scatter [tilespmem:s29], [sflag:$0x4], $0x80, $0x38;
	[tilespmem:$0x15800] =	vst v63  }
0x2f2: {  	s28 =	sadd.s32 $0x40, s24;
	s29 =	simm.s32 $0x13820  }
0x2f3: {  	[hbm4b:s28+s3] =	stream.linear.scatter [tilespmem:s29], [sflag:$0x4], $0x80, $0x38;
	[tilespmem:$0x15800] =	vst v63  }
0x2f4: {  	s28 =	sadd.s32 $0x50, s24;
	s29 =	simm.s32 $0x138A8  }
0x2f5: {  	[hbm4b:s28+s3] =	stream.linear.scatter [tilespmem:s29], [sflag:$0x4], $0x80, $0x38;
	[tilespmem:$0x15800] =	vst v63  }
0x2f6: {  	s26 =	sadd.s32 $0x60, s24;
	s28 =	simm.s32 $0x13930  }
0x2f7: {  	[hbm4b:s26+s3] =	stream.linear.scatter [tilespmem:s28], [sflag:$0x4], $0x80, $0x38;
	[tilespmem:$0x15800] =	vst v63  }
0x2f8: {  	s24 =	sadd.s32 $0x70, s24;
	s29 =	simm.s32 $0x139B8  }
0x2f9: {  	[hbm4b:s24+s3] =	stream.linear.scatter [tilespmem:s29], [sflag:$0x4], $0x80, $0x38;
	[tilespmem:$0x15800] =	vst v63  }
0x2fa: {  	s26 =	simm.s32 $0x13A40;
	s24 =	sadd.s32 s0, s15  }
0x2fb: {  	[hbm4b:s24+s3] =	stream.linear.scatter [tilespmem:s26], [sflag:$0x4], $0x80, $0x38;
	[tilespmem:$0x15800] =	vst v63  }
0x2fc: {  	s29 =	simm.s32 $0x13AC8;
	s28 =	sadd.s32 $0x10, s24  }
0x2fd: {  	[hbm4b:s28+s3] =	stream.linear.scatter [tilespmem:s29], [sflag:$0x4], $0x80, $0x38;
	[tilespmem:$0x15800] =	vst v63  }
0x2fe: {  	s28 =	sadd.s32 $0x20, s24;
	s29 =	simm.s32 $0x13B50  }
0x2ff: {  	[hbm4b:s28+s3] =	stream.linear.scatter [tilespmem:s29], [sflag:$0x4], $0x80, $0x38;
	[tilespmem:$0x15800] =	vst v63  }
0x300: {  	s28 =	sadd.s32 $0x30, s24;
	s29 =	simm.s32 $0x13BD8  }
0x301: {  	[hbm4b:s28+s3] =	stream.linear.scatter [tilespmem:s29], [sflag:$0x4], $0x80, $0x38;
	[tilespmem:$0x15800] =	vst v63  }
0x302: {  	s28 =	sadd.s32 $0x40, s24;
	s29 =	simm.s32 $0x13C60  }
0x303: {  	[hbm4b:s28+s3] =	stream.linear.scatter [tilespmem:s29], [sflag:$0x4], $0x80, $0x38;
	[tilespmem:$0x15800] =	vst v63  }
0x304: {  	s28 =	sadd.s32 $0x50, s24;
	s29 =	simm.s32 $0x13CE8  }
0x305: {  	[hbm4b:s28+s3] =	stream.linear.scatter [tilespmem:s29], [sflag:$0x4], $0x80, $0x38;
	[tilespmem:$0x15800] =	vst v63  }
0x306: {  	s26 =	sadd.s32 $0x60, s24;
	s28 =	simm.s32 $0x13D70  }
0x307: {  	[hbm4b:s26+s3] =	stream.linear.scatter [tilespmem:s28], [sflag:$0x4], $0x80, $0x38;
	[tilespmem:$0x15800] =	vst v63  }
0x308: {  	s24 =	sadd.s32 $0x70, s24;
	s29 =	simm.s32 $0x13DF8  }
0x309: {  	[hbm4b:s24+s3] =	stream.linear.scatter [tilespmem:s29], [sflag:$0x4], $0x80, $0x38;
	[tilespmem:$0x15800] =	vst v63  }
0x30a: {  	s26 =	simm.s32 $0x13E80;
	s24 =	sadd.s32 s0, s16  }
0x30b: {  	[hbm4b:s24+s3] =	stream.linear.scatter [tilespmem:s26], [sflag:$0x4], $0x80, $0x38;
	[tilespmem:$0x15800] =	vst v63  }
0x30c: {  	s29 =	simm.s32 $0x13F08;
	s28 =	sadd.s32 $0x10, s24  }
0x30d: {  	[hbm4b:s28+s3] =	stream.linear.scatter [tilespmem:s29], [sflag:$0x4], $0x80, $0x38;
	[tilespmem:$0x15800] =	vst v63  }
0x30e: {  	s28 =	sadd.s32 $0x20, s24;
	s29 =	simm.s32 $0x13F90  }
0x30f: {  	[hbm4b:s28+s3] =	stream.linear.scatter [tilespmem:s29], [sflag:$0x4], $0x80, $0x38;
	[tilespmem:$0x15800] =	vst v63  }
0x310: {  	s28 =	sadd.s32 $0x30, s24;
	s29 =	simm.s32 $0x14018  }
0x311: {  	[hbm4b:s28+s3] =	stream.linear.scatter [tilespmem:s29], [sflag:$0x4], $0x80, $0x38;
	[tilespmem:$0x15800] =	vst v63  }
0x312: {  	s28 =	sadd.s32 $0x40, s24;
	s29 =	simm.s32 $0x140A0  }
0x313: {  	[hbm4b:s28+s3] =	stream.linear.scatter [tilespmem:s29], [sflag:$0x4], $0x80, $0x38;
	[tilespmem:$0x15800] =	vst v63  }
0x314: {  	s28 =	sadd.s32 $0x50, s24;
	s29 =	simm.s32 $0x14128  }
0x315: {  	[hbm4b:s28+s3] =	stream.linear.scatter [tilespmem:s29], [sflag:$0x4], $0x80, $0x38;
	[tilespmem:$0x15800] =	vst v63  }
0x316: {  	s26 =	sadd.s32 $0x60, s24;
	s28 =	simm.s32 $0x141B0  }
0x317: {  	[hbm4b:s26+s3] =	stream.linear.scatter [tilespmem:s28], [sflag:$0x4], $0x80, $0x38;
	[tilespmem:$0x15800] =	vst v63  }
0x318: {  	s24 =	sadd.s32 $0x70, s24;
	s29 =	simm.s32 $0x14238  }
0x319: {  	[hbm4b:s24+s3] =	stream.linear.scatter [tilespmem:s29], [sflag:$0x4], $0x80, $0x38;
	[tilespmem:$0x15800] =	vst v63  }
0x31a: {  	s26 =	simm.s32 $0x142C0;
	s24 =	sadd.s32 s0, s17  }
0x31b: {  	[hbm4b:s24+s3] =	stream.linear.scatter [tilespmem:s26], [sflag:$0x4], $0x80, $0x38;
	[tilespmem:$0x15800] =	vst v63  }
0x31c: {  	s29 =	simm.s32 $0x14348;
	s28 =	sadd.s32 $0x10, s24  }
0x31d: {  	[hbm4b:s28+s3] =	stream.linear.scatter [tilespmem:s29], [sflag:$0x4], $0x80, $0x38;
	[tilespmem:$0x15800] =	vst v63  }
0x31e: {  	s28 =	sadd.s32 $0x20, s24;
	s29 =	simm.s32 $0x143D0  }
0x31f: {  	[hbm4b:s28+s3] =	stream.linear.scatter [tilespmem:s29], [sflag:$0x4], $0x80, $0x38;
	[tilespmem:$0x15800] =	vst v63  }
0x320: {  	s28 =	sadd.s32 $0x30, s24;
	s29 =	simm.s32 $0x14458  }
0x321: {  	[hbm4b:s28+s3] =	stream.linear.scatter [tilespmem:s29], [sflag:$0x4], $0x80, $0x38;
	[tilespmem:$0x15800] =	vst v63  }
0x322: {  	s28 =	sadd.s32 $0x40, s24;
	s29 =	simm.s32 $0x144E0  }
0x323: {  	[hbm4b:s28+s3] =	stream.linear.scatter [tilespmem:s29], [sflag:$0x4], $0x80, $0x38;
	[tilespmem:$0x15800] =	vst v63  }
0x324: {  	s28 =	sadd.s32 $0x50, s24;
	s29 =	simm.s32 $0x14568  }
0x325: {  	[hbm4b:s28+s3] =	stream.linear.scatter [tilespmem:s29], [sflag:$0x4], $0x80, $0x38;
	[tilespmem:$0x15800] =	vst v63  }
0x326: {  	s26 =	sadd.s32 $0x60, s24;
	s28 =	simm.s32 $0x145F0  }
0x327: {  	[hbm4b:s26+s3] =	stream.linear.scatter [tilespmem:s28], [sflag:$0x4], $0x80, $0x38;
	[tilespmem:$0x15800] =	vst v63  }
0x328: {  	s24 =	sadd.s32 $0x70, s24;
	s29 =	simm.s32 $0x14678  }
0x329: {  	[hbm4b:s24+s3] =	stream.linear.scatter [tilespmem:s29], [sflag:$0x4], $0x80, $0x38;
	[tilespmem:$0x15800] =	vst v63  }
0x32a: {  	s26 =	simm.s32 $0x14700;
	s24 =	sadd.s32 s0, s18  }
0x32b: {  	[hbm4b:s24+s3] =	stream.linear.scatter [tilespmem:s26], [sflag:$0x4], $0x80, $0x38;
	[tilespmem:$0x15800] =	vst v63  }
0x32c: {  	s29 =	simm.s32 $0x14788;
	s28 =	sadd.s32 $0x10, s24  }
0x32d: {  	[hbm4b:s28+s3] =	stream.linear.scatter [tilespmem:s29], [sflag:$0x4], $0x80, $0x38;
	[tilespmem:$0x15800] =	vst v63  }
0x32e: {  	s28 =	sadd.s32 $0x20, s24;
	s29 =	simm.s32 $0x14810  }
0x32f: {  	[hbm4b:s28+s3] =	stream.linear.scatter [tilespmem:s29], [sflag:$0x4], $0x80, $0x38;
	[tilespmem:$0x15800] =	vst v63  }
0x330: {  	s28 =	sadd.s32 $0x30, s24;
	s29 =	simm.s32 $0x14898  }
0x331: {  	[hbm4b:s28+s3] =	stream.linear.scatter [tilespmem:s29], [sflag:$0x4], $0x80, $0x38;
	[tilespmem:$0x15800] =	vst v63  }
0x332: {  	s28 =	sadd.s32 $0x40, s24;
	s29 =	simm.s32 $0x14920  }
0x333: {  	[hbm4b:s28+s3] =	stream.linear.scatter [tilespmem:s29], [sflag:$0x4], $0x80, $0x38;
	[tilespmem:$0x15800] =	vst v63  }
0x334: {  	s28 =	sadd.s32 $0x50, s24;
	s29 =	simm.s32 $0x149A8  }
0x335: {  	[hbm4b:s28+s3] =	stream.linear.scatter [tilespmem:s29], [sflag:$0x4], $0x80, $0x38;
	[tilespmem:$0x15800] =	vst v63  }
0x336: {  	s26 =	sadd.s32 $0x60, s24;
	s28 =	simm.s32 $0x14A30  }
0x337: {  	[hbm4b:s26+s3] =	stream.linear.scatter [tilespmem:s28], [sflag:$0x4], $0x80, $0x38;
	[tilespmem:$0x15800] =	vst v63  }
0x338: {  	s24 =	sadd.s32 $0x70, s24;
	s29 =	simm.s32 $0x14AB8  }
0x339: {  	[hbm4b:s24+s3] =	stream.linear.scatter [tilespmem:s29], [sflag:$0x4], $0x80, $0x38;
	[tilespmem:$0x15800] =	vst v63  }
0x33a: {  	s26 =	simm.s32 $0x14B40;
	s24 =	sadd.s32 s0, s19  }
0x33b: {  	[hbm4b:s24+s3] =	stream.linear.scatter [tilespmem:s26], [sflag:$0x4], $0x80, $0x38;
	[tilespmem:$0x15800] =	vst v63  }
0x33c: {  	s29 =	simm.s32 $0x14BC8;
	s28 =	sadd.s32 $0x10, s24  }
0x33d: {  	[hbm4b:s28+s3] =	stream.linear.scatter [tilespmem:s29], [sflag:$0x4], $0x80, $0x38;
	[tilespmem:$0x15800] =	vst v63  }
0x33e: {  	s28 =	sadd.s32 $0x20, s24;
	s29 =	simm.s32 $0x14C50  }
0x33f: {  	[hbm4b:s28+s3] =	stream.linear.scatter [tilespmem:s29], [sflag:$0x4], $0x80, $0x38;
	[tilespmem:$0x15800] =	vst v63  }
0x340: {  	s28 =	sadd.s32 $0x30, s24;
	s29 =	simm.s32 $0x14CD8  }
0x341: {  	[hbm4b:s28+s3] =	stream.linear.scatter [tilespmem:s29], [sflag:$0x4], $0x80, $0x38;
	[tilespmem:$0x15800] =	vst v63  }
0x342: {  	s28 =	sadd.s32 $0x40, s24;
	s29 =	simm.s32 $0x14D60  }
0x343: {  	[hbm4b:s28+s3] =	stream.linear.scatter [tilespmem:s29], [sflag:$0x4], $0x80, $0x38;
	[tilespmem:$0x15800] =	vst v63  }
0x344: {  	s28 =	sadd.s32 $0x50, s24;
	s29 =	simm.s32 $0x14DE8  }
0x345: {  	[hbm4b:s28+s3] =	stream.linear.scatter [tilespmem:s29], [sflag:$0x4], $0x80, $0x38;
	[tilespmem:$0x15800] =	vst v63  }
0x346: {  	s26 =	sadd.s32 $0x60, s24;
	s28 =	simm.s32 $0x14E70  }
0x347: {  	[hbm4b:s26+s3] =	stream.linear.scatter [tilespmem:s28], [sflag:$0x4], $0x80, $0x38;
	[tilespmem:$0x15800] =	vst v63  }
0x348: {  	s24 =	sadd.s32 $0x70, s24;
	s29 =	simm.s32 $0x14EF8  }
0x349: {  	[hbm4b:s24+s3] =	stream.linear.scatter [tilespmem:s29], [sflag:$0x4], $0x80, $0x38;
	[tilespmem:$0x15800] =	vst v63  }
0x34a: {  	s26 =	simm.s32 $0x14F80;
	s24 =	sadd.s32 s0, s20  }
0x34b: {  	[hbm4b:s24+s3] =	stream.linear.scatter [tilespmem:s26], [sflag:$0x4], $0x80, $0x38;
	[tilespmem:$0x15800] =	vst v63  }
0x34c: {  	s29 =	simm.s32 $0x15008;
	s28 =	sadd.s32 $0x10, s24  }
0x34d: {  	[hbm4b:s28+s3] =	stream.linear.scatter [tilespmem:s29], [sflag:$0x4], $0x80, $0x38;
	[tilespmem:$0x15800] =	vst v63  }
0x34e: {  	s28 =	sadd.s32 $0x20, s24;
	s29 =	simm.s32 $0x15090  }
0x34f: {  	[hbm4b:s28+s3] =	stream.linear.scatter [tilespmem:s29], [sflag:$0x4], $0x80, $0x38;
	[tilespmem:$0x15800] =	vst v63  }
0x350: {  	s28 =	sadd.s32 $0x30, s24;
	s29 =	simm.s32 $0x15118  }
0x351: {  	[hbm4b:s28+s3] =	stream.linear.scatter [tilespmem:s29], [sflag:$0x4], $0x80, $0x38;
	[tilespmem:$0x15800] =	vst v63  }
0x352: {  	s28 =	sadd.s32 $0x40, s24;
	s29 =	simm.s32 $0x151A0  }
0x353: {  	[hbm4b:s28+s3] =	stream.linear.scatter [tilespmem:s29], [sflag:$0x4], $0x80, $0x38;
	[tilespmem:$0x15800] =	vst v63  }
0x354: {  	s28 =	sadd.s32 $0x50, s24;
	s29 =	simm.s32 $0x15228  }
0x355: {  	[hbm4b:s28+s3] =	stream.linear.scatter [tilespmem:s29], [sflag:$0x4], $0x80, $0x38;
	[tilespmem:$0x15800] =	vst v63  }
0x356: {  	s28 =	sadd.s32 $0x60, s24;
	s29 =	simm.s32 $0x152B0  }
0x357: {  	[hbm4b:s28+s3] =	stream.linear.scatter [tilespmem:s29], [sflag:$0x4], $0x80, $0x38;
	[tilespmem:$0x15800] =	vst v63  }
0x358: {  	s24 =	sadd.s32 $0x70, s24;
	s28 =	simm.s32 $0x15338  }
0x359: {  	[hbm4b:s24+s3] =	stream.linear.scatter [tilespmem:s28], [sflag:$0x4], $0x80, $0x38;
	[tilespmem:$0x15800] =	vst v63  }
0x35a: {  	s0 =	sadd.s32 s0, s21;
	s29 =	simm.s32 $0x153C0  }
0x35b: {  	[hbm4b:s0+s3] =	stream.linear.scatter [tilespmem:s29], [sflag:$0x4], $0x80, $0x38;
	[tilespmem:$0x15800] =	vst v63  }
0x35c: {  	s25 =	sadd.s32 $0x10, s0;
	s26 =	simm.s32 $0x15448  }
0x35d: {  	[hbm4b:s25+s3] =	stream.linear.scatter [tilespmem:s26], [sflag:$0x4], $0x80, $0x38;
	[tilespmem:$0x15800] =	vst v63  }
0x35e: {  	s28 =	sadd.s32 $0x20, s0;
	s29 =	simm.s32 $0x154D0  }
0x35f: {  	[hbm4b:s28+s3] =	stream.linear.scatter [tilespmem:s29], [sflag:$0x4], $0x80, $0x38;
	[tilespmem:$0x15800] =	vst v63  }
0x360: {  	s25 =	sadd.s32 $0x30, s0;
	s26 =	simm.s32 $0x15558  }
0x361: {  	[hbm4b:s25+s3] =	stream.linear.scatter [tilespmem:s26], [sflag:$0x4], $0x80, $0x38;
	[tilespmem:$0x15800] =	vst v63  }
0x362: {  	s1 =	sadd.s32 $0x1, s1;
	s28 =	sadd.s32 $0x40, s0;
	s29 =	simm.s32 $0x155E0  }
0x363: {  	[hbm4b:s28+s3] =	stream.linear.scatter [tilespmem:s29], [sflag:$0x4], $0x80, $0x38;
	[tilespmem:$0x15800] =	vst v63  }
0x364: {  	p0 =	sne.s32 s1, $0x64;
	s25 =	sadd.s32 $0x50, s0;
	s26 =	simm.s32 $0x15668  }
0x365: {  	[hbm4b:s25+s3] =	stream.linear.scatter [tilespmem:s26], [sflag:$0x4], $0x80, $0x38;
	[tilespmem:$0x15800] =	vst v63  }
.Ltmp3:
0x366: {  	_ = 	snop;
	(pc) =	sbr.rel @p0 .LBB2_4-.Ltmp3, $4  }
0x367: {  	s28 =	sadd.s32 $0x60, s0;
	s29 =	simm.s32 $0x156F0  }
0x368: {  	[hbm4b:s28+s3] =	stream.linear.scatter [tilespmem:s29], [sflag:$0x4], $0x80, $0x38;
	[tilespmem:$0x15800] =	vst v63  }
0x369: {  	s0 =	sadd.s32 $0x70, s0  }
0x36a: {  	[hbm4b:s0+s3] =	stream.linear.scatter [tilespmem:s6], [sflag:$0x4], $0x80, $0x38;
	[tilespmem:$0x15800] =	vst v63  }
0x36b: {  	s0 =	simm.s32 $0x3  }
0x36c: {  	_ =	swait.ge [sflag:s0], $0x400  }
0x36d: {  	[sflag:s0] =	ssyncset.done $0x0  }
0x36e: {  	s1 =	simm.s32 $0x4;
	[sflag:s0] =	ssyncadd.s32 $0xFFFFFC00  }
0x36f: {  	_ =	swait.ge [sflag:s1], $0x400  }
0x370: {  	[sflag:s1] =	ssyncset.done $0x0  }
0x371: {  	[sflag:s1] =	ssyncadd.s32 $0xFFFFFC00  }
0x372: {  	_ =	swait.ge [sflag:s0], $0x400  }
0x373: {  	[sflag:s0] =	ssyncset.done $0x0  }
0x374: {  	[sflag:s0] =	ssyncadd.s32 $0xFFFFFC00  }
0x375: {  	_ =	swait.ge [sflag:s1], $0x400  }
0x376: {  	[sflag:s1] =	ssyncset.done $0x0  }
0x377: {  	[sflag:s1] =	ssyncadd.s32 $0xFFFFFC00  }
0x378: {  	_ =	swait.ge [sflag:s0], $0x400  }
0x379: {  	[sflag:s0] =	ssyncset.done $0x0  }
0x37a: {  	[sflag:s0] =	ssyncadd.s32 $0xFFFFFC00  }
0x37b: {  	_ =	swait.ge [sflag:s1], $0x400  }
0x37c: {  	[sflag:s1] =	ssyncset.done $0x0  }
0x37d: {  	[sflag:s1] =	ssyncadd.s32 $0xFFFFFC00  }
0x37e: {  	_ =	swait.ge [sflag:s0], $0x400  }
0x37f: {  	[sflag:s0] =	ssyncset.done $0x0  }
0x380: {  	[sflag:s0] =	ssyncadd.s32 $0xFFFFFC00  }
0x381: {  	_ =	swait.ge [sflag:s1], $0x400  }
0x382: {  	[sflag:s1] =	ssyncset.done $0x0  }
0x383: {  	[sflag:s1] =	ssyncadd.s32 $0xFFFFFC00  }
0x384: {  	_ =	swait.ge [sflag:s0], $0x400  }
0x385: {  	[sflag:s0] =	ssyncset.done $0x0  }
0x386: {  	[sflag:s0] =	ssyncadd.s32 $0xFFFFFC00  }
0x387: {  	_ =	swait.ge [sflag:s1], $0x400  }
0x388: {  	[sflag:s1] =	ssyncset.done $0x0  }
0x389: {  	[sflag:s1] =	ssyncadd.s32 $0xFFFFFC00  }
0x38a: {  	_ =	swait.ge [sflag:s0], $0x400  }
0x38b: {  	[sflag:s0] =	ssyncset.done $0x0  }
0x38c: {  	[sflag:s0] =	ssyncadd.s32 $0xFFFFFC00  }
0x38d: {  	_ =	swait.ge [sflag:s1], $0x400  }
0x38e: {  	[sflag:s1] =	ssyncset.done $0x0  }
0x38f: {  	[sflag:s1] =	ssyncadd.s32 $0xFFFFFC00  }
0x390: {  	_ =	swait.ge [sflag:s0], $0x400  }
0x391: {  	[sflag:s0] =	ssyncset.done $0x0  }
0x392: {  	[sflag:s0] =	ssyncadd.s32 $0xFFFFFC00  }
0x393: {  	_ =	swait.ge [sflag:s1], $0x400  }
0x394: {  	[sflag:s1] =	ssyncset.done $0x0  }
0x395: {  	[sflag:s1] =	ssyncadd.s32 $0xFFFFFC00  }
0x396: {  	_ =	swait.ge [sflag:s0], $0x400  }
0x397: {  	[sflag:s0] =	ssyncset.done $0x0  }
0x398: {  	[sflag:s0] =	ssyncadd.s32 $0xFFFFFC00  }
0x399: {  	_ =	swait.ge [sflag:s1], $0x400  }
0x39a: {  	v3 =	vld [tilespmem:$0x1FE90]  }
0x39b: {  	v4 =	vld [tilespmem:$0x1FEA0]  }
0x39c: {  	v5 =	vld [tilespmem:$0x1FEB0]  }
0x39d: {  	v6 =	vld [tilespmem:$0x1FEC0]  }
0x39e: {  	v7 =	vld [tilespmem:$0x1FED0]  }
0x39f: {  	v8 =	vld [tilespmem:$0x1FEE0]  }
0x3a0: {  	v9 =	vld [tilespmem:$0x1FEF0]  }
0x3a1: {  	v10 =	vld [tilespmem:$0x1FF00]  }
0x3a2: {  	v11 =	vld [tilespmem:$0x1FF10]  }
0x3a3: {  	v12 =	vld [tilespmem:$0x1FF20]  }
0x3a4: {  	v13 =	vld [tilespmem:$0x1FF30]  }
0x3a5: {  	v14 =	vld [tilespmem:$0x1FF40]  }
0x3a6: {  	v15 =	vld [tilespmem:$0x1FF50]  }
0x3a7: {  	v16 =	vld [tilespmem:$0x1FF60]  }
0x3a8: {  	v17 =	vld [tilespmem:$0x1FF70]  }
0x3a9: {  	s2 =	rddreg [dreg:$0x5];
	v18 =	vld [tilespmem:$0x1FF80]  }
0x3aa: {  	s29 =	rddreg [dreg:$0x4];
	v19 =	vld [tilespmem:$0x1FF90];
	s2 =	sadd.s32 $0x1, s2  }
0x3ab: {  	v20 =	vld [tilespmem:$0x1FFA0];
	p0 =	sne.s32 s2, s29  }
.Ltmp4:
0x3ac: {  	v21 =	vld [tilespmem:$0x1FFB0];
	(pc) =	sbr.rel @p0 .LBB2_1-.Ltmp4, $4  }
0x3ad: {  	v22 =	vld [tilespmem:$0x1FFC0]  }
0x3ae: {  	v23 =	vld [tilespmem:$0x1FFD0]  }
0x3af: {  	[sflag:s1] =	ssyncset.done $0x0;
	v24 =	vld [tilespmem:$0x1FFE0]  }
0x3b0: {  	v25 =	vld [tilespmem:$0x1FFF0];
	[sflag:s1] =	ssyncadd.s32 $0xFFFFFC00  }
0x3b1: {  	_ =	sfence.sel $0x180000  }
0x3b2: {  	[bflag:$0x0] =	sbarrier.arrive $0xFFFF  }
0x3b3: {  	_ =	strace $0x90000047  }
0x3b4: {  	s0 =	stileid.u32;
	[bflag:$0x2] =	sbarrier.arrive $0xFFFF  }
0x3b5: {  	p0 =	sne.s32 s0, $0x0;
	s0 =	rddreg [dreg:$0x2]  }
0x3b6: {  	s0 =	sadd.s32 @!p0 $0x100000, s0  }
0x3b7: {  	[sflag:s0] =	ssyncadd.tile.s32 @!p0 $0x1;
	_ =	shalt  }
.Lfunc_end2:
_tile_overlayer_lowered:
.L_overlay_start_2:
0x3b8: {  	(tag) =	ssettag $0x2  }
0x3b9: {  	s0 =	rddreg [dreg:$0x0];
	s2 =	stileid.u32  }
0x3ba: {  	s1 =	rddreg [dreg:$0x1];
	p0 =	sne.s32 s2, $0x0  }
0x3bb: {  	s3 =	rddreg [dreg:$0x2];
	[bflag:$0x3] =	sbarrier.arrive $0xFFFF;
	s2 =	simm.s32 @!p0 $0x1C05  }
0x3bc: {  	[timem:s3], [sflag:s2] =	dma.local @!p0 [hbm:s0], s1  }
0x3bd: {  	s0 =	simm.s32 @!p0 $0x5  }
0x3be: {  	_ =	swait.ge @!p0 [sflag:s0], s1  }
0x3bf: {  	s1 =	ssub.s32 @!p0 $0x0, s1;
	[sflag:s0] =	ssyncset.done @!p0 $0x0  }
0x3c0: {  	[sflag:s0] =	ssyncadd.s32 @!p0 s1  }
0x3c1: {  	[bflag:$0x3] =	sbarrier.arrive $0xFFFF  }
0x3c2: {  	_ =	shalt  }

</sc_bundles>
